<compile_context>
chip_gen: v7x
topology: tpu7x:2x2x1
jax: 0.10.2.dev20260603
libtpu: 0.0.44.dev20260713+nightly
codegen_flags: <defaults>
</compile_context>

<pallas_src>
import functools

import jax
import jax.numpy as jnp
from jax import lax
from jax.experimental import pallas as pl
from jax.experimental.pallas import tpu as pltpu
from jax.experimental.pallas import tpu_sc as plsc

B, S, D = 4, 2048, 1024
_NC = 2
_NW = 32
_SPW = S // _NW
_NSETS = 2
_GROWS = 8
_PEROWS = 32
_GPC = _PEROWS // _GROWS
_NG = _SPW // _GROWS

_XBUF = pltpu.VMEM((_GROWS, D), jnp.float32)
_DSEM = pltpu.SemaphoreType.DMA


@functools.partial(
    pl.kernel,
    mesh=plsc.VectorSubcoreMesh(core_axis_name="c", subcore_axis_name="s"),
    out_type=jax.ShapeDtypeStruct((B, S, D), jnp.float32),
    scratch_types=(
        [pltpu.VMEM((_PEROWS, D), jnp.float32)]
        + [_XBUF] * (_NSETS * B)
        + [_DSEM] * (_NSETS * B)
        + [_DSEM] * (_NSETS * B)
    ),
)
def _sc_add(x_hbm, pe_hbm, out_hbm, pe_v, *bufs_and_sems):
    nb = _NSETS * B
    xbufs = bufs_and_sems[:nb]
    sins = bufs_and_sems[nb : 2 * nb]
    souts = bufs_and_sems[2 * nb : 3 * nb]
    sets = [
        (xbufs[s * B : (s + 1) * B], sins[s * B : (s + 1) * B],
         souts[s * B : (s + 1) * B])
        for s in range(_NSETS)
    ]
    wid = lax.axis_index("s") * _NC + lax.axis_index("c")
    base = wid * _SPW
    in_dma = [None] * _NSETS
    out_dma = [None] * _NSETS

    def issue_in(k, si):
        xb, sin, _ = sets[si]
        row = base + k * _GROWS
        return [
            pltpu.async_copy(x_hbm.at[b, pl.ds(row, _GROWS)], xb[b], sin[b])
            for b in range(B)
        ]

    in_dma[0] = issue_in(0, 0)
    pltpu.sync_copy(pe_hbm.at[pl.ds(base, _PEROWS)], pe_v)
    for k in range(_NG):
        si = k % _NSETS
        xb, _, sout = sets[si]
        if k > 0 and k % _GPC == 0:
            pltpu.sync_copy(
                pe_hbm.at[pl.ds(base + (k // _GPC) * _PEROWS, _PEROWS)], pe_v
            )
        for d in in_dma[si]:
            d.wait()
        if k + 1 < _NG:
            nxt = (k + 1) % _NSETS
            if out_dma[nxt] is not None:
                for d in out_dma[nxt]:
                    d.wait()
            in_dma[nxt] = issue_in(k + 1, nxt)

        prow = (k % _GPC) * _GROWS

        @plsc.parallel_loop(0, _GROWS * D, step=16, unroll=4)
        def add_body(i, xb=xb, prow=prow):
            r = i >> 10
            c = pl.multiple_of(i & (D - 1), 16)
            pv = pe_v[prow + r, pl.ds(c, 16)]
            for b in range(B):
                xb[b][r, pl.ds(c, 16)] = xb[b][r, pl.ds(c, 16)] + pv

        row = base + k * _GROWS
        out_dma[si] = [
            pltpu.async_copy(xb[b], out_hbm.at[b, pl.ds(row, _GROWS)], sout[b])
            for b in range(B)
        ]
    for dl in out_dma:
        if dl is not None:
            for d in dl:
                d.wait()


def kernel(x, pe):
    return _sc_add(x, pe[:S])

# --- scband reference (transcript-rebuilt; emitter-appended) ---
"""Pipeline reference for scband-learnable-positional-encoding-6382321402113 (READ-ONLY COPY).

The authoritative reference and input builder live on the scoring server;
editing this copy changes nothing except your own understanding.
"""

import jax, jax.numpy as jnp
import numpy as np

D_MODEL = 1024
MAX_LEN = 2048
BATCH = 4
SEQ = 2048

def setup_inputs(seed: int = 0) -> dict:
    key = jax.random.key(seed)
    k1, k2 = jax.random.split(key)
    x = jax.random.normal(k1, (BATCH, SEQ, D_MODEL), dtype=jnp.float32)
    pe = jax.random.normal(k2, (MAX_LEN, D_MODEL), dtype=jnp.float32) * 0.02
    return {"x": x, "pe": pe}

def reference(x, pe):
    # positions = arange(0, x.size(1)).unsqueeze(0); return x + self.pe(positions)
    seq_len = x.shape[1]
    positions = jnp.arange(seq_len)  # [S]
    pos_emb = jnp.take(pe, positions, axis=0)  # [S, D]
    return x + pos_emb[None, :, :]

if __name__ == "__main__":
    import jax
    _d = setup_inputs()
    print(jax.jit(kernel)(*tuple(_d.values())))

</pallas_src>

<mosaic_0001>
#map = affine_map<(d0, d1) -> (0, 0, 0)>
#map1 = affine_map<(d0, d1) -> (0, 0)>
module attributes {stable_mosaic.version = 14 : i64} {
  func.func @_sc_add(%arg0: i32, %arg1: i32, %arg2: memref<4x2048x1024xf32, #tpu.memory_space<hbm>>, %arg3: memref<2048x1024xf32, #tpu.memory_space<hbm>>, %arg4: memref<4x2048x1024xf32, #tpu.memory_space<hbm>>, %arg5: memref<32x1024xf32, #tpu.memory_space<vmem>>, %arg6: memref<8x1024xf32, #tpu.memory_space<vmem>>, %arg7: memref<8x1024xf32, #tpu.memory_space<vmem>>, %arg8: memref<8x1024xf32, #tpu.memory_space<vmem>>, %arg9: memref<8x1024xf32, #tpu.memory_space<vmem>>, %arg10: memref<8x1024xf32, #tpu.memory_space<vmem>>, %arg11: memref<8x1024xf32, #tpu.memory_space<vmem>>, %arg12: memref<8x1024xf32, #tpu.memory_space<vmem>>, %arg13: memref<8x1024xf32, #tpu.memory_space<vmem>>, %arg14: memref<!tpu.dma_semaphore, #tpu.memory_space<semaphore_mem>>, %arg15: memref<!tpu.dma_semaphore, #tpu.memory_space<semaphore_mem>>, %arg16: memref<!tpu.dma_semaphore, #tpu.memory_space<semaphore_mem>>, %arg17: memref<!tpu.dma_semaphore, #tpu.memory_space<semaphore_mem>>, %arg18: memref<!tpu.dma_semaphore, #tpu.memory_space<semaphore_mem>>, %arg19: memref<!tpu.dma_semaphore, #tpu.memory_space<semaphore_mem>>, %arg20: memref<!tpu.dma_semaphore, #tpu.memory_space<semaphore_mem>>, %arg21: memref<!tpu.dma_semaphore, #tpu.memory_space<semaphore_mem>>, %arg22: memref<!tpu.dma_semaphore, #tpu.memory_space<semaphore_mem>>, %arg23: memref<!tpu.dma_semaphore, #tpu.memory_space<semaphore_mem>>, %arg24: memref<!tpu.dma_semaphore, #tpu.memory_space<semaphore_mem>>, %arg25: memref<!tpu.dma_semaphore, #tpu.memory_space<semaphore_mem>>, %arg26: memref<!tpu.dma_semaphore, #tpu.memory_space<semaphore_mem>>, %arg27: memref<!tpu.dma_semaphore, #tpu.memory_space<semaphore_mem>>, %arg28: memref<!tpu.dma_semaphore, #tpu.memory_space<semaphore_mem>>, %arg29: memref<!tpu.dma_semaphore, #tpu.memory_space<semaphore_mem>>) attributes {dimension_semantics = [#tpu.dimension_semantics<core_parallel>, #tpu.dimension_semantics<subcore_parallel>], iteration_bounds = array<i64: 2, 16>, scalar_prefetch = 0 : i64, scratch_operands = 25 : i64, tpu.core_type = #tpu.core_type<sc_vector_subcore>, window_params = [{transform_indices = #map}, {transform_indices = #map1}, {transform_indices = #map}]} {
    %mul3A = arith.constant 2 : i32
    %mul3A_0 = arith.muli %arg1, %mul3A : i32
    %add3A = arith.addi %mul3A_0, %arg0 : i32
    %mul3A_1 = arith.constant 64 : i32
    %mul3A_2 = arith.muli %add3A, %mul3A_1 : i32
    %add3A_3 = arith.constant 0 : i32
    %add3A_4 = arith.addi %mul3A_2, %add3A_3 : i32
    %dma_start3A = arith.constant 0 : i32
    %dma_start3A_5 = arith.constant 0 : i32
    %dma_start3A_6 = tpu.memref_slice %arg2[%dma_start3A, %add3A_4, %dma_start3A_5] : memref<4x2048x1024xf32, #tpu.memory_space<hbm>> -> memref<1x8x1024xf32, #tpu.memory_space<hbm>>
    %dma_start3A_7 = tpu.memref_squeeze %dma_start3A_6 : memref<1x8x1024xf32, #tpu.memory_space<hbm>> -> memref<8x1024xf32, #tpu.memory_space<hbm>>
    %dma_start3A_8 = arith.constant 0 : i32
    %dma_start3A_9 = tpu.memref_slice %arg2[%dma_start3A, %add3A_4, %dma_start3A_8] : memref<4x2048x1024xf32, #tpu.memory_space<hbm>> -> memref<1x8x1024xf32, #tpu.memory_space<hbm>>
    %dma_start3A_10 = tpu.memref_squeeze %dma_start3A_9 : memref<1x8x1024xf32, #tpu.memory_space<hbm>> -> memref<8x1024xf32, #tpu.memory_space<hbm>>
    tpu.enqueue_dma source(%dma_start3A_10 : memref<8x1024xf32, #tpu.memory_space<hbm>>) target(%arg6 : memref<8x1024xf32, #tpu.memory_space<vmem>>) target_semaphore(%arg14 : memref<!tpu.dma_semaphore, #tpu.memory_space<semaphore_mem>>)
    %dma_start3A_11 = arith.constant 1 : i32
    %dma_start3A_12 = arith.constant 0 : i32
    %dma_start3A_13 = tpu.memref_slice %arg2[%dma_start3A_11, %add3A_4, %dma_start3A_12] : memref<4x2048x1024xf32, #tpu.memory_space<hbm>> -> memref<1x8x1024xf32, #tpu.memory_space<hbm>>
    %dma_start3A_14 = tpu.memref_squeeze %dma_start3A_13 : memref<1x8x1024xf32, #tpu.memory_space<hbm>> -> memref<8x1024xf32, #tpu.memory_space<hbm>>
    %dma_start3A_15 = arith.constant 0 : i32
    %dma_start3A_16 = tpu.memref_slice %arg2[%dma_start3A_11, %add3A_4, %dma_start3A_15] : memref<4x2048x1024xf32, #tpu.memory_space<hbm>> -> memref<1x8x1024xf32, #tpu.memory_space<hbm>>
    %dma_start3A_17 = tpu.memref_squeeze %dma_start3A_16 : memref<1x8x1024xf32, #tpu.memory_space<hbm>> -> memref<8x1024xf32, #tpu.memory_space<hbm>>
    tpu.enqueue_dma source(%dma_start3A_17 : memref<8x1024xf32, #tpu.memory_space<hbm>>) target(%arg7 : memref<8x1024xf32, #tpu.memory_space<vmem>>) target_semaphore(%arg15 : memref<!tpu.dma_semaphore, #tpu.memory_space<semaphore_mem>>)
    %dma_start3A_18 = arith.constant 2 : i32
    %dma_start3A_19 = arith.constant 0 : i32
    %dma_start3A_20 = tpu.memref_slice %arg2[%dma_start3A_18, %add3A_4, %dma_start3A_19] : memref<4x2048x1024xf32, #tpu.memory_space<hbm>> -> memref<1x8x1024xf32, #tpu.memory_space<hbm>>
    %dma_start3A_21 = tpu.memref_squeeze %dma_start3A_20 : memref<1x8x1024xf32, #tpu.memory_space<hbm>> -> memref<8x1024xf32, #tpu.memory_space<hbm>>
    %dma_start3A_22 = arith.constant 0 : i32
    %dma_start3A_23 = tpu.memref_slice %arg2[%dma_start3A_18, %add3A_4, %dma_start3A_22] : memref<4x2048x1024xf32, #tpu.memory_space<hbm>> -> memref<1x8x1024xf32, #tpu.memory_space<hbm>>
    %dma_start3A_24 = tpu.memref_squeeze %dma_start3A_23 : memref<1x8x1024xf32, #tpu.memory_space<hbm>> -> memref<8x1024xf32, #tpu.memory_space<hbm>>
    tpu.enqueue_dma source(%dma_start3A_24 : memref<8x1024xf32, #tpu.memory_space<hbm>>) target(%arg8 : memref<8x1024xf32, #tpu.memory_space<vmem>>) target_semaphore(%arg16 : memref<!tpu.dma_semaphore, #tpu.memory_space<semaphore_mem>>)
    %dma_start3A_25 = arith.constant 3 : i32
    %dma_start3A_26 = arith.constant 0 : i32
    %dma_start3A_27 = tpu.memref_slice %arg2[%dma_start3A_25, %add3A_4, %dma_start3A_26] : memref<4x2048x1024xf32, #tpu.memory_space<hbm>> -> memref<1x8x1024xf32, #tpu.memory_space<hbm>>
    %dma_start3A_28 = tpu.memref_squeeze %dma_start3A_27 : memref<1x8x1024xf32, #tpu.memory_space<hbm>> -> memref<8x1024xf32, #tpu.memory_space<hbm>>
    %dma_start3A_29 = arith.constant 0 : i32
    %dma_start3A_30 = tpu.memref_slice %arg2[%dma_start3A_25, %add3A_4, %dma_start3A_29] : memref<4x2048x1024xf32, #tpu.memory_space<hbm>> -> memref<1x8x1024xf32, #tpu.memory_space<hbm>>
    %dma_start3A_31 = tpu.memref_squeeze %dma_start3A_30 : memref<1x8x1024xf32, #tpu.memory_space<hbm>> -> memref<8x1024xf32, #tpu.memory_space<hbm>>
    tpu.enqueue_dma source(%dma_start3A_31 : memref<8x1024xf32, #tpu.memory_space<hbm>>) target(%arg9 : memref<8x1024xf32, #tpu.memory_space<vmem>>) target_semaphore(%arg17 : memref<!tpu.dma_semaphore, #tpu.memory_space<semaphore_mem>>)
    "tpu.region"() ({
      %run_scoped3A = tpu.sem_alloc : memref<!tpu.dma_semaphore, #tpu.memory_space<semaphore_mem>>
      %dma_start3A_954 = arith.constant 0 : i32
      %dma_start3A_955 = tpu.memref_slice %arg3[%mul3A_2, %dma_start3A_954] : memref<2048x1024xf32, #tpu.memory_space<hbm>> -> memref<32x1024xf32, #tpu.memory_space<hbm>>
      %dma_start3A_956 = arith.constant 0 : i32
      %dma_start3A_957 = tpu.memref_slice %arg3[%mul3A_2, %dma_start3A_956] : memref<2048x1024xf32, #tpu.memory_space<hbm>> -> memref<32x1024xf32, #tpu.memory_space<hbm>>
      tpu.enqueue_dma source(%dma_start3A_957 : memref<32x1024xf32, #tpu.memory_space<hbm>>) target(%arg5 : memref<32x1024xf32, #tpu.memory_space<vmem>>) target_semaphore(%run_scoped3A : memref<!tpu.dma_semaphore, #tpu.memory_space<semaphore_mem>>)
      %dma_wait3A_958 = arith.constant 0 : i32
      %dma_wait3A_959 = tpu.memref_slice %arg3[%mul3A_2, %dma_wait3A_958] : memref<2048x1024xf32, #tpu.memory_space<hbm>> -> memref<32x1024xf32, #tpu.memory_space<hbm>>
      %dma_wait3A_960 = arith.constant 0 : i32
      %dma_wait3A_961 = tpu.memref_slice %arg3[%mul3A_2, %dma_wait3A_960] : memref<2048x1024xf32, #tpu.memory_space<hbm>> -> memref<32x1024xf32, #tpu.memory_space<hbm>>
      tpu.wait_dma2 semaphore(%run_scoped3A : memref<!tpu.dma_semaphore, #tpu.memory_space<semaphore_mem>>) src(%dma_wait3A_961 : memref<32x1024xf32, #tpu.memory_space<hbm>>) dst(%arg5 : memref<32x1024xf32, #tpu.memory_space<vmem>>)
      tpu.yield
    }) : () -> ()
    %dma_wait3A = arith.constant 0 : i32
    %dma_wait3A_32 = arith.constant 0 : i32
    %dma_wait3A_33 = tpu.memref_slice %arg2[%dma_wait3A, %add3A_4, %dma_wait3A_32] : memref<4x2048x1024xf32, #tpu.memory_space<hbm>> -> memref<1x8x1024xf32, #tpu.memory_space<hbm>>
    %dma_wait3A_34 = tpu.memref_squeeze %dma_wait3A_33 : memref<1x8x1024xf32, #tpu.memory_space<hbm>> -> memref<8x1024xf32, #tpu.memory_space<hbm>>
    %dma_wait3A_35 = arith.constant 0 : i32
    %dma_wait3A_36 = tpu.memref_slice %arg2[%dma_wait3A, %add3A_4, %dma_wait3A_35] : memref<4x2048x1024xf32, #tpu.memory_space<hbm>> -> memref<1x8x1024xf32, #tpu.memory_space<hbm>>
    %dma_wait3A_37 = tpu.memref_squeeze %dma_wait3A_36 : memref<1x8x1024xf32, #tpu.memory_space<hbm>> -> memref<8x1024xf32, #tpu.memory_space<hbm>>
    tpu.wait_dma2 semaphore(%arg14 : memref<!tpu.dma_semaphore, #tpu.memory_space<semaphore_mem>>) src(%dma_wait3A_37 : memref<8x1024xf32, #tpu.memory_space<hbm>>) dst(%arg6 : memref<8x1024xf32, #tpu.memory_space<vmem>>)
    %dma_wait3A_38 = arith.constant 1 : i32
    %dma_wait3A_39 = arith.constant 0 : i32
    %dma_wait3A_40 = tpu.memref_slice %arg2[%dma_wait3A_38, %add3A_4, %dma_wait3A_39] : memref<4x2048x1024xf32, #tpu.memory_space<hbm>> -> memref<1x8x1024xf32, #tpu.memory_space<hbm>>
    %dma_wait3A_41 = tpu.memref_squeeze %dma_wait3A_40 : memref<1x8x1024xf32, #tpu.memory_space<hbm>> -> memref<8x1024xf32, #tpu.memory_space<hbm>>
    %dma_wait3A_42 = arith.constant 0 : i32
    %dma_wait3A_43 = tpu.memref_slice %arg2[%dma_wait3A_38, %add3A_4, %dma_wait3A_42] : memref<4x2048x1024xf32, #tpu.memory_space<hbm>> -> memref<1x8x1024xf32, #tpu.memory_space<hbm>>
    %dma_wait3A_44 = tpu.memref_squeeze %dma_wait3A_43 : memref<1x8x1024xf32, #tpu.memory_space<hbm>> -> memref<8x1024xf32, #tpu.memory_space<hbm>>
    tpu.wait_dma2 semaphore(%arg15 : memref<!tpu.dma_semaphore, #tpu.memory_space<semaphore_mem>>) src(%dma_wait3A_44 : memref<8x1024xf32, #tpu.memory_space<hbm>>) dst(%arg7 : memref<8x1024xf32, #tpu.memory_space<vmem>>)
    %dma_wait3A_45 = arith.constant 2 : i32
    %dma_wait3A_46 = arith.constant 0 : i32
    %dma_wait3A_47 = tpu.memref_slice %arg2[%dma_wait3A_45, %add3A_4, %dma_wait3A_46] : memref<4x2048x1024xf32, #tpu.memory_space<hbm>> -> memref<1x8x1024xf32, #tpu.memory_space<hbm>>
    %dma_wait3A_48 = tpu.memref_squeeze %dma_wait3A_47 : memref<1x8x1024xf32, #tpu.memory_space<hbm>> -> memref<8x1024xf32, #tpu.memory_space<hbm>>
    %dma_wait3A_49 = arith.constant 0 : i32
    %dma_wait3A_50 = tpu.memref_slice %arg2[%dma_wait3A_45, %add3A_4, %dma_wait3A_49] : memref<4x2048x1024xf32, #tpu.memory_space<hbm>> -> memref<1x8x1024xf32, #tpu.memory_space<hbm>>
    %dma_wait3A_51 = tpu.memref_squeeze %dma_wait3A_50 : memref<1x8x1024xf32, #tpu.memory_space<hbm>> -> memref<8x1024xf32, #tpu.memory_space<hbm>>
    tpu.wait_dma2 semaphore(%arg16 : memref<!tpu.dma_semaphore, #tpu.memory_space<semaphore_mem>>) src(%dma_wait3A_51 : memref<8x1024xf32, #tpu.memory_space<hbm>>) dst(%arg8 : memref<8x1024xf32, #tpu.memory_space<vmem>>)
    %dma_wait3A_52 = arith.constant 3 : i32
    %dma_wait3A_53 = arith.constant 0 : i32
    %dma_wait3A_54 = tpu.memref_slice %arg2[%dma_wait3A_52, %add3A_4, %dma_wait3A_53] : memref<4x2048x1024xf32, #tpu.memory_space<hbm>> -> memref<1x8x1024xf32, #tpu.memory_space<hbm>>
    %dma_wait3A_55 = tpu.memref_squeeze %dma_wait3A_54 : memref<1x8x1024xf32, #tpu.memory_space<hbm>> -> memref<8x1024xf32, #tpu.memory_space<hbm>>
    %dma_wait3A_56 = arith.constant 0 : i32
    %dma_wait3A_57 = tpu.memref_slice %arg2[%dma_wait3A_52, %add3A_4, %dma_wait3A_56] : memref<4x2048x1024xf32, #tpu.memory_space<hbm>> -> memref<1x8x1024xf32, #tpu.memory_space<hbm>>
    %dma_wait3A_58 = tpu.memref_squeeze %dma_wait3A_57 : memref<1x8x1024xf32, #tpu.memory_space<hbm>> -> memref<8x1024xf32, #tpu.memory_space<hbm>>
    tpu.wait_dma2 semaphore(%arg17 : memref<!tpu.dma_semaphore, #tpu.memory_space<semaphore_mem>>) src(%dma_wait3A_58 : memref<8x1024xf32, #tpu.memory_space<hbm>>) dst(%arg9 : memref<8x1024xf32, #tpu.memory_space<vmem>>)
    %add3A_59 = arith.constant 8 : i32
    %add3A_60 = arith.addi %mul3A_2, %add3A_59 : i32
    %dma_start3A_61 = arith.constant 0 : i32
    %dma_start3A_62 = arith.constant 0 : i32
    %dma_start3A_63 = tpu.memref_slice %arg2[%dma_start3A_61, %add3A_60, %dma_start3A_62] : memref<4x2048x1024xf32, #tpu.memory_space<hbm>> -> memref<1x8x1024xf32, #tpu.memory_space<hbm>>
    %dma_start3A_64 = tpu.memref_squeeze %dma_start3A_63 : memref<1x8x1024xf32, #tpu.memory_space<hbm>> -> memref<8x1024xf32, #tpu.memory_space<hbm>>
    %dma_start3A_65 = arith.constant 0 : i32
    %dma_start3A_66 = tpu.memref_slice %arg2[%dma_start3A_61, %add3A_60, %dma_start3A_65] : memref<4x2048x1024xf32, #tpu.memory_space<hbm>> -> memref<1x8x1024xf32, #tpu.memory_space<hbm>>
    %dma_start3A_67 = tpu.memref_squeeze %dma_start3A_66 : memref<1x8x1024xf32, #tpu.memory_space<hbm>> -> memref<8x1024xf32, #tpu.memory_space<hbm>>
    tpu.enqueue_dma source(%dma_start3A_67 : memref<8x1024xf32, #tpu.memory_space<hbm>>) target(%arg10 : memref<8x1024xf32, #tpu.memory_space<vmem>>) target_semaphore(%arg18 : memref<!tpu.dma_semaphore, #tpu.memory_space<semaphore_mem>>)
    %dma_start3A_68 = arith.constant 1 : i32
    %dma_start3A_69 = arith.constant 0 : i32
    %dma_start3A_70 = tpu.memref_slice %arg2[%dma_start3A_68, %add3A_60, %dma_start3A_69] : memref<4x2048x1024xf32, #tpu.memory_space<hbm>> -> memref<1x8x1024xf32, #tpu.memory_space<hbm>>
    %dma_start3A_71 = tpu.memref_squeeze %dma_start3A_70 : memref<1x8x1024xf32, #tpu.memory_space<hbm>> -> memref<8x1024xf32, #tpu.memory_space<hbm>>
    %dma_start3A_72 = arith.constant 0 : i32
    %dma_start3A_73 = tpu.memref_slice %arg2[%dma_start3A_68, %add3A_60, %dma_start3A_72] : memref<4x2048x1024xf32, #tpu.memory_space<hbm>> -> memref<1x8x1024xf32, #tpu.memory_space<hbm>>
    %dma_start3A_74 = tpu.memref_squeeze %dma_start3A_73 : memref<1x8x1024xf32, #tpu.memory_space<hbm>> -> memref<8x1024xf32, #tpu.memory_space<hbm>>
    tpu.enqueue_dma source(%dma_start3A_74 : memref<8x1024xf32, #tpu.memory_space<hbm>>) target(%arg11 : memref<8x1024xf32, #tpu.memory_space<vmem>>) target_semaphore(%arg19 : memref<!tpu.dma_semaphore, #tpu.memory_space<semaphore_mem>>)
    %dma_start3A_75 = arith.constant 2 : i32
    %dma_start3A_76 = arith.constant 0 : i32
    %dma_start3A_77 = tpu.memref_slice %arg2[%dma_start3A_75, %add3A_60, %dma_start3A_76] : memref<4x2048x1024xf32, #tpu.memory_space<hbm>> -> memref<1x8x1024xf32, #tpu.memory_space<hbm>>
    %dma_start3A_78 = tpu.memref_squeeze %dma_start3A_77 : memref<1x8x1024xf32, #tpu.memory_space<hbm>> -> memref<8x1024xf32, #tpu.memory_space<hbm>>
    %dma_start3A_79 = arith.constant 0 : i32
    %dma_start3A_80 = tpu.memref_slice %arg2[%dma_start3A_75, %add3A_60, %dma_start3A_79] : memref<4x2048x1024xf32, #tpu.memory_space<hbm>> -> memref<1x8x1024xf32, #tpu.memory_space<hbm>>
    %dma_start3A_81 = tpu.memref_squeeze %dma_start3A_80 : memref<1x8x1024xf32, #tpu.memory_space<hbm>> -> memref<8x1024xf32, #tpu.memory_space<hbm>>
    tpu.enqueue_dma source(%dma_start3A_81 : memref<8x1024xf32, #tpu.memory_space<hbm>>) target(%arg12 : memref<8x1024xf32, #tpu.memory_space<vmem>>) target_semaphore(%arg20 : memref<!tpu.dma_semaphore, #tpu.memory_space<semaphore_mem>>)
    %dma_start3A_82 = arith.constant 3 : i32
    %dma_start3A_83 = arith.constant 0 : i32
    %dma_start3A_84 = tpu.memref_slice %arg2[%dma_start3A_82, %add3A_60, %dma_start3A_83] : memref<4x2048x1024xf32, #tpu.memory_space<hbm>> -> memref<1x8x1024xf32, #tpu.memory_space<hbm>>
    %dma_start3A_85 = tpu.memref_squeeze %dma_start3A_84 : memref<1x8x1024xf32, #tpu.memory_space<hbm>> -> memref<8x1024xf32, #tpu.memory_space<hbm>>
    %dma_start3A_86 = arith.constant 0 : i32
    %dma_start3A_87 = tpu.memref_slice %arg2[%dma_start3A_82, %add3A_60, %dma_start3A_86] : memref<4x2048x1024xf32, #tpu.memory_space<hbm>> -> memref<1x8x1024xf32, #tpu.memory_space<hbm>>
    %dma_start3A_88 = tpu.memref_squeeze %dma_start3A_87 : memref<1x8x1024xf32, #tpu.memory_space<hbm>> -> memref<8x1024xf32, #tpu.memory_space<hbm>>
    tpu.enqueue_dma source(%dma_start3A_88 : memref<8x1024xf32, #tpu.memory_space<hbm>>) target(%arg13 : memref<8x1024xf32, #tpu.memory_space<vmem>>) target_semaphore(%arg21 : memref<!tpu.dma_semaphore, #tpu.memory_space<semaphore_mem>>)
    %parallel_loop3A = arith.constant 0 : i32
    %parallel_loop3A_89 = arith.constant 8192 : i32
    %parallel_loop3A_90 = arith.constant 16 : i32
    scf.for %parallel_loop3A_954 = %parallel_loop3A to %parallel_loop3A_89 step %parallel_loop3A_90  : i32 {
      %parallel_loop3A_955 = arith.constant 10 : i32
      %parallel_loop3A_956 = arith.shrsi %parallel_loop3A_954, %parallel_loop3A_955 : i32
      %parallel_loop3A_957 = arith.constant 1023 : i32
      %parallel_loop3A_958 = arith.andi %parallel_loop3A_954, %parallel_loop3A_957 : i32
      %parallel_loop3A_959 = tpu.assume_multiple %parallel_loop3A_958, 16 : i32
      %parallel_loop3A_960 = arith.constant 0 : i32
      %parallel_loop3A_961 = arith.addi %parallel_loop3A_960, %parallel_loop3A_956 : i32
      %parallel_loop3A_962 = arith.index_cast %parallel_loop3A_961 : i32 to index
      %parallel_loop3A_963 = arith.index_cast %parallel_loop3A_959 : i32 to index
      %parallel_loop3A_964 = tpu.vector_load %arg5[%parallel_loop3A_962, %parallel_loop3A_963] {strides = array<i32>} : memref<32x1024xf32, #tpu.memory_space<vmem>>, vector<1x16xf32>,
      %parallel_loop3A_965 = vector.shape_cast %parallel_loop3A_964 : vector<1x16xf32> to vector<16xf32>
      %parallel_loop3A_966 = arith.index_cast %parallel_loop3A_956 : i32 to index
      %parallel_loop3A_967 = arith.index_cast %parallel_loop3A_959 : i32 to index
      %parallel_loop3A_968 = tpu.vector_load %arg6[%parallel_loop3A_966, %parallel_loop3A_967] {strides = array<i32>} : memref<8x1024xf32, #tpu.memory_space<vmem>>, vector<1x16xf32>,
      %parallel_loop3A_969 = vector.shape_cast %parallel_loop3A_968 : vector<1x16xf32> to vector<16xf32>
      %parallel_loop3A_970 = arith.addf %parallel_loop3A_969, %parallel_loop3A_965 : vector<16xf32>
      %parallel_loop3A_971 = arith.index_cast %parallel_loop3A_956 : i32 to index
      %parallel_loop3A_972 = arith.index_cast %parallel_loop3A_959 : i32 to index
      %parallel_loop3A_973 = tpu.vector_load %arg6[%parallel_loop3A_971, %parallel_loop3A_972] {strides = array<i32>} : memref<8x1024xf32, #tpu.memory_space<vmem>>, vector<1x16xf32>,
      %parallel_loop3A_974 = vector.shape_cast %parallel_loop3A_973 : vector<1x16xf32> to vector<16xf32>
      %parallel_loop3A_975 = vector.shape_cast %parallel_loop3A_970 : vector<16xf32> to vector<1x16xf32>
      tpu.vector_store %arg6[%parallel_loop3A_971, %parallel_loop3A_972], %parallel_loop3A_975 {strides = array<i32>} : memref<8x1024xf32, #tpu.memory_space<vmem>>, vector<1x16xf32>,
      %parallel_loop3A_976 = arith.index_cast %parallel_loop3A_956 : i32 to index
      %parallel_loop3A_977 = arith.index_cast %parallel_loop3A_959 : i32 to index
      %parallel_loop3A_978 = tpu.vector_load %arg7[%parallel_loop3A_976, %parallel_loop3A_977] {strides = array<i32>} : memref<8x1024xf32, #tpu.memory_space<vmem>>, vector<1x16xf32>,
      %parallel_loop3A_979 = vector.shape_cast %parallel_loop3A_978 : vector<1x16xf32> to vector<16xf32>
      %parallel_loop3A_980 = arith.addf %parallel_loop3A_979, %parallel_loop3A_965 : vector<16xf32>
      %parallel_loop3A_981 = arith.index_cast %parallel_loop3A_956 : i32 to index
      %parallel_loop3A_982 = arith.index_cast %parallel_loop3A_959 : i32 to index
      %parallel_loop3A_983 = tpu.vector_load %arg7[%parallel_loop3A_981, %parallel_loop3A_982] {strides = array<i32>} : memref<8x1024xf32, #tpu.memory_space<vmem>>, vector<1x16xf32>,
      %parallel_loop3A_984 = vector.shape_cast %parallel_loop3A_983 : vector<1x16xf32> to vector<16xf32>
      %parallel_loop3A_985 = vector.shape_cast %parallel_loop3A_980 : vector<16xf32> to vector<1x16xf32>
      tpu.vector_store %arg7[%parallel_loop3A_981, %parallel_loop3A_982], %parallel_loop3A_985 {strides = array<i32>} : memref<8x1024xf32, #tpu.memory_space<vmem>>, vector<1x16xf32>,
      %parallel_loop3A_986 = arith.index_cast %parallel_loop3A_956 : i32 to index
      %parallel_loop3A_987 = arith.index_cast %parallel_loop3A_959 : i32 to index
      %parallel_loop3A_988 = tpu.vector_load %arg8[%parallel_loop3A_986, %parallel_loop3A_987] {strides = array<i32>} : memref<8x1024xf32, #tpu.memory_space<vmem>>, vector<1x16xf32>,
      %parallel_loop3A_989 = vector.shape_cast %parallel_loop3A_988 : vector<1x16xf32> to vector<16xf32>
      %parallel_loop3A_990 = arith.addf %parallel_loop3A_989, %parallel_loop3A_965 : vector<16xf32>
      %parallel_loop3A_991 = arith.index_cast %parallel_loop3A_956 : i32 to index
      %parallel_loop3A_992 = arith.index_cast %parallel_loop3A_959 : i32 to index
      %parallel_loop3A_993 = tpu.vector_load %arg8[%parallel_loop3A_991, %parallel_loop3A_992] {strides = array<i32>} : memref<8x1024xf32, #tpu.memory_space<vmem>>, vector<1x16xf32>,
      %parallel_loop3A_994 = vector.shape_cast %parallel_loop3A_993 : vector<1x16xf32> to vector<16xf32>
      %parallel_loop3A_995 = vector.shape_cast %parallel_loop3A_990 : vector<16xf32> to vector<1x16xf32>
      tpu.vector_store %arg8[%parallel_loop3A_991, %parallel_loop3A_992], %parallel_loop3A_995 {strides = array<i32>} : memref<8x1024xf32, #tpu.memory_space<vmem>>, vector<1x16xf32>,
      %parallel_loop3A_996 = arith.index_cast %parallel_loop3A_956 : i32 to index
      %parallel_loop3A_997 = arith.index_cast %parallel_loop3A_959 : i32 to index
      %parallel_loop3A_998 = tpu.vector_load %arg9[%parallel_loop3A_996, %parallel_loop3A_997] {strides = array<i32>} : memref<8x1024xf32, #tpu.memory_space<vmem>>, vector<1x16xf32>,
      %parallel_loop3A_999 = vector.shape_cast %parallel_loop3A_998 : vector<1x16xf32> to vector<16xf32>
      %parallel_loop3A_1000 = arith.addf %parallel_loop3A_999, %parallel_loop3A_965 : vector<16xf32>
      %parallel_loop3A_1001 = arith.index_cast %parallel_loop3A_956 : i32 to index
      %parallel_loop3A_1002 = arith.index_cast %parallel_loop3A_959 : i32 to index
      %parallel_loop3A_1003 = tpu.vector_load %arg9[%parallel_loop3A_1001, %parallel_loop3A_1002] {strides = array<i32>} : memref<8x1024xf32, #tpu.memory_space<vmem>>, vector<1x16xf32>,
      %parallel_loop3A_1004 = vector.shape_cast %parallel_loop3A_1003 : vector<1x16xf32> to vector<16xf32>
      %parallel_loop3A_1005 = vector.shape_cast %parallel_loop3A_1000 : vector<16xf32> to vector<1x16xf32>
      tpu.vector_store %arg9[%parallel_loop3A_1001, %parallel_loop3A_1002], %parallel_loop3A_1005 {strides = array<i32>} : memref<8x1024xf32, #tpu.memory_space<vmem>>, vector<1x16xf32>,
    } {sc.loop_unroll_factor = 4 : i64, sc.parallel_access}
    %add3A_91 = arith.constant 0 : i32
    %add3A_92 = arith.addi %mul3A_2, %add3A_91 : i32
    %dma_start3A_93 = arith.constant 0 : i32
    %dma_start3A_94 = arith.constant 0 : i32
    %dma_start3A_95 = tpu.memref_slice %arg4[%dma_start3A_93, %add3A_92, %dma_start3A_94] : memref<4x2048x1024xf32, #tpu.memory_space<hbm>> -> memref<1x8x1024xf32, #tpu.memory_space<hbm>>
    %dma_start3A_96 = tpu.memref_squeeze %dma_start3A_95 : memref<1x8x1024xf32, #tpu.memory_space<hbm>> -> memref<8x1024xf32, #tpu.memory_space<hbm>>
    %dma_start3A_97 = arith.constant 0 : i32
    %dma_start3A_98 = tpu.memref_slice %arg4[%dma_start3A_93, %add3A_92, %dma_start3A_97] : memref<4x2048x1024xf32, #tpu.memory_space<hbm>> -> memref<1x8x1024xf32, #tpu.memory_space<hbm>>
    %dma_start3A_99 = tpu.memref_squeeze %dma_start3A_98 : memref<1x8x1024xf32, #tpu.memory_space<hbm>> -> memref<8x1024xf32, #tpu.memory_space<hbm>>
    tpu.enqueue_dma source(%arg6 : memref<8x1024xf32, #tpu.memory_space<vmem>>) target(%dma_start3A_99 : memref<8x1024xf32, #tpu.memory_space<hbm>>) target_semaphore(%arg22 : memref<!tpu.dma_semaphore, #tpu.memory_space<semaphore_mem>>)
    %dma_start3A_100 = arith.constant 1 : i32
    %dma_start3A_101 = arith.constant 0 : i32
    %dma_start3A_102 = tpu.memref_slice %arg4[%dma_start3A_100, %add3A_92, %dma_start3A_101] : memref<4x2048x1024xf32, #tpu.memory_space<hbm>> -> memref<1x8x1024xf32, #tpu.memory_space<hbm>>
    %dma_start3A_103 = tpu.memref_squeeze %dma_start3A_102 : memref<1x8x1024xf32, #tpu.memory_space<hbm>> -> memref<8x1024xf32, #tpu.memory_space<hbm>>
    %dma_start3A_104 = arith.constant 0 : i32
    %dma_start3A_105 = tpu.memref_slice %arg4[%dma_start3A_100, %add3A_92, %dma_start3A_104] : memref<4x2048x1024xf32, #tpu.memory_space<hbm>> -> memref<1x8x1024xf32, #tpu.memory_space<hbm>>
    %dma_start3A_106 = tpu.memref_squeeze %dma_start3A_105 : memref<1x8x1024xf32, #tpu.memory_space<hbm>> -> memref<8x1024xf32, #tpu.memory_space<hbm>>
    tpu.enqueue_dma source(%arg7 : memref<8x1024xf32, #tpu.memory_space<vmem>>) target(%dma_start3A_106 : memref<8x1024xf32, #tpu.memory_space<hbm>>) target_semaphore(%arg23 : memref<!tpu.dma_semaphore, #tpu.memory_space<semaphore_mem>>)
    %dma_start3A_107 = arith.constant 2 : i32
    %dma_start3A_108 = arith.constant 0 : i32
    %dma_start3A_109 = tpu.memref_slice %arg4[%dma_start3A_107, %add3A_92, %dma_start3A_108] : memref<4x2048x1024xf32, #tpu.memory_space<hbm>> -> memref<1x8x1024xf32, #tpu.memory_space<hbm>>
    %dma_start3A_110 = tpu.memref_squeeze %dma_start3A_109 : memref<1x8x1024xf32, #tpu.memory_space<hbm>> -> memref<8x1024xf32, #tpu.memory_space<hbm>>
    %dma_start3A_111 = arith.constant 0 : i32
    %dma_start3A_112 = tpu.memref_slice %arg4[%dma_start3A_107, %add3A_92, %dma_start3A_111] : memref<4x2048x1024xf32, #tpu.memory_space<hbm>> -> memref<1x8x1024xf32, #tpu.memory_space<hbm>>
    %dma_start3A_113 = tpu.memref_squeeze %dma_start3A_112 : memref<1x8x1024xf32, #tpu.memory_space<hbm>> -> memref<8x1024xf32, #tpu.memory_space<hbm>>
    tpu.enqueue_dma source(%arg8 : memref<8x1024xf32, #tpu.memory_space<vmem>>) target(%dma_start3A_113 : memref<8x1024xf32, #tpu.memory_space<hbm>>) target_semaphore(%arg24 : memref<!tpu.dma_semaphore, #tpu.memory_space<semaphore_mem>>)
    %dma_start3A_114 = arith.constant 3 : i32
    %dma_start3A_115 = arith.constant 0 : i32
    %dma_start3A_116 = tpu.memref_slice %arg4[%dma_start3A_114, %add3A_92, %dma_start3A_115] : memref<4x2048x1024xf32, #tpu.memory_space<hbm>> -> memref<1x8x1024xf32, #tpu.memory_space<hbm>>
    %dma_start3A_117 = tpu.memref_squeeze %dma_start3A_116 : memref<1x8x1024xf32, #tpu.memory_space<hbm>> -> memref<8x1024xf32, #tpu.memory_space<hbm>>
    %dma_start3A_118 = arith.constant 0 : i32
    %dma_start3A_119 = tpu.memref_slice %arg4[%dma_start3A_114, %add3A_92, %dma_start3A_118] : memref<4x2048x1024xf32, #tpu.memory_space<hbm>> -> memref<1x8x1024xf32, #tpu.memory_space<hbm>>
    %dma_start3A_120 = tpu.memref_squeeze %dma_start3A_119 : memref<1x8x1024xf32, #tpu.memory_space<hbm>> -> memref<8x1024xf32, #tpu.memory_space<hbm>>
    tpu.enqueue_dma source(%arg9 : memref<8x1024xf32, #tpu.memory_space<vmem>>) target(%dma_start3A_120 : memref<8x1024xf32, #tpu.memory_space<hbm>>) target_semaphore(%arg25 : memref<!tpu.dma_semaphore, #tpu.memory_space<semaphore_mem>>)
    %dma_wait3A_121 = arith.constant 0 : i32
    %dma_wait3A_122 = arith.constant 0 : i32
    %dma_wait3A_123 = tpu.memref_slice %arg2[%dma_wait3A_121, %add3A_60, %dma_wait3A_122] : memref<4x2048x1024xf32, #tpu.memory_space<hbm>> -> memref<1x8x1024xf32, #tpu.memory_space<hbm>>
    %dma_wait3A_124 = tpu.memref_squeeze %dma_wait3A_123 : memref<1x8x1024xf32, #tpu.memory_space<hbm>> -> memref<8x1024xf32, #tpu.memory_space<hbm>>
    %dma_wait3A_125 = arith.constant 0 : i32
    %dma_wait3A_126 = tpu.memref_slice %arg2[%dma_wait3A_121, %add3A_60, %dma_wait3A_125] : memref<4x2048x1024xf32, #tpu.memory_space<hbm>> -> memref<1x8x1024xf32, #tpu.memory_space<hbm>>
    %dma_wait3A_127 = tpu.memref_squeeze %dma_wait3A_126 : memref<1x8x1024xf32, #tpu.memory_space<hbm>> -> memref<8x1024xf32, #tpu.memory_space<hbm>>
    tpu.wait_dma2 semaphore(%arg18 : memref<!tpu.dma_semaphore, #tpu.memory_space<semaphore_mem>>) src(%dma_wait3A_127 : memref<8x1024xf32, #tpu.memory_space<hbm>>) dst(%arg10 : memref<8x1024xf32, #tpu.memory_space<vmem>>)
    %dma_wait3A_128 = arith.constant 1 : i32
    %dma_wait3A_129 = arith.constant 0 : i32
    %dma_wait3A_130 = tpu.memref_slice %arg2[%dma_wait3A_128, %add3A_60, %dma_wait3A_129] : memref<4x2048x1024xf32, #tpu.memory_space<hbm>> -> memref<1x8x1024xf32, #tpu.memory_space<hbm>>
    %dma_wait3A_131 = tpu.memref_squeeze %dma_wait3A_130 : memref<1x8x1024xf32, #tpu.memory_space<hbm>> -> memref<8x1024xf32, #tpu.memory_space<hbm>>
    %dma_wait3A_132 = arith.constant 0 : i32
    %dma_wait3A_133 = tpu.memref_slice %arg2[%dma_wait3A_128, %add3A_60, %dma_wait3A_132] : memref<4x2048x1024xf32, #tpu.memory_space<hbm>> -> memref<1x8x1024xf32, #tpu.memory_space<hbm>>
    %dma_wait3A_134 = tpu.memref_squeeze %dma_wait3A_133 : memref<1x8x1024xf32, #tpu.memory_space<hbm>> -> memref<8x1024xf32, #tpu.memory_space<hbm>>
    tpu.wait_dma2 semaphore(%arg19 : memref<!tpu.dma_semaphore, #tpu.memory_space<semaphore_mem>>) src(%dma_wait3A_134 : memref<8x1024xf32, #tpu.memory_space<hbm>>) dst(%arg11 : memref<8x1024xf32, #tpu.memory_space<vmem>>)
    %dma_wait3A_135 = arith.constant 2 : i32
    %dma_wait3A_136 = arith.constant 0 : i32
    %dma_wait3A_137 = tpu.memref_slice %arg2[%dma_wait3A_135, %add3A_60, %dma_wait3A_136] : memref<4x2048x1024xf32, #tpu.memory_space<hbm>> -> memref<1x8x1024xf32, #tpu.memory_space<hbm>>
    %dma_wait3A_138 = tpu.memref_squeeze %dma_wait3A_137 : memref<1x8x1024xf32, #tpu.memory_space<hbm>> -> memref<8x1024xf32, #tpu.memory_space<hbm>>
    %dma_wait3A_139 = arith.constant 0 : i32
    %dma_wait3A_140 = tpu.memref_slice %arg2[%dma_wait3A_135, %add3A_60, %dma_wait3A_139] : memref<4x2048x1024xf32, #tpu.memory_space<hbm>> -> memref<1x8x1024xf32, #tpu.memory_space<hbm>>
    %dma_wait3A_141 = tpu.memref_squeeze %dma_wait3A_140 : memref<1x8x1024xf32, #tpu.memory_space<hbm>> -> memref<8x1024xf32, #tpu.memory_space<hbm>>
    tpu.wait_dma2 semaphore(%arg20 : memref<!tpu.dma_semaphore, #tpu.memory_space<semaphore_mem>>) src(%dma_wait3A_141 : memref<8x1024xf32, #tpu.memory_space<hbm>>) dst(%arg12 : memref<8x1024xf32, #tpu.memory_space<vmem>>)
    %dma_wait3A_142 = arith.constant 3 : i32
    %dma_wait3A_143 = arith.constant 0 : i32
    %dma_wait3A_144 = tpu.memref_slice %arg2[%dma_wait3A_142, %add3A_60, %dma_wait3A_143] : memref<4x2048x1024xf32, #tpu.memory_space<hbm>> -> memref<1x8x1024xf32, #tpu.memory_space<hbm>>
    %dma_wait3A_145 = tpu.memref_squeeze %dma_wait3A_144 : memref<1x8x1024xf32, #tpu.memory_space<hbm>> -> memref<8x1024xf32, #tpu.memory_space<hbm>>
    %dma_wait3A_146 = arith.constant 0 : i32
    %dma_wait3A_147 = tpu.memref_slice %arg2[%dma_wait3A_142, %add3A_60, %dma_wait3A_146] : memref<4x2048x1024xf32, #tpu.memory_space<hbm>> -> memref<1x8x1024xf32, #tpu.memory_space<hbm>>
    %dma_wait3A_148 = tpu.memref_squeeze %dma_wait3A_147 : memref<1x8x1024xf32, #tpu.memory_space<hbm>> -> memref<8x1024xf32, #tpu.memory_space<hbm>>
    tpu.wait_dma2 semaphore(%arg21 : memref<!tpu.dma_semaphore, #tpu.memory_space<semaphore_mem>>) src(%dma_wait3A_148 : memref<8x1024xf32, #tpu.memory_space<hbm>>) dst(%arg13 : memref<8x1024xf32, #tpu.memory_space<vmem>>)
    %dma_wait3A_149 = arith.constant 0 : i32
    %dma_wait3A_150 = arith.constant 0 : i32
    %dma_wait3A_151 = tpu.memref_slice %arg4[%dma_wait3A_149, %add3A_92, %dma_wait3A_150] : memref<4x2048x1024xf32, #tpu.memory_space<hbm>> -> memref<1x8x1024xf32, #tpu.memory_space<hbm>>
    %dma_wait3A_152 = tpu.memref_squeeze %dma_wait3A_151 : memref<1x8x1024xf32, #tpu.memory_space<hbm>> -> memref<8x1024xf32, #tpu.memory_space<hbm>>
    %dma_wait3A_153 = arith.constant 0 : i32
    %dma_wait3A_154 = tpu.memref_slice %arg4[%dma_wait3A_149, %add3A_92, %dma_wait3A_153] : memref<4x2048x1024xf32, #tpu.memory_space<hbm>> -> memref<1x8x1024xf32, #tpu.memory_space<hbm>>
    %dma_wait3A_155 = tpu.memref_squeeze %dma_wait3A_154 : memref<1x8x1024xf32, #tpu.memory_space<hbm>> -> memref<8x1024xf32, #tpu.memory_space<hbm>>
    tpu.wait_dma2 semaphore(%arg22 : memref<!tpu.dma_semaphore, #tpu.memory_space<semaphore_mem>>) src(%arg6 : memref<8x1024xf32, #tpu.memory_space<vmem>>) dst(%dma_wait3A_155 : memref<8x1024xf32, #tpu.memory_space<hbm>>)
    %dma_wait3A_156 = arith.constant 1 : i32
    %dma_wait3A_157 = arith.constant 0 : i32
    %dma_wait3A_158 = tpu.memref_slice %arg4[%dma_wait3A_156, %add3A_92, %dma_wait3A_157] : memref<4x2048x1024xf32, #tpu.memory_space<hbm>> -> memref<1x8x1024xf32, #tpu.memory_space<hbm>>
    %dma_wait3A_159 = tpu.memref_squeeze %dma_wait3A_158 : memref<1x8x1024xf32, #tpu.memory_space<hbm>> -> memref<8x1024xf32, #tpu.memory_space<hbm>>
    %dma_wait3A_160 = arith.constant 0 : i32
    %dma_wait3A_161 = tpu.memref_slice %arg4[%dma_wait3A_156, %add3A_92, %dma_wait3A_160] : memref<4x2048x1024xf32, #tpu.memory_space<hbm>> -> memref<1x8x1024xf32, #tpu.memory_space<hbm>>
    %dma_wait3A_162 = tpu.memref_squeeze %dma_wait3A_161 : memref<1x8x1024xf32, #tpu.memory_space<hbm>> -> memref<8x1024xf32, #tpu.memory_space<hbm>>
    tpu.wait_dma2 semaphore(%arg23 : memref<!tpu.dma_semaphore, #tpu.memory_space<semaphore_mem>>) src(%arg7 : memref<8x1024xf32, #tpu.memory_space<vmem>>) dst(%dma_wait3A_162 : memref<8x1024xf32, #tpu.memory_space<hbm>>)
    %dma_wait3A_163 = arith.constant 2 : i32
    %dma_wait3A_164 = arith.constant 0 : i32
    %dma_wait3A_165 = tpu.memref_slice %arg4[%dma_wait3A_163, %add3A_92, %dma_wait3A_164] : memref<4x2048x1024xf32, #tpu.memory_space<hbm>> -> memref<1x8x1024xf32, #tpu.memory_space<hbm>>
    %dma_wait3A_166 = tpu.memref_squeeze %dma_wait3A_165 : memref<1x8x1024xf32, #tpu.memory_space<hbm>> -> memref<8x1024xf32, #tpu.memory_space<hbm>>
    %dma_wait3A_167 = arith.constant 0 : i32
    %dma_wait3A_168 = tpu.memref_slice %arg4[%dma_wait3A_163, %add3A_92, %dma_wait3A_167] : memref<4x2048x1024xf32, #tpu.memory_space<hbm>> -> memref<1x8x1024xf32, #tpu.memory_space<hbm>>
    %dma_wait3A_169 = tpu.memref_squeeze %dma_wait3A_168 : memref<1x8x1024xf32, #tpu.memory_space<hbm>> -> memref<8x1024xf32, #tpu.memory_space<hbm>>
    tpu.wait_dma2 semaphore(%arg24 : memref<!tpu.dma_semaphore, #tpu.memory_space<semaphore_mem>>) src(%arg8 : memref<8x1024xf32, #tpu.memory_space<vmem>>) dst(%dma_wait3A_169 : memref<8x1024xf32, #tpu.memory_space<hbm>>)
    %dma_wait3A_170 = arith.constant 3 : i32
    %dma_wait3A_171 = arith.constant 0 : i32
    %dma_wait3A_172 = tpu.memref_slice %arg4[%dma_wait3A_170, %add3A_92, %dma_wait3A_171] : memref<4x2048x1024xf32, #tpu.memory_space<hbm>> -> memref<1x8x1024xf32, #tpu.memory_space<hbm>>
    %dma_wait3A_173 = tpu.memref_squeeze %dma_wait3A_172 : memref<1x8x1024xf32, #tpu.memory_space<hbm>> -> memref<8x1024xf32, #tpu.memory_space<hbm>>
    %dma_wait3A_174 = arith.constant 0 : i32
    %dma_wait3A_175 = tpu.memref_slice %arg4[%dma_wait3A_170, %add3A_92, %dma_wait3A_174] : memref<4x2048x1024xf32, #tpu.memory_space<hbm>> -> memref<1x8x1024xf32, #tpu.memory_space<hbm>>
    %dma_wait3A_176 = tpu.memref_squeeze %dma_wait3A_175 : memref<1x8x1024xf32, #tpu.memory_space<hbm>> -> memref<8x1024xf32, #tpu.memory_space<hbm>>
    tpu.wait_dma2 semaphore(%arg25 : memref<!tpu.dma_semaphore, #tpu.memory_space<semaphore_mem>>) src(%arg9 : memref<8x1024xf32, #tpu.memory_space<vmem>>) dst(%dma_wait3A_176 : memref<8x1024xf32, #tpu.memory_space<hbm>>)
    %add3A_177 = arith.constant 16 : i32
    %add3A_178 = arith.addi %mul3A_2, %add3A_177 : i32
    %dma_start3A_179 = arith.constant 0 : i32
    %dma_start3A_180 = arith.constant 0 : i32
    %dma_start3A_181 = tpu.memref_slice %arg2[%dma_start3A_179, %add3A_178, %dma_start3A_180] : memref<4x2048x1024xf32, #tpu.memory_space<hbm>> -> memref<1x8x1024xf32, #tpu.memory_space<hbm>>
    %dma_start3A_182 = tpu.memref_squeeze %dma_start3A_181 : memref<1x8x1024xf32, #tpu.memory_space<hbm>> -> memref<8x1024xf32, #tpu.memory_space<hbm>>
    %dma_start3A_183 = arith.constant 0 : i32
    %dma_start3A_184 = tpu.memref_slice %arg2[%dma_start3A_179, %add3A_178, %dma_start3A_183] : memref<4x2048x1024xf32, #tpu.memory_space<hbm>> -> memref<1x8x1024xf32, #tpu.memory_space<hbm>>
    %dma_start3A_185 = tpu.memref_squeeze %dma_start3A_184 : memref<1x8x1024xf32, #tpu.memory_space<hbm>> -> memref<8x1024xf32, #tpu.memory_space<hbm>>
    tpu.enqueue_dma source(%dma_start3A_185 : memref<8x1024xf32, #tpu.memory_space<hbm>>) target(%arg6 : memref<8x1024xf32, #tpu.memory_space<vmem>>) target_semaphore(%arg14 : memref<!tpu.dma_semaphore, #tpu.memory_space<semaphore_mem>>)
    %dma_start3A_186 = arith.constant 1 : i32
    %dma_start3A_187 = arith.constant 0 : i32
    %dma_start3A_188 = tpu.memref_slice %arg2[%dma_start3A_186, %add3A_178, %dma_start3A_187] : memref<4x2048x1024xf32, #tpu.memory_space<hbm>> -> memref<1x8x1024xf32, #tpu.memory_space<hbm>>
    %dma_start3A_189 = tpu.memref_squeeze %dma_start3A_188 : memref<1x8x1024xf32, #tpu.memory_space<hbm>> -> memref<8x1024xf32, #tpu.memory_space<hbm>>
    %dma_start3A_190 = arith.constant 0 : i32
    %dma_start3A_191 = tpu.memref_slice %arg2[%dma_start3A_186, %add3A_178, %dma_start3A_190] : memref<4x2048x1024xf32, #tpu.memory_space<hbm>> -> memref<1x8x1024xf32, #tpu.memory_space<hbm>>
    %dma_start3A_192 = tpu.memref_squeeze %dma_start3A_191 : memref<1x8x1024xf32, #tpu.memory_space<hbm>> -> memref<8x1024xf32, #tpu.memory_space<hbm>>
    tpu.enqueue_dma source(%dma_start3A_192 : memref<8x1024xf32, #tpu.memory_space<hbm>>) target(%arg7 : memref<8x1024xf32, #tpu.memory_space<vmem>>) target_semaphore(%arg15 : memref<!tpu.dma_semaphore, #tpu.memory_space<semaphore_mem>>)
    %dma_start3A_193 = arith.constant 2 : i32
    %dma_start3A_194 = arith.constant 0 : i32
    %dma_start3A_195 = tpu.memref_slice %arg2[%dma_start3A_193, %add3A_178, %dma_start3A_194] : memref<4x2048x1024xf32, #tpu.memory_space<hbm>> -> memref<1x8x1024xf32, #tpu.memory_space<hbm>>
    %dma_start3A_196 = tpu.memref_squeeze %dma_start3A_195 : memref<1x8x1024xf32, #tpu.memory_space<hbm>> -> memref<8x1024xf32, #tpu.memory_space<hbm>>
    %dma_start3A_197 = arith.constant 0 : i32
    %dma_start3A_198 = tpu.memref_slice %arg2[%dma_start3A_193, %add3A_178, %dma_start3A_197] : memref<4x2048x1024xf32, #tpu.memory_space<hbm>> -> memref<1x8x1024xf32, #tpu.memory_space<hbm>>
    %dma_start3A_199 = tpu.memref_squeeze %dma_start3A_198 : memref<1x8x1024xf32, #tpu.memory_space<hbm>> -> memref<8x1024xf32, #tpu.memory_space<hbm>>
    tpu.enqueue_dma source(%dma_start3A_199 : memref<8x1024xf32, #tpu.memory_space<hbm>>) target(%arg8 : memref<8x1024xf32, #tpu.memory_space<vmem>>) target_semaphore(%arg16 : memref<!tpu.dma_semaphore, #tpu.memory_space<semaphore_mem>>)
    %dma_start3A_200 = arith.constant 3 : i32
    %dma_start3A_201 = arith.constant 0 : i32
    %dma_start3A_202 = tpu.memref_slice %arg2[%dma_start3A_200, %add3A_178, %dma_start3A_201] : memref<4x2048x1024xf32, #tpu.memory_space<hbm>> -> memref<1x8x1024xf32, #tpu.memory_space<hbm>>
    %dma_start3A_203 = tpu.memref_squeeze %dma_start3A_202 : memref<1x8x1024xf32, #tpu.memory_space<hbm>> -> memref<8x1024xf32, #tpu.memory_space<hbm>>
    %dma_start3A_204 = arith.constant 0 : i32
    %dma_start3A_205 = tpu.memref_slice %arg2[%dma_start3A_200, %add3A_178, %dma_start3A_204] : memref<4x2048x1024xf32, #tpu.memory_space<hbm>> -> memref<1x8x1024xf32, #tpu.memory_space<hbm>>
    %dma_start3A_206 = tpu.memref_squeeze %dma_start3A_205 : memref<1x8x1024xf32, #tpu.memory_space<hbm>> -> memref<8x1024xf32, #tpu.memory_space<hbm>>
    tpu.enqueue_dma source(%dma_start3A_206 : memref<8x1024xf32, #tpu.memory_space<hbm>>) target(%arg9 : memref<8x1024xf32, #tpu.memory_space<vmem>>) target_semaphore(%arg17 : memref<!tpu.dma_semaphore, #tpu.memory_space<semaphore_mem>>)
    %parallel_loop3A_207 = arith.constant 0 : i32
    %parallel_loop3A_208 = arith.constant 8192 : i32
    %parallel_loop3A_209 = arith.constant 16 : i32
    scf.for %parallel_loop3A_954 = %parallel_loop3A_207 to %parallel_loop3A_208 step %parallel_loop3A_209  : i32 {
      %parallel_loop3A_955 = arith.constant 10 : i32
      %parallel_loop3A_956 = arith.shrsi %parallel_loop3A_954, %parallel_loop3A_955 : i32
      %parallel_loop3A_957 = arith.constant 1023 : i32
      %parallel_loop3A_958 = arith.andi %parallel_loop3A_954, %parallel_loop3A_957 : i32
      %parallel_loop3A_959 = tpu.assume_multiple %parallel_loop3A_958, 16 : i32
      %parallel_loop3A_960 = arith.constant 8 : i32
      %parallel_loop3A_961 = arith.addi %parallel_loop3A_960, %parallel_loop3A_956 : i32
      %parallel_loop3A_962 = arith.index_cast %parallel_loop3A_961 : i32 to index
      %parallel_loop3A_963 = arith.index_cast %parallel_loop3A_959 : i32 to index
      %parallel_loop3A_964 = tpu.vector_load %arg5[%parallel_loop3A_962, %parallel_loop3A_963] {strides = array<i32>} : memref<32x1024xf32, #tpu.memory_space<vmem>>, vector<1x16xf32>,
      %parallel_loop3A_965 = vector.shape_cast %parallel_loop3A_964 : vector<1x16xf32> to vector<16xf32>
      %parallel_loop3A_966 = arith.index_cast %parallel_loop3A_956 : i32 to index
      %parallel_loop3A_967 = arith.index_cast %parallel_loop3A_959 : i32 to index
      %parallel_loop3A_968 = tpu.vector_load %arg10[%parallel_loop3A_966, %parallel_loop3A_967] {strides = array<i32>} : memref<8x1024xf32, #tpu.memory_space<vmem>>, vector<1x16xf32>,
      %parallel_loop3A_969 = vector.shape_cast %parallel_loop3A_968 : vector<1x16xf32> to vector<16xf32>
      %parallel_loop3A_970 = arith.addf %parallel_loop3A_969, %parallel_loop3A_965 : vector<16xf32>
      %parallel_loop3A_971 = arith.index_cast %parallel_loop3A_956 : i32 to index
      %parallel_loop3A_972 = arith.index_cast %parallel_loop3A_959 : i32 to index
      %parallel_loop3A_973 = tpu.vector_load %arg10[%parallel_loop3A_971, %parallel_loop3A_972] {strides = array<i32>} : memref<8x1024xf32, #tpu.memory_space<vmem>>, vector<1x16xf32>,
      %parallel_loop3A_974 = vector.shape_cast %parallel_loop3A_973 : vector<1x16xf32> to vector<16xf32>
      %parallel_loop3A_975 = vector.shape_cast %parallel_loop3A_970 : vector<16xf32> to vector<1x16xf32>
      tpu.vector_store %arg10[%parallel_loop3A_971, %parallel_loop3A_972], %parallel_loop3A_975 {strides = array<i32>} : memref<8x1024xf32, #tpu.memory_space<vmem>>, vector<1x16xf32>,
      %parallel_loop3A_976 = arith.index_cast %parallel_loop3A_956 : i32 to index
      %parallel_loop3A_977 = arith.index_cast %parallel_loop3A_959 : i32 to index
      %parallel_loop3A_978 = tpu.vector_load %arg11[%parallel_loop3A_976, %parallel_loop3A_977] {strides = array<i32>} : memref<8x1024xf32, #tpu.memory_space<vmem>>, vector<1x16xf32>,
      %parallel_loop3A_979 = vector.shape_cast %parallel_loop3A_978 : vector<1x16xf32> to vector<16xf32>
      %parallel_loop3A_980 = arith.addf %parallel_loop3A_979, %parallel_loop3A_965 : vector<16xf32>
      %parallel_loop3A_981 = arith.index_cast %parallel_loop3A_956 : i32 to index
      %parallel_loop3A_982 = arith.index_cast %parallel_loop3A_959 : i32 to index
      %parallel_loop3A_983 = tpu.vector_load %arg11[%parallel_loop3A_981, %parallel_loop3A_982] {strides = array<i32>} : memref<8x1024xf32, #tpu.memory_space<vmem>>, vector<1x16xf32>,
      %parallel_loop3A_984 = vector.shape_cast %parallel_loop3A_983 : vector<1x16xf32> to vector<16xf32>
      %parallel_loop3A_985 = vector.shape_cast %parallel_loop3A_980 : vector<16xf32> to vector<1x16xf32>
      tpu.vector_store %arg11[%parallel_loop3A_981, %parallel_loop3A_982], %parallel_loop3A_985 {strides = array<i32>} : memref<8x1024xf32, #tpu.memory_space<vmem>>, vector<1x16xf32>,
      %parallel_loop3A_986 = arith.index_cast %parallel_loop3A_956 : i32 to index
      %parallel_loop3A_987 = arith.index_cast %parallel_loop3A_959 : i32 to index
      %parallel_loop3A_988 = tpu.vector_load %arg12[%parallel_loop3A_986, %parallel_loop3A_987] {strides = array<i32>} : memref<8x1024xf32, #tpu.memory_space<vmem>>, vector<1x16xf32>,
      %parallel_loop3A_989 = vector.shape_cast %parallel_loop3A_988 : vector<1x16xf32> to vector<16xf32>
      %parallel_loop3A_990 = arith.addf %parallel_loop3A_989, %parallel_loop3A_965 : vector<16xf32>
      %parallel_loop3A_991 = arith.index_cast %parallel_loop3A_956 : i32 to index
      %parallel_loop3A_992 = arith.index_cast %parallel_loop3A_959 : i32 to index
      %parallel_loop3A_993 = tpu.vector_load %arg12[%parallel_loop3A_991, %parallel_loop3A_992] {strides = array<i32>} : memref<8x1024xf32, #tpu.memory_space<vmem>>, vector<1x16xf32>,
      %parallel_loop3A_994 = vector.shape_cast %parallel_loop3A_993 : vector<1x16xf32> to vector<16xf32>
      %parallel_loop3A_995 = vector.shape_cast %parallel_loop3A_990 : vector<16xf32> to vector<1x16xf32>
      tpu.vector_store %arg12[%parallel_loop3A_991, %parallel_loop3A_992], %parallel_loop3A_995 {strides = array<i32>} : memref<8x1024xf32, #tpu.memory_space<vmem>>, vector<1x16xf32>,
      %parallel_loop3A_996 = arith.index_cast %parallel_loop3A_956 : i32 to index
      %parallel_loop3A_997 = arith.index_cast %parallel_loop3A_959 : i32 to index
      %parallel_loop3A_998 = tpu.vector_load %arg13[%parallel_loop3A_996, %parallel_loop3A_997] {strides = array<i32>} : memref<8x1024xf32, #tpu.memory_space<vmem>>, vector<1x16xf32>,
      %parallel_loop3A_999 = vector.shape_cast %parallel_loop3A_998 : vector<1x16xf32> to vector<16xf32>
      %parallel_loop3A_1000 = arith.addf %parallel_loop3A_999, %parallel_loop3A_965 : vector<16xf32>
      %parallel_loop3A_1001 = arith.index_cast %parallel_loop3A_956 : i32 to index
      %parallel_loop3A_1002 = arith.index_cast %parallel_loop3A_959 : i32 to index
      %parallel_loop3A_1003 = tpu.vector_load %arg13[%parallel_loop3A_1001, %parallel_loop3A_1002] {strides = array<i32>} : memref<8x1024xf32, #tpu.memory_space<vmem>>, vector<1x16xf32>,
      %parallel_loop3A_1004 = vector.shape_cast %parallel_loop3A_1003 : vector<1x16xf32> to vector<16xf32>
      %parallel_loop3A_1005 = vector.shape_cast %parallel_loop3A_1000 : vector<16xf32> to vector<1x16xf32>
      tpu.vector_store %arg13[%parallel_loop3A_1001, %parallel_loop3A_1002], %parallel_loop3A_1005 {strides = array<i32>} : memref<8x1024xf32, #tpu.memory_space<vmem>>, vector<1x16xf32>,
    } {sc.loop_unroll_factor = 4 : i64, sc.parallel_access}
    %add3A_210 = arith.constant 8 : i32
    %add3A_211 = arith.addi %mul3A_2, %add3A_210 : i32
    %dma_start3A_212 = arith.constant 0 : i32
    %dma_start3A_213 = arith.constant 0 : i32
    %dma_start3A_214 = tpu.memref_slice %arg4[%dma_start3A_212, %add3A_211, %dma_start3A_213] : memref<4x2048x1024xf32, #tpu.memory_space<hbm>> -> memref<1x8x1024xf32, #tpu.memory_space<hbm>>
    %dma_start3A_215 = tpu.memref_squeeze %dma_start3A_214 : memref<1x8x1024xf32, #tpu.memory_space<hbm>> -> memref<8x1024xf32, #tpu.memory_space<hbm>>
    %dma_start3A_216 = arith.constant 0 : i32
    %dma_start3A_217 = tpu.memref_slice %arg4[%dma_start3A_212, %add3A_211, %dma_start3A_216] : memref<4x2048x1024xf32, #tpu.memory_space<hbm>> -> memref<1x8x1024xf32, #tpu.memory_space<hbm>>
    %dma_start3A_218 = tpu.memref_squeeze %dma_start3A_217 : memref<1x8x1024xf32, #tpu.memory_space<hbm>> -> memref<8x1024xf32, #tpu.memory_space<hbm>>
    tpu.enqueue_dma source(%arg10 : memref<8x1024xf32, #tpu.memory_space<vmem>>) target(%dma_start3A_218 : memref<8x1024xf32, #tpu.memory_space<hbm>>) target_semaphore(%arg26 : memref<!tpu.dma_semaphore, #tpu.memory_space<semaphore_mem>>)
    %dma_start3A_219 = arith.constant 1 : i32
    %dma_start3A_220 = arith.constant 0 : i32
    %dma_start3A_221 = tpu.memref_slice %arg4[%dma_start3A_219, %add3A_211, %dma_start3A_220] : memref<4x2048x1024xf32, #tpu.memory_space<hbm>> -> memref<1x8x1024xf32, #tpu.memory_space<hbm>>
    %dma_start3A_222 = tpu.memref_squeeze %dma_start3A_221 : memref<1x8x1024xf32, #tpu.memory_space<hbm>> -> memref<8x1024xf32, #tpu.memory_space<hbm>>
    %dma_start3A_223 = arith.constant 0 : i32
    %dma_start3A_224 = tpu.memref_slice %arg4[%dma_start3A_219, %add3A_211, %dma_start3A_223] : memref<4x2048x1024xf32, #tpu.memory_space<hbm>> -> memref<1x8x1024xf32, #tpu.memory_space<hbm>>
    %dma_start3A_225 = tpu.memref_squeeze %dma_start3A_224 : memref<1x8x1024xf32, #tpu.memory_space<hbm>> -> memref<8x1024xf32, #tpu.memory_space<hbm>>
    tpu.enqueue_dma source(%arg11 : memref<8x1024xf32, #tpu.memory_space<vmem>>) target(%dma_start3A_225 : memref<8x1024xf32, #tpu.memory_space<hbm>>) target_semaphore(%arg27 : memref<!tpu.dma_semaphore, #tpu.memory_space<semaphore_mem>>)
    %dma_start3A_226 = arith.constant 2 : i32
    %dma_start3A_227 = arith.constant 0 : i32
    %dma_start3A_228 = tpu.memref_slice %arg4[%dma_start3A_226, %add3A_211, %dma_start3A_227] : memref<4x2048x1024xf32, #tpu.memory_space<hbm>> -> memref<1x8x1024xf32, #tpu.memory_space<hbm>>
    %dma_start3A_229 = tpu.memref_squeeze %dma_start3A_228 : memref<1x8x1024xf32, #tpu.memory_space<hbm>> -> memref<8x1024xf32, #tpu.memory_space<hbm>>
    %dma_start3A_230 = arith.constant 0 : i32
    %dma_start3A_231 = tpu.memref_slice %arg4[%dma_start3A_226, %add3A_211, %dma_start3A_230] : memref<4x2048x1024xf32, #tpu.memory_space<hbm>> -> memref<1x8x1024xf32, #tpu.memory_space<hbm>>
    %dma_start3A_232 = tpu.memref_squeeze %dma_start3A_231 : memref<1x8x1024xf32, #tpu.memory_space<hbm>> -> memref<8x1024xf32, #tpu.memory_space<hbm>>
    tpu.enqueue_dma source(%arg12 : memref<8x1024xf32, #tpu.memory_space<vmem>>) target(%dma_start3A_232 : memref<8x1024xf32, #tpu.memory_space<hbm>>) target_semaphore(%arg28 : memref<!tpu.dma_semaphore, #tpu.memory_space<semaphore_mem>>)
    %dma_start3A_233 = arith.constant 3 : i32
    %dma_start3A_234 = arith.constant 0 : i32
    %dma_start3A_235 = tpu.memref_slice %arg4[%dma_start3A_233, %add3A_211, %dma_start3A_234] : memref<4x2048x1024xf32, #tpu.memory_space<hbm>> -> memref<1x8x1024xf32, #tpu.memory_space<hbm>>
    %dma_start3A_236 = tpu.memref_squeeze %dma_start3A_235 : memref<1x8x1024xf32, #tpu.memory_space<hbm>> -> memref<8x1024xf32, #tpu.memory_space<hbm>>
    %dma_start3A_237 = arith.constant 0 : i32
    %dma_start3A_238 = tpu.memref_slice %arg4[%dma_start3A_233, %add3A_211, %dma_start3A_237] : memref<4x2048x1024xf32, #tpu.memory_space<hbm>> -> memref<1x8x1024xf32, #tpu.memory_space<hbm>>
    %dma_start3A_239 = tpu.memref_squeeze %dma_start3A_238 : memref<1x8x1024xf32, #tpu.memory_space<hbm>> -> memref<8x1024xf32, #tpu.memory_space<hbm>>
    tpu.enqueue_dma source(%arg13 : memref<8x1024xf32, #tpu.memory_space<vmem>>) target(%dma_start3A_239 : memref<8x1024xf32, #tpu.memory_space<hbm>>) target_semaphore(%arg29 : memref<!tpu.dma_semaphore, #tpu.memory_space<semaphore_mem>>)
    %dma_wait3A_240 = arith.constant 0 : i32
    %dma_wait3A_241 = arith.constant 0 : i32
    %dma_wait3A_242 = tpu.memref_slice %arg2[%dma_wait3A_240, %add3A_178, %dma_wait3A_241] : memref<4x2048x1024xf32, #tpu.memory_space<hbm>> -> memref<1x8x1024xf32, #tpu.memory_space<hbm>>
    %dma_wait3A_243 = tpu.memref_squeeze %dma_wait3A_242 : memref<1x8x1024xf32, #tpu.memory_space<hbm>> -> memref<8x1024xf32, #tpu.memory_space<hbm>>
    %dma_wait3A_244 = arith.constant 0 : i32
    %dma_wait3A_245 = tpu.memref_slice %arg2[%dma_wait3A_240, %add3A_178, %dma_wait3A_244] : memref<4x2048x1024xf32, #tpu.memory_space<hbm>> -> memref<1x8x1024xf32, #tpu.memory_space<hbm>>
    %dma_wait3A_246 = tpu.memref_squeeze %dma_wait3A_245 : memref<1x8x1024xf32, #tpu.memory_space<hbm>> -> memref<8x1024xf32, #tpu.memory_space<hbm>>
    tpu.wait_dma2 semaphore(%arg14 : memref<!tpu.dma_semaphore, #tpu.memory_space<semaphore_mem>>) src(%dma_wait3A_246 : memref<8x1024xf32, #tpu.memory_space<hbm>>) dst(%arg6 : memref<8x1024xf32, #tpu.memory_space<vmem>>)
    %dma_wait3A_247 = arith.constant 1 : i32
    %dma_wait3A_248 = arith.constant 0 : i32
    %dma_wait3A_249 = tpu.memref_slice %arg2[%dma_wait3A_247, %add3A_178, %dma_wait3A_248] : memref<4x2048x1024xf32, #tpu.memory_space<hbm>> -> memref<1x8x1024xf32, #tpu.memory_space<hbm>>
    %dma_wait3A_250 = tpu.memref_squeeze %dma_wait3A_249 : memref<1x8x1024xf32, #tpu.memory_space<hbm>> -> memref<8x1024xf32, #tpu.memory_space<hbm>>
    %dma_wait3A_251 = arith.constant 0 : i32
    %dma_wait3A_252 = tpu.memref_slice %arg2[%dma_wait3A_247, %add3A_178, %dma_wait3A_251] : memref<4x2048x1024xf32, #tpu.memory_space<hbm>> -> memref<1x8x1024xf32, #tpu.memory_space<hbm>>
    %dma_wait3A_253 = tpu.memref_squeeze %dma_wait3A_252 : memref<1x8x1024xf32, #tpu.memory_space<hbm>> -> memref<8x1024xf32, #tpu.memory_space<hbm>>
    tpu.wait_dma2 semaphore(%arg15 : memref<!tpu.dma_semaphore, #tpu.memory_space<semaphore_mem>>) src(%dma_wait3A_253 : memref<8x1024xf32, #tpu.memory_space<hbm>>) dst(%arg7 : memref<8x1024xf32, #tpu.memory_space<vmem>>)
    %dma_wait3A_254 = arith.constant 2 : i32
    %dma_wait3A_255 = arith.constant 0 : i32
    %dma_wait3A_256 = tpu.memref_slice %arg2[%dma_wait3A_254, %add3A_178, %dma_wait3A_255] : memref<4x2048x1024xf32, #tpu.memory_space<hbm>> -> memref<1x8x1024xf32, #tpu.memory_space<hbm>>
    %dma_wait3A_257 = tpu.memref_squeeze %dma_wait3A_256 : memref<1x8x1024xf32, #tpu.memory_space<hbm>> -> memref<8x1024xf32, #tpu.memory_space<hbm>>
    %dma_wait3A_258 = arith.constant 0 : i32
    %dma_wait3A_259 = tpu.memref_slice %arg2[%dma_wait3A_254, %add3A_178, %dma_wait3A_258] : memref<4x2048x1024xf32, #tpu.memory_space<hbm>> -> memref<1x8x1024xf32, #tpu.memory_space<hbm>>
    %dma_wait3A_260 = tpu.memref_squeeze %dma_wait3A_259 : memref<1x8x1024xf32, #tpu.memory_space<hbm>> -> memref<8x1024xf32, #tpu.memory_space<hbm>>
    tpu.wait_dma2 semaphore(%arg16 : memref<!tpu.dma_semaphore, #tpu.memory_space<semaphore_mem>>) src(%dma_wait3A_260 : memref<8x1024xf32, #tpu.memory_space<hbm>>) dst(%arg8 : memref<8x1024xf32, #tpu.memory_space<vmem>>)
    %dma_wait3A_261 = arith.constant 3 : i32
    %dma_wait3A_262 = arith.constant 0 : i32
    %dma_wait3A_263 = tpu.memref_slice %arg2[%dma_wait3A_261, %add3A_178, %dma_wait3A_262] : memref<4x2048x1024xf32, #tpu.memory_space<hbm>> -> memref<1x8x1024xf32, #tpu.memory_space<hbm>>
    %dma_wait3A_264 = tpu.memref_squeeze %dma_wait3A_263 : memref<1x8x1024xf32, #tpu.memory_space<hbm>> -> memref<8x1024xf32, #tpu.memory_space<hbm>>
    %dma_wait3A_265 = arith.constant 0 : i32
    %dma_wait3A_266 = tpu.memref_slice %arg2[%dma_wait3A_261, %add3A_178, %dma_wait3A_265] : memref<4x2048x1024xf32, #tpu.memory_space<hbm>> -> memref<1x8x1024xf32, #tpu.memory_space<hbm>>
    %dma_wait3A_267 = tpu.memref_squeeze %dma_wait3A_266 : memref<1x8x1024xf32, #tpu.memory_space<hbm>> -> memref<8x1024xf32, #tpu.memory_space<hbm>>
    tpu.wait_dma2 semaphore(%arg17 : memref<!tpu.dma_semaphore, #tpu.memory_space<semaphore_mem>>) src(%dma_wait3A_267 : memref<8x1024xf32, #tpu.memory_space<hbm>>) dst(%arg9 : memref<8x1024xf32, #tpu.memory_space<vmem>>)
    %dma_wait3A_268 = arith.constant 0 : i32
    %dma_wait3A_269 = arith.constant 0 : i32
    %dma_wait3A_270 = tpu.memref_slice %arg4[%dma_wait3A_268, %add3A_211, %dma_wait3A_269] : memref<4x2048x1024xf32, #tpu.memory_space<hbm>> -> memref<1x8x1024xf32, #tpu.memory_space<hbm>>
    %dma_wait3A_271 = tpu.memref_squeeze %dma_wait3A_270 : memref<1x8x1024xf32, #tpu.memory_space<hbm>> -> memref<8x1024xf32, #tpu.memory_space<hbm>>
    %dma_wait3A_272 = arith.constant 0 : i32
    %dma_wait3A_273 = tpu.memref_slice %arg4[%dma_wait3A_268, %add3A_211, %dma_wait3A_272] : memref<4x2048x1024xf32, #tpu.memory_space<hbm>> -> memref<1x8x1024xf32, #tpu.memory_space<hbm>>
    %dma_wait3A_274 = tpu.memref_squeeze %dma_wait3A_273 : memref<1x8x1024xf32, #tpu.memory_space<hbm>> -> memref<8x1024xf32, #tpu.memory_space<hbm>>
    tpu.wait_dma2 semaphore(%arg26 : memref<!tpu.dma_semaphore, #tpu.memory_space<semaphore_mem>>) src(%arg10 : memref<8x1024xf32, #tpu.memory_space<vmem>>) dst(%dma_wait3A_274 : memref<8x1024xf32, #tpu.memory_space<hbm>>)
    %dma_wait3A_275 = arith.constant 1 : i32
    %dma_wait3A_276 = arith.constant 0 : i32
    %dma_wait3A_277 = tpu.memref_slice %arg4[%dma_wait3A_275, %add3A_211, %dma_wait3A_276] : memref<4x2048x1024xf32, #tpu.memory_space<hbm>> -> memref<1x8x1024xf32, #tpu.memory_space<hbm>>
    %dma_wait3A_278 = tpu.memref_squeeze %dma_wait3A_277 : memref<1x8x1024xf32, #tpu.memory_space<hbm>> -> memref<8x1024xf32, #tpu.memory_space<hbm>>
    %dma_wait3A_279 = arith.constant 0 : i32
    %dma_wait3A_280 = tpu.memref_slice %arg4[%dma_wait3A_275, %add3A_211, %dma_wait3A_279] : memref<4x2048x1024xf32, #tpu.memory_space<hbm>> -> memref<1x8x1024xf32, #tpu.memory_space<hbm>>
    %dma_wait3A_281 = tpu.memref_squeeze %dma_wait3A_280 : memref<1x8x1024xf32, #tpu.memory_space<hbm>> -> memref<8x1024xf32, #tpu.memory_space<hbm>>
    tpu.wait_dma2 semaphore(%arg27 : memref<!tpu.dma_semaphore, #tpu.memory_space<semaphore_mem>>) src(%arg11 : memref<8x1024xf32, #tpu.memory_space<vmem>>) dst(%dma_wait3A_281 : memref<8x1024xf32, #tpu.memory_space<hbm>>)
    %dma_wait3A_282 = arith.constant 2 : i32
    %dma_wait3A_283 = arith.constant 0 : i32
    %dma_wait3A_284 = tpu.memref_slice %arg4[%dma_wait3A_282, %add3A_211, %dma_wait3A_283] : memref<4x2048x1024xf32, #tpu.memory_space<hbm>> -> memref<1x8x1024xf32, #tpu.memory_space<hbm>>
    %dma_wait3A_285 = tpu.memref_squeeze %dma_wait3A_284 : memref<1x8x1024xf32, #tpu.memory_space<hbm>> -> memref<8x1024xf32, #tpu.memory_space<hbm>>
    %dma_wait3A_286 = arith.constant 0 : i32
    %dma_wait3A_287 = tpu.memref_slice %arg4[%dma_wait3A_282, %add3A_211, %dma_wait3A_286] : memref<4x2048x1024xf32, #tpu.memory_space<hbm>> -> memref<1x8x1024xf32, #tpu.memory_space<hbm>>
    %dma_wait3A_288 = tpu.memref_squeeze %dma_wait3A_287 : memref<1x8x1024xf32, #tpu.memory_space<hbm>> -> memref<8x1024xf32, #tpu.memory_space<hbm>>
    tpu.wait_dma2 semaphore(%arg28 : memref<!tpu.dma_semaphore, #tpu.memory_space<semaphore_mem>>) src(%arg12 : memref<8x1024xf32, #tpu.memory_space<vmem>>) dst(%dma_wait3A_288 : memref<8x1024xf32, #tpu.memory_space<hbm>>)
    %dma_wait3A_289 = arith.constant 3 : i32
    %dma_wait3A_290 = arith.constant 0 : i32
    %dma_wait3A_291 = tpu.memref_slice %arg4[%dma_wait3A_289, %add3A_211, %dma_wait3A_290] : memref<4x2048x1024xf32, #tpu.memory_space<hbm>> -> memref<1x8x1024xf32, #tpu.memory_space<hbm>>
    %dma_wait3A_292 = tpu.memref_squeeze %dma_wait3A_291 : memref<1x8x1024xf32, #tpu.memory_space<hbm>> -> memref<8x1024xf32, #tpu.memory_space<hbm>>
    %dma_wait3A_293 = arith.constant 0 : i32
    %dma_wait3A_294 = tpu.memref_slice %arg4[%dma_wait3A_289, %add3A_211, %dma_wait3A_293] : memref<4x2048x1024xf32, #tpu.memory_space<hbm>> -> memref<1x8x1024xf32, #tpu.memory_space<hbm>>
    %dma_wait3A_295 = tpu.memref_squeeze %dma_wait3A_294 : memref<1x8x1024xf32, #tpu.memory_space<hbm>> -> memref<8x1024xf32, #tpu.memory_space<hbm>>
    tpu.wait_dma2 semaphore(%arg29 : memref<!tpu.dma_semaphore, #tpu.memory_space<semaphore_mem>>) src(%arg13 : memref<8x1024xf32, #tpu.memory_space<vmem>>) dst(%dma_wait3A_295 : memref<8x1024xf32, #tpu.memory_space<hbm>>)
    %add3A_296 = arith.constant 24 : i32
    %add3A_297 = arith.addi %mul3A_2, %add3A_296 : i32
    %dma_start3A_298 = arith.constant 0 : i32
    %dma_start3A_299 = arith.constant 0 : i32
    %dma_start3A_300 = tpu.memref_slice %arg2[%dma_start3A_298, %add3A_297, %dma_start3A_299] : memref<4x2048x1024xf32, #tpu.memory_space<hbm>> -> memref<1x8x1024xf32, #tpu.memory_space<hbm>>
    %dma_start3A_301 = tpu.memref_squeeze %dma_start3A_300 : memref<1x8x1024xf32, #tpu.memory_space<hbm>> -> memref<8x1024xf32, #tpu.memory_space<hbm>>
    %dma_start3A_302 = arith.constant 0 : i32
    %dma_start3A_303 = tpu.memref_slice %arg2[%dma_start3A_298, %add3A_297, %dma_start3A_302] : memref<4x2048x1024xf32, #tpu.memory_space<hbm>> -> memref<1x8x1024xf32, #tpu.memory_space<hbm>>
    %dma_start3A_304 = tpu.memref_squeeze %dma_start3A_303 : memref<1x8x1024xf32, #tpu.memory_space<hbm>> -> memref<8x1024xf32, #tpu.memory_space<hbm>>
    tpu.enqueue_dma source(%dma_start3A_304 : memref<8x1024xf32, #tpu.memory_space<hbm>>) target(%arg10 : memref<8x1024xf32, #tpu.memory_space<vmem>>) target_semaphore(%arg18 : memref<!tpu.dma_semaphore, #tpu.memory_space<semaphore_mem>>)
    %dma_start3A_305 = arith.constant 1 : i32
    %dma_start3A_306 = arith.constant 0 : i32
    %dma_start3A_307 = tpu.memref_slice %arg2[%dma_start3A_305, %add3A_297, %dma_start3A_306] : memref<4x2048x1024xf32, #tpu.memory_space<hbm>> -> memref<1x8x1024xf32, #tpu.memory_space<hbm>>
    %dma_start3A_308 = tpu.memref_squeeze %dma_start3A_307 : memref<1x8x1024xf32, #tpu.memory_space<hbm>> -> memref<8x1024xf32, #tpu.memory_space<hbm>>
    %dma_start3A_309 = arith.constant 0 : i32
    %dma_start3A_310 = tpu.memref_slice %arg2[%dma_start3A_305, %add3A_297, %dma_start3A_309] : memref<4x2048x1024xf32, #tpu.memory_space<hbm>> -> memref<1x8x1024xf32, #tpu.memory_space<hbm>>
    %dma_start3A_311 = tpu.memref_squeeze %dma_start3A_310 : memref<1x8x1024xf32, #tpu.memory_space<hbm>> -> memref<8x1024xf32, #tpu.memory_space<hbm>>
    tpu.enqueue_dma source(%dma_start3A_311 : memref<8x1024xf32, #tpu.memory_space<hbm>>) target(%arg11 : memref<8x1024xf32, #tpu.memory_space<vmem>>) target_semaphore(%arg19 : memref<!tpu.dma_semaphore, #tpu.memory_space<semaphore_mem>>)
    %dma_start3A_312 = arith.constant 2 : i32
    %dma_start3A_313 = arith.constant 0 : i32
    %dma_start3A_314 = tpu.memref_slice %arg2[%dma_start3A_312, %add3A_297, %dma_start3A_313] : memref<4x2048x1024xf32, #tpu.memory_space<hbm>> -> memref<1x8x1024xf32, #tpu.memory_space<hbm>>
    %dma_start3A_315 = tpu.memref_squeeze %dma_start3A_314 : memref<1x8x1024xf32, #tpu.memory_space<hbm>> -> memref<8x1024xf32, #tpu.memory_space<hbm>>
    %dma_start3A_316 = arith.constant 0 : i32
    %dma_start3A_317 = tpu.memref_slice %arg2[%dma_start3A_312, %add3A_297, %dma_start3A_316] : memref<4x2048x1024xf32, #tpu.memory_space<hbm>> -> memref<1x8x1024xf32, #tpu.memory_space<hbm>>
    %dma_start3A_318 = tpu.memref_squeeze %dma_start3A_317 : memref<1x8x1024xf32, #tpu.memory_space<hbm>> -> memref<8x1024xf32, #tpu.memory_space<hbm>>
    tpu.enqueue_dma source(%dma_start3A_318 : memref<8x1024xf32, #tpu.memory_space<hbm>>) target(%arg12 : memref<8x1024xf32, #tpu.memory_space<vmem>>) target_semaphore(%arg20 : memref<!tpu.dma_semaphore, #tpu.memory_space<semaphore_mem>>)
    %dma_start3A_319 = arith.constant 3 : i32
    %dma_start3A_320 = arith.constant 0 : i32
    %dma_start3A_321 = tpu.memref_slice %arg2[%dma_start3A_319, %add3A_297, %dma_start3A_320] : memref<4x2048x1024xf32, #tpu.memory_space<hbm>> -> memref<1x8x1024xf32, #tpu.memory_space<hbm>>
    %dma_start3A_322 = tpu.memref_squeeze %dma_start3A_321 : memref<1x8x1024xf32, #tpu.memory_space<hbm>> -> memref<8x1024xf32, #tpu.memory_space<hbm>>
    %dma_start3A_323 = arith.constant 0 : i32
    %dma_start3A_324 = tpu.memref_slice %arg2[%dma_start3A_319, %add3A_297, %dma_start3A_323] : memref<4x2048x1024xf32, #tpu.memory_space<hbm>> -> memref<1x8x1024xf32, #tpu.memory_space<hbm>>
    %dma_start3A_325 = tpu.memref_squeeze %dma_start3A_324 : memref<1x8x1024xf32, #tpu.memory_space<hbm>> -> memref<8x1024xf32, #tpu.memory_space<hbm>>
    tpu.enqueue_dma source(%dma_start3A_325 : memref<8x1024xf32, #tpu.memory_space<hbm>>) target(%arg13 : memref<8x1024xf32, #tpu.memory_space<vmem>>) target_semaphore(%arg21 : memref<!tpu.dma_semaphore, #tpu.memory_space<semaphore_mem>>)
    %parallel_loop3A_326 = arith.constant 0 : i32
    %parallel_loop3A_327 = arith.constant 8192 : i32
    %parallel_loop3A_328 = arith.constant 16 : i32
    scf.for %parallel_loop3A_954 = %parallel_loop3A_326 to %parallel_loop3A_327 step %parallel_loop3A_328  : i32 {
      %parallel_loop3A_955 = arith.constant 10 : i32
      %parallel_loop3A_956 = arith.shrsi %parallel_loop3A_954, %parallel_loop3A_955 : i32
      %parallel_loop3A_957 = arith.constant 1023 : i32
      %parallel_loop3A_958 = arith.andi %parallel_loop3A_954, %parallel_loop3A_957 : i32
      %parallel_loop3A_959 = tpu.assume_multiple %parallel_loop3A_958, 16 : i32
      %parallel_loop3A_960 = arith.constant 16 : i32
      %parallel_loop3A_961 = arith.addi %parallel_loop3A_960, %parallel_loop3A_956 : i32
      %parallel_loop3A_962 = arith.index_cast %parallel_loop3A_961 : i32 to index
      %parallel_loop3A_963 = arith.index_cast %parallel_loop3A_959 : i32 to index
      %parallel_loop3A_964 = tpu.vector_load %arg5[%parallel_loop3A_962, %parallel_loop3A_963] {strides = array<i32>} : memref<32x1024xf32, #tpu.memory_space<vmem>>, vector<1x16xf32>,
      %parallel_loop3A_965 = vector.shape_cast %parallel_loop3A_964 : vector<1x16xf32> to vector<16xf32>
      %parallel_loop3A_966 = arith.index_cast %parallel_loop3A_956 : i32 to index
      %parallel_loop3A_967 = arith.index_cast %parallel_loop3A_959 : i32 to index
      %parallel_loop3A_968 = tpu.vector_load %arg6[%parallel_loop3A_966, %parallel_loop3A_967] {strides = array<i32>} : memref<8x1024xf32, #tpu.memory_space<vmem>>, vector<1x16xf32>,
      %parallel_loop3A_969 = vector.shape_cast %parallel_loop3A_968 : vector<1x16xf32> to vector<16xf32>
      %parallel_loop3A_970 = arith.addf %parallel_loop3A_969, %parallel_loop3A_965 : vector<16xf32>
      %parallel_loop3A_971 = arith.index_cast %parallel_loop3A_956 : i32 to index
      %parallel_loop3A_972 = arith.index_cast %parallel_loop3A_959 : i32 to index
      %parallel_loop3A_973 = tpu.vector_load %arg6[%parallel_loop3A_971, %parallel_loop3A_972] {strides = array<i32>} : memref<8x1024xf32, #tpu.memory_space<vmem>>, vector<1x16xf32>,
      %parallel_loop3A_974 = vector.shape_cast %parallel_loop3A_973 : vector<1x16xf32> to vector<16xf32>
      %parallel_loop3A_975 = vector.shape_cast %parallel_loop3A_970 : vector<16xf32> to vector<1x16xf32>
      tpu.vector_store %arg6[%parallel_loop3A_971, %parallel_loop3A_972], %parallel_loop3A_975 {strides = array<i32>} : memref<8x1024xf32, #tpu.memory_space<vmem>>, vector<1x16xf32>,
      %parallel_loop3A_976 = arith.index_cast %parallel_loop3A_956 : i32 to index
      %parallel_loop3A_977 = arith.index_cast %parallel_loop3A_959 : i32 to index
      %parallel_loop3A_978 = tpu.vector_load %arg7[%parallel_loop3A_976, %parallel_loop3A_977] {strides = array<i32>} : memref<8x1024xf32, #tpu.memory_space<vmem>>, vector<1x16xf32>,
      %parallel_loop3A_979 = vector.shape_cast %parallel_loop3A_978 : vector<1x16xf32> to vector<16xf32>
      %parallel_loop3A_980 = arith.addf %parallel_loop3A_979, %parallel_loop3A_965 : vector<16xf32>
      %parallel_loop3A_981 = arith.index_cast %parallel_loop3A_956 : i32 to index
      %parallel_loop3A_982 = arith.index_cast %parallel_loop3A_959 : i32 to index
      %parallel_loop3A_983 = tpu.vector_load %arg7[%parallel_loop3A_981, %parallel_loop3A_982] {strides = array<i32>} : memref<8x1024xf32, #tpu.memory_space<vmem>>, vector<1x16xf32>,
      %parallel_loop3A_984 = vector.shape_cast %parallel_loop3A_983 : vector<1x16xf32> to vector<16xf32>
      %parallel_loop3A_985 = vector.shape_cast %parallel_loop3A_980 : vector<16xf32> to vector<1x16xf32>
      tpu.vector_store %arg7[%parallel_loop3A_981, %parallel_loop3A_982], %parallel_loop3A_985 {strides = array<i32>} : memref<8x1024xf32, #tpu.memory_space<vmem>>, vector<1x16xf32>,
      %parallel_loop3A_986 = arith.index_cast %parallel_loop3A_956 : i32 to index
      %parallel_loop3A_987 = arith.index_cast %parallel_loop3A_959 : i32 to index
      %parallel_loop3A_988 = tpu.vector_load %arg8[%parallel_loop3A_986, %parallel_loop3A_987] {strides = array<i32>} : memref<8x1024xf32, #tpu.memory_space<vmem>>, vector<1x16xf32>,
      %parallel_loop3A_989 = vector.shape_cast %parallel_loop3A_988 : vector<1x16xf32> to vector<16xf32>
      %parallel_loop3A_990 = arith.addf %parallel_loop3A_989, %parallel_loop3A_965 : vector<16xf32>
      %parallel_loop3A_991 = arith.index_cast %parallel_loop3A_956 : i32 to index
      %parallel_loop3A_992 = arith.index_cast %parallel_loop3A_959 : i32 to index
      %parallel_loop3A_993 = tpu.vector_load %arg8[%parallel_loop3A_991, %parallel_loop3A_992] {strides = array<i32>} : memref<8x1024xf32, #tpu.memory_space<vmem>>, vector<1x16xf32>,
      %parallel_loop3A_994 = vector.shape_cast %parallel_loop3A_993 : vector<1x16xf32> to vector<16xf32>
      %parallel_loop3A_995 = vector.shape_cast %parallel_loop3A_990 : vector<16xf32> to vector<1x16xf32>
      tpu.vector_store %arg8[%parallel_loop3A_991, %parallel_loop3A_992], %parallel_loop3A_995 {strides = array<i32>} : memref<8x1024xf32, #tpu.memory_space<vmem>>, vector<1x16xf32>,
      %parallel_loop3A_996 = arith.index_cast %parallel_loop3A_956 : i32 to index
      %parallel_loop3A_997 = arith.index_cast %parallel_loop3A_959 : i32 to index
      %parallel_loop3A_998 = tpu.vector_load %arg9[%parallel_loop3A_996, %parallel_loop3A_997] {strides = array<i32>} : memref<8x1024xf32, #tpu.memory_space<vmem>>, vector<1x16xf32>,
      %parallel_loop3A_999 = vector.shape_cast %parallel_loop3A_998 : vector<1x16xf32> to vector<16xf32>
      %parallel_loop3A_1000 = arith.addf %parallel_loop3A_999, %parallel_loop3A_965 : vector<16xf32>
      %parallel_loop3A_1001 = arith.index_cast %parallel_loop3A_956 : i32 to index
      %parallel_loop3A_1002 = arith.index_cast %parallel_loop3A_959 : i32 to index
      %parallel_loop3A_1003 = tpu.vector_load %arg9[%parallel_loop3A_1001, %parallel_loop3A_1002] {strides = array<i32>} : memref<8x1024xf32, #tpu.memory_space<vmem>>, vector<1x16xf32>,
      %parallel_loop3A_1004 = vector.shape_cast %parallel_loop3A_1003 : vector<1x16xf32> to vector<16xf32>
      %parallel_loop3A_1005 = vector.shape_cast %parallel_loop3A_1000 : vector<16xf32> to vector<1x16xf32>
      tpu.vector_store %arg9[%parallel_loop3A_1001, %parallel_loop3A_1002], %parallel_loop3A_1005 {strides = array<i32>} : memref<8x1024xf32, #tpu.memory_space<vmem>>, vector<1x16xf32>,
    } {sc.loop_unroll_factor = 4 : i64, sc.parallel_access}
    %add3A_329 = arith.constant 16 : i32
    %add3A_330 = arith.addi %mul3A_2, %add3A_329 : i32
    %dma_start3A_331 = arith.constant 0 : i32
    %dma_start3A_332 = arith.constant 0 : i32
    %dma_start3A_333 = tpu.memref_slice %arg4[%dma_start3A_331, %add3A_330, %dma_start3A_332] : memref<4x2048x1024xf32, #tpu.memory_space<hbm>> -> memref<1x8x1024xf32, #tpu.memory_space<hbm>>
    %dma_start3A_334 = tpu.memref_squeeze %dma_start3A_333 : memref<1x8x1024xf32, #tpu.memory_space<hbm>> -> memref<8x1024xf32, #tpu.memory_space<hbm>>
    %dma_start3A_335 = arith.constant 0 : i32
    %dma_start3A_336 = tpu.memref_slice %arg4[%dma_start3A_331, %add3A_330, %dma_start3A_335] : memref<4x2048x1024xf32, #tpu.memory_space<hbm>> -> memref<1x8x1024xf32, #tpu.memory_space<hbm>>
    %dma_start3A_337 = tpu.memref_squeeze %dma_start3A_336 : memref<1x8x1024xf32, #tpu.memory_space<hbm>> -> memref<8x1024xf32, #tpu.memory_space<hbm>>
    tpu.enqueue_dma source(%arg6 : memref<8x1024xf32, #tpu.memory_space<vmem>>) target(%dma_start3A_337 : memref<8x1024xf32, #tpu.memory_space<hbm>>) target_semaphore(%arg22 : memref<!tpu.dma_semaphore, #tpu.memory_space<semaphore_mem>>)
    %dma_start3A_338 = arith.constant 1 : i32
    %dma_start3A_339 = arith.constant 0 : i32
    %dma_start3A_340 = tpu.memref_slice %arg4[%dma_start3A_338, %add3A_330, %dma_start3A_339] : memref<4x2048x1024xf32, #tpu.memory_space<hbm>> -> memref<1x8x1024xf32, #tpu.memory_space<hbm>>
    %dma_start3A_341 = tpu.memref_squeeze %dma_start3A_340 : memref<1x8x1024xf32, #tpu.memory_space<hbm>> -> memref<8x1024xf32, #tpu.memory_space<hbm>>
    %dma_start3A_342 = arith.constant 0 : i32
    %dma_start3A_343 = tpu.memref_slice %arg4[%dma_start3A_338, %add3A_330, %dma_start3A_342] : memref<4x2048x1024xf32, #tpu.memory_space<hbm>> -> memref<1x8x1024xf32, #tpu.memory_space<hbm>>
    %dma_start3A_344 = tpu.memref_squeeze %dma_start3A_343 : memref<1x8x1024xf32, #tpu.memory_space<hbm>> -> memref<8x1024xf32, #tpu.memory_space<hbm>>
    tpu.enqueue_dma source(%arg7 : memref<8x1024xf32, #tpu.memory_space<vmem>>) target(%dma_start3A_344 : memref<8x1024xf32, #tpu.memory_space<hbm>>) target_semaphore(%arg23 : memref<!tpu.dma_semaphore, #tpu.memory_space<semaphore_mem>>)
    %dma_start3A_345 = arith.constant 2 : i32
    %dma_start3A_346 = arith.constant 0 : i32
    %dma_start3A_347 = tpu.memref_slice %arg4[%dma_start3A_345, %add3A_330, %dma_start3A_346] : memref<4x2048x1024xf32, #tpu.memory_space<hbm>> -> memref<1x8x1024xf32, #tpu.memory_space<hbm>>
    %dma_start3A_348 = tpu.memref_squeeze %dma_start3A_347 : memref<1x8x1024xf32, #tpu.memory_space<hbm>> -> memref<8x1024xf32, #tpu.memory_space<hbm>>
    %dma_start3A_349 = arith.constant 0 : i32
    %dma_start3A_350 = tpu.memref_slice %arg4[%dma_start3A_345, %add3A_330, %dma_start3A_349] : memref<4x2048x1024xf32, #tpu.memory_space<hbm>> -> memref<1x8x1024xf32, #tpu.memory_space<hbm>>
    %dma_start3A_351 = tpu.memref_squeeze %dma_start3A_350 : memref<1x8x1024xf32, #tpu.memory_space<hbm>> -> memref<8x1024xf32, #tpu.memory_space<hbm>>
    tpu.enqueue_dma source(%arg8 : memref<8x1024xf32, #tpu.memory_space<vmem>>) target(%dma_start3A_351 : memref<8x1024xf32, #tpu.memory_space<hbm>>) target_semaphore(%arg24 : memref<!tpu.dma_semaphore, #tpu.memory_space<semaphore_mem>>)
    %dma_start3A_352 = arith.constant 3 : i32
    %dma_start3A_353 = arith.constant 0 : i32
    %dma_start3A_354 = tpu.memref_slice %arg4[%dma_start3A_352, %add3A_330, %dma_start3A_353] : memref<4x2048x1024xf32, #tpu.memory_space<hbm>> -> memref<1x8x1024xf32, #tpu.memory_space<hbm>>
    %dma_start3A_355 = tpu.memref_squeeze %dma_start3A_354 : memref<1x8x1024xf32, #tpu.memory_space<hbm>> -> memref<8x1024xf32, #tpu.memory_space<hbm>>
    %dma_start3A_356 = arith.constant 0 : i32
    %dma_start3A_357 = tpu.memref_slice %arg4[%dma_start3A_352, %add3A_330, %dma_start3A_356] : memref<4x2048x1024xf32, #tpu.memory_space<hbm>> -> memref<1x8x1024xf32, #tpu.memory_space<hbm>>
    %dma_start3A_358 = tpu.memref_squeeze %dma_start3A_357 : memref<1x8x1024xf32, #tpu.memory_space<hbm>> -> memref<8x1024xf32, #tpu.memory_space<hbm>>
    tpu.enqueue_dma source(%arg9 : memref<8x1024xf32, #tpu.memory_space<vmem>>) target(%dma_start3A_358 : memref<8x1024xf32, #tpu.memory_space<hbm>>) target_semaphore(%arg25 : memref<!tpu.dma_semaphore, #tpu.memory_space<semaphore_mem>>)
    %dma_wait3A_359 = arith.constant 0 : i32
    %dma_wait3A_360 = arith.constant 0 : i32
    %dma_wait3A_361 = tpu.memref_slice %arg2[%dma_wait3A_359, %add3A_297, %dma_wait3A_360] : memref<4x2048x1024xf32, #tpu.memory_space<hbm>> -> memref<1x8x1024xf32, #tpu.memory_space<hbm>>
    %dma_wait3A_362 = tpu.memref_squeeze %dma_wait3A_361 : memref<1x8x1024xf32, #tpu.memory_space<hbm>> -> memref<8x1024xf32, #tpu.memory_space<hbm>>
    %dma_wait3A_363 = arith.constant 0 : i32
    %dma_wait3A_364 = tpu.memref_slice %arg2[%dma_wait3A_359, %add3A_297, %dma_wait3A_363] : memref<4x2048x1024xf32, #tpu.memory_space<hbm>> -> memref<1x8x1024xf32, #tpu.memory_space<hbm>>
    %dma_wait3A_365 = tpu.memref_squeeze %dma_wait3A_364 : memref<1x8x1024xf32, #tpu.memory_space<hbm>> -> memref<8x1024xf32, #tpu.memory_space<hbm>>
    tpu.wait_dma2 semaphore(%arg18 : memref<!tpu.dma_semaphore, #tpu.memory_space<semaphore_mem>>) src(%dma_wait3A_365 : memref<8x1024xf32, #tpu.memory_space<hbm>>) dst(%arg10 : memref<8x1024xf32, #tpu.memory_space<vmem>>)
    %dma_wait3A_366 = arith.constant 1 : i32
    %dma_wait3A_367 = arith.constant 0 : i32
    %dma_wait3A_368 = tpu.memref_slice %arg2[%dma_wait3A_366, %add3A_297, %dma_wait3A_367] : memref<4x2048x1024xf32, #tpu.memory_space<hbm>> -> memref<1x8x1024xf32, #tpu.memory_space<hbm>>
    %dma_wait3A_369 = tpu.memref_squeeze %dma_wait3A_368 : memref<1x8x1024xf32, #tpu.memory_space<hbm>> -> memref<8x1024xf32, #tpu.memory_space<hbm>>
    %dma_wait3A_370 = arith.constant 0 : i32
    %dma_wait3A_371 = tpu.memref_slice %arg2[%dma_wait3A_366, %add3A_297, %dma_wait3A_370] : memref<4x2048x1024xf32, #tpu.memory_space<hbm>> -> memref<1x8x1024xf32, #tpu.memory_space<hbm>>
    %dma_wait3A_372 = tpu.memref_squeeze %dma_wait3A_371 : memref<1x8x1024xf32, #tpu.memory_space<hbm>> -> memref<8x1024xf32, #tpu.memory_space<hbm>>
    tpu.wait_dma2 semaphore(%arg19 : memref<!tpu.dma_semaphore, #tpu.memory_space<semaphore_mem>>) src(%dma_wait3A_372 : memref<8x1024xf32, #tpu.memory_space<hbm>>) dst(%arg11 : memref<8x1024xf32, #tpu.memory_space<vmem>>)
    %dma_wait3A_373 = arith.constant 2 : i32
    %dma_wait3A_374 = arith.constant 0 : i32
    %dma_wait3A_375 = tpu.memref_slice %arg2[%dma_wait3A_373, %add3A_297, %dma_wait3A_374] : memref<4x2048x1024xf32, #tpu.memory_space<hbm>> -> memref<1x8x1024xf32, #tpu.memory_space<hbm>>
    %dma_wait3A_376 = tpu.memref_squeeze %dma_wait3A_375 : memref<1x8x1024xf32, #tpu.memory_space<hbm>> -> memref<8x1024xf32, #tpu.memory_space<hbm>>
    %dma_wait3A_377 = arith.constant 0 : i32
    %dma_wait3A_378 = tpu.memref_slice %arg2[%dma_wait3A_373, %add3A_297, %dma_wait3A_377] : memref<4x2048x1024xf32, #tpu.memory_space<hbm>> -> memref<1x8x1024xf32, #tpu.memory_space<hbm>>
    %dma_wait3A_379 = tpu.memref_squeeze %dma_wait3A_378 : memref<1x8x1024xf32, #tpu.memory_space<hbm>> -> memref<8x1024xf32, #tpu.memory_space<hbm>>
    tpu.wait_dma2 semaphore(%arg20 : memref<!tpu.dma_semaphore, #tpu.memory_space<semaphore_mem>>) src(%dma_wait3A_379 : memref<8x1024xf32, #tpu.memory_space<hbm>>) dst(%arg12 : memref<8x1024xf32, #tpu.memory_space<vmem>>)
    %dma_wait3A_380 = arith.constant 3 : i32
    %dma_wait3A_381 = arith.constant 0 : i32
    %dma_wait3A_382 = tpu.memref_slice %arg2[%dma_wait3A_380, %add3A_297, %dma_wait3A_381] : memref<4x2048x1024xf32, #tpu.memory_space<hbm>> -> memref<1x8x1024xf32, #tpu.memory_space<hbm>>
    %dma_wait3A_383 = tpu.memref_squeeze %dma_wait3A_382 : memref<1x8x1024xf32, #tpu.memory_space<hbm>> -> memref<8x1024xf32, #tpu.memory_space<hbm>>
    %dma_wait3A_384 = arith.constant 0 : i32
    %dma_wait3A_385 = tpu.memref_slice %arg2[%dma_wait3A_380, %add3A_297, %dma_wait3A_384] : memref<4x2048x1024xf32, #tpu.memory_space<hbm>> -> memref<1x8x1024xf32, #tpu.memory_space<hbm>>
    %dma_wait3A_386 = tpu.memref_squeeze %dma_wait3A_385 : memref<1x8x1024xf32, #tpu.memory_space<hbm>> -> memref<8x1024xf32, #tpu.memory_space<hbm>>
    tpu.wait_dma2 semaphore(%arg21 : memref<!tpu.dma_semaphore, #tpu.memory_space<semaphore_mem>>) src(%dma_wait3A_386 : memref<8x1024xf32, #tpu.memory_space<hbm>>) dst(%arg13 : memref<8x1024xf32, #tpu.memory_space<vmem>>)
    %dma_wait3A_387 = arith.constant 0 : i32
    %dma_wait3A_388 = arith.constant 0 : i32
    %dma_wait3A_389 = tpu.memref_slice %arg4[%dma_wait3A_387, %add3A_330, %dma_wait3A_388] : memref<4x2048x1024xf32, #tpu.memory_space<hbm>> -> memref<1x8x1024xf32, #tpu.memory_space<hbm>>
    %dma_wait3A_390 = tpu.memref_squeeze %dma_wait3A_389 : memref<1x8x1024xf32, #tpu.memory_space<hbm>> -> memref<8x1024xf32, #tpu.memory_space<hbm>>
    %dma_wait3A_391 = arith.constant 0 : i32
    %dma_wait3A_392 = tpu.memref_slice %arg4[%dma_wait3A_387, %add3A_330, %dma_wait3A_391] : memref<4x2048x1024xf32, #tpu.memory_space<hbm>> -> memref<1x8x1024xf32, #tpu.memory_space<hbm>>
    %dma_wait3A_393 = tpu.memref_squeeze %dma_wait3A_392 : memref<1x8x1024xf32, #tpu.memory_space<hbm>> -> memref<8x1024xf32, #tpu.memory_space<hbm>>
    tpu.wait_dma2 semaphore(%arg22 : memref<!tpu.dma_semaphore, #tpu.memory_space<semaphore_mem>>) src(%arg6 : memref<8x1024xf32, #tpu.memory_space<vmem>>) dst(%dma_wait3A_393 : memref<8x1024xf32, #tpu.memory_space<hbm>>)
    %dma_wait3A_394 = arith.constant 1 : i32
    %dma_wait3A_395 = arith.constant 0 : i32
    %dma_wait3A_396 = tpu.memref_slice %arg4[%dma_wait3A_394, %add3A_330, %dma_wait3A_395] : memref<4x2048x1024xf32, #tpu.memory_space<hbm>> -> memref<1x8x1024xf32, #tpu.memory_space<hbm>>
    %dma_wait3A_397 = tpu.memref_squeeze %dma_wait3A_396 : memref<1x8x1024xf32, #tpu.memory_space<hbm>> -> memref<8x1024xf32, #tpu.memory_space<hbm>>
    %dma_wait3A_398 = arith.constant 0 : i32
    %dma_wait3A_399 = tpu.memref_slice %arg4[%dma_wait3A_394, %add3A_330, %dma_wait3A_398] : memref<4x2048x1024xf32, #tpu.memory_space<hbm>> -> memref<1x8x1024xf32, #tpu.memory_space<hbm>>
    %dma_wait3A_400 = tpu.memref_squeeze %dma_wait3A_399 : memref<1x8x1024xf32, #tpu.memory_space<hbm>> -> memref<8x1024xf32, #tpu.memory_space<hbm>>
    tpu.wait_dma2 semaphore(%arg23 : memref<!tpu.dma_semaphore, #tpu.memory_space<semaphore_mem>>) src(%arg7 : memref<8x1024xf32, #tpu.memory_space<vmem>>) dst(%dma_wait3A_400 : memref<8x1024xf32, #tpu.memory_space<hbm>>)
    %dma_wait3A_401 = arith.constant 2 : i32
    %dma_wait3A_402 = arith.constant 0 : i32
    %dma_wait3A_403 = tpu.memref_slice %arg4[%dma_wait3A_401, %add3A_330, %dma_wait3A_402] : memref<4x2048x1024xf32, #tpu.memory_space<hbm>> -> memref<1x8x1024xf32, #tpu.memory_space<hbm>>
    %dma_wait3A_404 = tpu.memref_squeeze %dma_wait3A_403 : memref<1x8x1024xf32, #tpu.memory_space<hbm>> -> memref<8x1024xf32, #tpu.memory_space<hbm>>
    %dma_wait3A_405 = arith.constant 0 : i32
    %dma_wait3A_406 = tpu.memref_slice %arg4[%dma_wait3A_401, %add3A_330, %dma_wait3A_405] : memref<4x2048x1024xf32, #tpu.memory_space<hbm>> -> memref<1x8x1024xf32, #tpu.memory_space<hbm>>
    %dma_wait3A_407 = tpu.memref_squeeze %dma_wait3A_406 : memref<1x8x1024xf32, #tpu.memory_space<hbm>> -> memref<8x1024xf32, #tpu.memory_space<hbm>>
    tpu.wait_dma2 semaphore(%arg24 : memref<!tpu.dma_semaphore, #tpu.memory_space<semaphore_mem>>) src(%arg8 : memref<8x1024xf32, #tpu.memory_space<vmem>>) dst(%dma_wait3A_407 : memref<8x1024xf32, #tpu.memory_space<hbm>>)
    %dma_wait3A_408 = arith.constant 3 : i32
    %dma_wait3A_409 = arith.constant 0 : i32
    %dma_wait3A_410 = tpu.memref_slice %arg4[%dma_wait3A_408, %add3A_330, %dma_wait3A_409] : memref<4x2048x1024xf32, #tpu.memory_space<hbm>> -> memref<1x8x1024xf32, #tpu.memory_space<hbm>>
    %dma_wait3A_411 = tpu.memref_squeeze %dma_wait3A_410 : memref<1x8x1024xf32, #tpu.memory_space<hbm>> -> memref<8x1024xf32, #tpu.memory_space<hbm>>
    %dma_wait3A_412 = arith.constant 0 : i32
    %dma_wait3A_413 = tpu.memref_slice %arg4[%dma_wait3A_408, %add3A_330, %dma_wait3A_412] : memref<4x2048x1024xf32, #tpu.memory_space<hbm>> -> memref<1x8x1024xf32, #tpu.memory_space<hbm>>
    %dma_wait3A_414 = tpu.memref_squeeze %dma_wait3A_413 : memref<1x8x1024xf32, #tpu.memory_space<hbm>> -> memref<8x1024xf32, #tpu.memory_space<hbm>>
    tpu.wait_dma2 semaphore(%arg25 : memref<!tpu.dma_semaphore, #tpu.memory_space<semaphore_mem>>) src(%arg9 : memref<8x1024xf32, #tpu.memory_space<vmem>>) dst(%dma_wait3A_414 : memref<8x1024xf32, #tpu.memory_space<hbm>>)
    %add3A_415 = arith.constant 32 : i32
    %add3A_416 = arith.addi %mul3A_2, %add3A_415 : i32
    %dma_start3A_417 = arith.constant 0 : i32
    %dma_start3A_418 = arith.constant 0 : i32
    %dma_start3A_419 = tpu.memref_slice %arg2[%dma_start3A_417, %add3A_416, %dma_start3A_418] : memref<4x2048x1024xf32, #tpu.memory_space<hbm>> -> memref<1x8x1024xf32, #tpu.memory_space<hbm>>
    %dma_start3A_420 = tpu.memref_squeeze %dma_start3A_419 : memref<1x8x1024xf32, #tpu.memory_space<hbm>> -> memref<8x1024xf32, #tpu.memory_space<hbm>>
    %dma_start3A_421 = arith.constant 0 : i32
    %dma_start3A_422 = tpu.memref_slice %arg2[%dma_start3A_417, %add3A_416, %dma_start3A_421] : memref<4x2048x1024xf32, #tpu.memory_space<hbm>> -> memref<1x8x1024xf32, #tpu.memory_space<hbm>>
    %dma_start3A_423 = tpu.memref_squeeze %dma_start3A_422 : memref<1x8x1024xf32, #tpu.memory_space<hbm>> -> memref<8x1024xf32, #tpu.memory_space<hbm>>
    tpu.enqueue_dma source(%dma_start3A_423 : memref<8x1024xf32, #tpu.memory_space<hbm>>) target(%arg6 : memref<8x1024xf32, #tpu.memory_space<vmem>>) target_semaphore(%arg14 : memref<!tpu.dma_semaphore, #tpu.memory_space<semaphore_mem>>)
    %dma_start3A_424 = arith.constant 1 : i32
    %dma_start3A_425 = arith.constant 0 : i32
    %dma_start3A_426 = tpu.memref_slice %arg2[%dma_start3A_424, %add3A_416, %dma_start3A_425] : memref<4x2048x1024xf32, #tpu.memory_space<hbm>> -> memref<1x8x1024xf32, #tpu.memory_space<hbm>>
    %dma_start3A_427 = tpu.memref_squeeze %dma_start3A_426 : memref<1x8x1024xf32, #tpu.memory_space<hbm>> -> memref<8x1024xf32, #tpu.memory_space<hbm>>
    %dma_start3A_428 = arith.constant 0 : i32
    %dma_start3A_429 = tpu.memref_slice %arg2[%dma_start3A_424, %add3A_416, %dma_start3A_428] : memref<4x2048x1024xf32, #tpu.memory_space<hbm>> -> memref<1x8x1024xf32, #tpu.memory_space<hbm>>
    %dma_start3A_430 = tpu.memref_squeeze %dma_start3A_429 : memref<1x8x1024xf32, #tpu.memory_space<hbm>> -> memref<8x1024xf32, #tpu.memory_space<hbm>>
    tpu.enqueue_dma source(%dma_start3A_430 : memref<8x1024xf32, #tpu.memory_space<hbm>>) target(%arg7 : memref<8x1024xf32, #tpu.memory_space<vmem>>) target_semaphore(%arg15 : memref<!tpu.dma_semaphore, #tpu.memory_space<semaphore_mem>>)
    %dma_start3A_431 = arith.constant 2 : i32
    %dma_start3A_432 = arith.constant 0 : i32
    %dma_start3A_433 = tpu.memref_slice %arg2[%dma_start3A_431, %add3A_416, %dma_start3A_432] : memref<4x2048x1024xf32, #tpu.memory_space<hbm>> -> memref<1x8x1024xf32, #tpu.memory_space<hbm>>
    %dma_start3A_434 = tpu.memref_squeeze %dma_start3A_433 : memref<1x8x1024xf32, #tpu.memory_space<hbm>> -> memref<8x1024xf32, #tpu.memory_space<hbm>>
    %dma_start3A_435 = arith.constant 0 : i32
    %dma_start3A_436 = tpu.memref_slice %arg2[%dma_start3A_431, %add3A_416, %dma_start3A_435] : memref<4x2048x1024xf32, #tpu.memory_space<hbm>> -> memref<1x8x1024xf32, #tpu.memory_space<hbm>>
    %dma_start3A_437 = tpu.memref_squeeze %dma_start3A_436 : memref<1x8x1024xf32, #tpu.memory_space<hbm>> -> memref<8x1024xf32, #tpu.memory_space<hbm>>
    tpu.enqueue_dma source(%dma_start3A_437 : memref<8x1024xf32, #tpu.memory_space<hbm>>) target(%arg8 : memref<8x1024xf32, #tpu.memory_space<vmem>>) target_semaphore(%arg16 : memref<!tpu.dma_semaphore, #tpu.memory_space<semaphore_mem>>)
    %dma_start3A_438 = arith.constant 3 : i32
    %dma_start3A_439 = arith.constant 0 : i32
    %dma_start3A_440 = tpu.memref_slice %arg2[%dma_start3A_438, %add3A_416, %dma_start3A_439] : memref<4x2048x1024xf32, #tpu.memory_space<hbm>> -> memref<1x8x1024xf32, #tpu.memory_space<hbm>>
    %dma_start3A_441 = tpu.memref_squeeze %dma_start3A_440 : memref<1x8x1024xf32, #tpu.memory_space<hbm>> -> memref<8x1024xf32, #tpu.memory_space<hbm>>
    %dma_start3A_442 = arith.constant 0 : i32
    %dma_start3A_443 = tpu.memref_slice %arg2[%dma_start3A_438, %add3A_416, %dma_start3A_442] : memref<4x2048x1024xf32, #tpu.memory_space<hbm>> -> memref<1x8x1024xf32, #tpu.memory_space<hbm>>
    %dma_start3A_444 = tpu.memref_squeeze %dma_start3A_443 : memref<1x8x1024xf32, #tpu.memory_space<hbm>> -> memref<8x1024xf32, #tpu.memory_space<hbm>>
    tpu.enqueue_dma source(%dma_start3A_444 : memref<8x1024xf32, #tpu.memory_space<hbm>>) target(%arg9 : memref<8x1024xf32, #tpu.memory_space<vmem>>) target_semaphore(%arg17 : memref<!tpu.dma_semaphore, #tpu.memory_space<semaphore_mem>>)
    %parallel_loop3A_445 = arith.constant 0 : i32
    %parallel_loop3A_446 = arith.constant 8192 : i32
    %parallel_loop3A_447 = arith.constant 16 : i32
    scf.for %parallel_loop3A_954 = %parallel_loop3A_445 to %parallel_loop3A_446 step %parallel_loop3A_447  : i32 {
      %parallel_loop3A_955 = arith.constant 10 : i32
      %parallel_loop3A_956 = arith.shrsi %parallel_loop3A_954, %parallel_loop3A_955 : i32
      %parallel_loop3A_957 = arith.constant 1023 : i32
      %parallel_loop3A_958 = arith.andi %parallel_loop3A_954, %parallel_loop3A_957 : i32
      %parallel_loop3A_959 = tpu.assume_multiple %parallel_loop3A_958, 16 : i32
      %parallel_loop3A_960 = arith.constant 24 : i32
      %parallel_loop3A_961 = arith.addi %parallel_loop3A_960, %parallel_loop3A_956 : i32
      %parallel_loop3A_962 = arith.index_cast %parallel_loop3A_961 : i32 to index
      %parallel_loop3A_963 = arith.index_cast %parallel_loop3A_959 : i32 to index
      %parallel_loop3A_964 = tpu.vector_load %arg5[%parallel_loop3A_962, %parallel_loop3A_963] {strides = array<i32>} : memref<32x1024xf32, #tpu.memory_space<vmem>>, vector<1x16xf32>,
      %parallel_loop3A_965 = vector.shape_cast %parallel_loop3A_964 : vector<1x16xf32> to vector<16xf32>
      %parallel_loop3A_966 = arith.index_cast %parallel_loop3A_956 : i32 to index
      %parallel_loop3A_967 = arith.index_cast %parallel_loop3A_959 : i32 to index
      %parallel_loop3A_968 = tpu.vector_load %arg10[%parallel_loop3A_966, %parallel_loop3A_967] {strides = array<i32>} : memref<8x1024xf32, #tpu.memory_space<vmem>>, vector<1x16xf32>,
      %parallel_loop3A_969 = vector.shape_cast %parallel_loop3A_968 : vector<1x16xf32> to vector<16xf32>
      %parallel_loop3A_970 = arith.addf %parallel_loop3A_969, %parallel_loop3A_965 : vector<16xf32>
      %parallel_loop3A_971 = arith.index_cast %parallel_loop3A_956 : i32 to index
      %parallel_loop3A_972 = arith.index_cast %parallel_loop3A_959 : i32 to index
      %parallel_loop3A_973 = tpu.vector_load %arg10[%parallel_loop3A_971, %parallel_loop3A_972] {strides = array<i32>} : memref<8x1024xf32, #tpu.memory_space<vmem>>, vector<1x16xf32>,
      %parallel_loop3A_974 = vector.shape_cast %parallel_loop3A_973 : vector<1x16xf32> to vector<16xf32>
      %parallel_loop3A_975 = vector.shape_cast %parallel_loop3A_970 : vector<16xf32> to vector<1x16xf32>
      tpu.vector_store %arg10[%parallel_loop3A_971, %parallel_loop3A_972], %parallel_loop3A_975 {strides = array<i32>} : memref<8x1024xf32, #tpu.memory_space<vmem>>, vector<1x16xf32>,
      %parallel_loop3A_976 = arith.index_cast %parallel_loop3A_956 : i32 to index
      %parallel_loop3A_977 = arith.index_cast %parallel_loop3A_959 : i32 to index
      %parallel_loop3A_978 = tpu.vector_load %arg11[%parallel_loop3A_976, %parallel_loop3A_977] {strides = array<i32>} : memref<8x1024xf32, #tpu.memory_space<vmem>>, vector<1x16xf32>,
      %parallel_loop3A_979 = vector.shape_cast %parallel_loop3A_978 : vector<1x16xf32> to vector<16xf32>
      %parallel_loop3A_980 = arith.addf %parallel_loop3A_979, %parallel_loop3A_965 : vector<16xf32>
      %parallel_loop3A_981 = arith.index_cast %parallel_loop3A_956 : i32 to index
      %parallel_loop3A_982 = arith.index_cast %parallel_loop3A_959 : i32 to index
      %parallel_loop3A_983 = tpu.vector_load %arg11[%parallel_loop3A_981, %parallel_loop3A_982] {strides = array<i32>} : memref<8x1024xf32, #tpu.memory_space<vmem>>, vector<1x16xf32>,
      %parallel_loop3A_984 = vector.shape_cast %parallel_loop3A_983 : vector<1x16xf32> to vector<16xf32>
      %parallel_loop3A_985 = vector.shape_cast %parallel_loop3A_980 : vector<16xf32> to vector<1x16xf32>
      tpu.vector_store %arg11[%parallel_loop3A_981, %parallel_loop3A_982], %parallel_loop3A_985 {strides = array<i32>} : memref<8x1024xf32, #tpu.memory_space<vmem>>, vector<1x16xf32>,
      %parallel_loop3A_986 = arith.index_cast %parallel_loop3A_956 : i32 to index
      %parallel_loop3A_987 = arith.index_cast %parallel_loop3A_959 : i32 to index
      %parallel_loop3A_988 = tpu.vector_load %arg12[%parallel_loop3A_986, %parallel_loop3A_987] {strides = array<i32>} : memref<8x1024xf32, #tpu.memory_space<vmem>>, vector<1x16xf32>,
      %parallel_loop3A_989 = vector.shape_cast %parallel_loop3A_988 : vector<1x16xf32> to vector<16xf32>
      %parallel_loop3A_990 = arith.addf %parallel_loop3A_989, %parallel_loop3A_965 : vector<16xf32>
      %parallel_loop3A_991 = arith.index_cast %parallel_loop3A_956 : i32 to index
      %parallel_loop3A_992 = arith.index_cast %parallel_loop3A_959 : i32 to index
      %parallel_loop3A_993 = tpu.vector_load %arg12[%parallel_loop3A_991, %parallel_loop3A_992] {strides = array<i32>} : memref<8x1024xf32, #tpu.memory_space<vmem>>, vector<1x16xf32>,
      %parallel_loop3A_994 = vector.shape_cast %parallel_loop3A_993 : vector<1x16xf32> to vector<16xf32>
      %parallel_loop3A_995 = vector.shape_cast %parallel_loop3A_990 : vector<16xf32> to vector<1x16xf32>
      tpu.vector_store %arg12[%parallel_loop3A_991, %parallel_loop3A_992], %parallel_loop3A_995 {strides = array<i32>} : memref<8x1024xf32, #tpu.memory_space<vmem>>, vector<1x16xf32>,
      %parallel_loop3A_996 = arith.index_cast %parallel_loop3A_956 : i32 to index
      %parallel_loop3A_997 = arith.index_cast %parallel_loop3A_959 : i32 to index
      %parallel_loop3A_998 = tpu.vector_load %arg13[%parallel_loop3A_996, %parallel_loop3A_997] {strides = array<i32>} : memref<8x1024xf32, #tpu.memory_space<vmem>>, vector<1x16xf32>,
      %parallel_loop3A_999 = vector.shape_cast %parallel_loop3A_998 : vector<1x16xf32> to vector<16xf32>
      %parallel_loop3A_1000 = arith.addf %parallel_loop3A_999, %parallel_loop3A_965 : vector<16xf32>
      %parallel_loop3A_1001 = arith.index_cast %parallel_loop3A_956 : i32 to index
      %parallel_loop3A_1002 = arith.index_cast %parallel_loop3A_959 : i32 to index
      %parallel_loop3A_1003 = tpu.vector_load %arg13[%parallel_loop3A_1001, %parallel_loop3A_1002] {strides = array<i32>} : memref<8x1024xf32, #tpu.memory_space<vmem>>, vector<1x16xf32>,
      %parallel_loop3A_1004 = vector.shape_cast %parallel_loop3A_1003 : vector<1x16xf32> to vector<16xf32>
      %parallel_loop3A_1005 = vector.shape_cast %parallel_loop3A_1000 : vector<16xf32> to vector<1x16xf32>
      tpu.vector_store %arg13[%parallel_loop3A_1001, %parallel_loop3A_1002], %parallel_loop3A_1005 {strides = array<i32>} : memref<8x1024xf32, #tpu.memory_space<vmem>>, vector<1x16xf32>,
    } {sc.loop_unroll_factor = 4 : i64, sc.parallel_access}
    %add3A_448 = arith.constant 24 : i32
    %add3A_449 = arith.addi %mul3A_2, %add3A_448 : i32
    %dma_start3A_450 = arith.constant 0 : i32
    %dma_start3A_451 = arith.constant 0 : i32
    %dma_start3A_452 = tpu.memref_slice %arg4[%dma_start3A_450, %add3A_449, %dma_start3A_451] : memref<4x2048x1024xf32, #tpu.memory_space<hbm>> -> memref<1x8x1024xf32, #tpu.memory_space<hbm>>
    %dma_start3A_453 = tpu.memref_squeeze %dma_start3A_452 : memref<1x8x1024xf32, #tpu.memory_space<hbm>> -> memref<8x1024xf32, #tpu.memory_space<hbm>>
    %dma_start3A_454 = arith.constant 0 : i32
    %dma_start3A_455 = tpu.memref_slice %arg4[%dma_start3A_450, %add3A_449, %dma_start3A_454] : memref<4x2048x1024xf32, #tpu.memory_space<hbm>> -> memref<1x8x1024xf32, #tpu.memory_space<hbm>>
    %dma_start3A_456 = tpu.memref_squeeze %dma_start3A_455 : memref<1x8x1024xf32, #tpu.memory_space<hbm>> -> memref<8x1024xf32, #tpu.memory_space<hbm>>
    tpu.enqueue_dma source(%arg10 : memref<8x1024xf32, #tpu.memory_space<vmem>>) target(%dma_start3A_456 : memref<8x1024xf32, #tpu.memory_space<hbm>>) target_semaphore(%arg26 : memref<!tpu.dma_semaphore, #tpu.memory_space<semaphore_mem>>)
    %dma_start3A_457 = arith.constant 1 : i32
    %dma_start3A_458 = arith.constant 0 : i32
    %dma_start3A_459 = tpu.memref_slice %arg4[%dma_start3A_457, %add3A_449, %dma_start3A_458] : memref<4x2048x1024xf32, #tpu.memory_space<hbm>> -> memref<1x8x1024xf32, #tpu.memory_space<hbm>>
    %dma_start3A_460 = tpu.memref_squeeze %dma_start3A_459 : memref<1x8x1024xf32, #tpu.memory_space<hbm>> -> memref<8x1024xf32, #tpu.memory_space<hbm>>
    %dma_start3A_461 = arith.constant 0 : i32
    %dma_start3A_462 = tpu.memref_slice %arg4[%dma_start3A_457, %add3A_449, %dma_start3A_461] : memref<4x2048x1024xf32, #tpu.memory_space<hbm>> -> memref<1x8x1024xf32, #tpu.memory_space<hbm>>
    %dma_start3A_463 = tpu.memref_squeeze %dma_start3A_462 : memref<1x8x1024xf32, #tpu.memory_space<hbm>> -> memref<8x1024xf32, #tpu.memory_space<hbm>>
    tpu.enqueue_dma source(%arg11 : memref<8x1024xf32, #tpu.memory_space<vmem>>) target(%dma_start3A_463 : memref<8x1024xf32, #tpu.memory_space<hbm>>) target_semaphore(%arg27 : memref<!tpu.dma_semaphore, #tpu.memory_space<semaphore_mem>>)
    %dma_start3A_464 = arith.constant 2 : i32
    %dma_start3A_465 = arith.constant 0 : i32
    %dma_start3A_466 = tpu.memref_slice %arg4[%dma_start3A_464, %add3A_449, %dma_start3A_465] : memref<4x2048x1024xf32, #tpu.memory_space<hbm>> -> memref<1x8x1024xf32, #tpu.memory_space<hbm>>
    %dma_start3A_467 = tpu.memref_squeeze %dma_start3A_466 : memref<1x8x1024xf32, #tpu.memory_space<hbm>> -> memref<8x1024xf32, #tpu.memory_space<hbm>>
    %dma_start3A_468 = arith.constant 0 : i32
    %dma_start3A_469 = tpu.memref_slice %arg4[%dma_start3A_464, %add3A_449, %dma_start3A_468] : memref<4x2048x1024xf32, #tpu.memory_space<hbm>> -> memref<1x8x1024xf32, #tpu.memory_space<hbm>>
    %dma_start3A_470 = tpu.memref_squeeze %dma_start3A_469 : memref<1x8x1024xf32, #tpu.memory_space<hbm>> -> memref<8x1024xf32, #tpu.memory_space<hbm>>
    tpu.enqueue_dma source(%arg12 : memref<8x1024xf32, #tpu.memory_space<vmem>>) target(%dma_start3A_470 : memref<8x1024xf32, #tpu.memory_space<hbm>>) target_semaphore(%arg28 : memref<!tpu.dma_semaphore, #tpu.memory_space<semaphore_mem>>)
    %dma_start3A_471 = arith.constant 3 : i32
    %dma_start3A_472 = arith.constant 0 : i32
    %dma_start3A_473 = tpu.memref_slice %arg4[%dma_start3A_471, %add3A_449, %dma_start3A_472] : memref<4x2048x1024xf32, #tpu.memory_space<hbm>> -> memref<1x8x1024xf32, #tpu.memory_space<hbm>>
    %dma_start3A_474 = tpu.memref_squeeze %dma_start3A_473 : memref<1x8x1024xf32, #tpu.memory_space<hbm>> -> memref<8x1024xf32, #tpu.memory_space<hbm>>
    %dma_start3A_475 = arith.constant 0 : i32
    %dma_start3A_476 = tpu.memref_slice %arg4[%dma_start3A_471, %add3A_449, %dma_start3A_475] : memref<4x2048x1024xf32, #tpu.memory_space<hbm>> -> memref<1x8x1024xf32, #tpu.memory_space<hbm>>
    %dma_start3A_477 = tpu.memref_squeeze %dma_start3A_476 : memref<1x8x1024xf32, #tpu.memory_space<hbm>> -> memref<8x1024xf32, #tpu.memory_space<hbm>>
    tpu.enqueue_dma source(%arg13 : memref<8x1024xf32, #tpu.memory_space<vmem>>) target(%dma_start3A_477 : memref<8x1024xf32, #tpu.memory_space<hbm>>) target_semaphore(%arg29 : memref<!tpu.dma_semaphore, #tpu.memory_space<semaphore_mem>>)
    %add3A_478 = arith.constant 32 : i32
    %add3A_479 = arith.addi %mul3A_2, %add3A_478 : i32
    "tpu.region"() ({
      %run_scoped3A = tpu.sem_alloc : memref<!tpu.dma_semaphore, #tpu.memory_space<semaphore_mem>>
      %dma_start3A_954 = arith.constant 0 : i32
      %dma_start3A_955 = tpu.memref_slice %arg3[%add3A_479, %dma_start3A_954] : memref<2048x1024xf32, #tpu.memory_space<hbm>> -> memref<32x1024xf32, #tpu.memory_space<hbm>>
      %dma_start3A_956 = arith.constant 0 : i32
      %dma_start3A_957 = tpu.memref_slice %arg3[%add3A_479, %dma_start3A_956] : memref<2048x1024xf32, #tpu.memory_space<hbm>> -> memref<32x1024xf32, #tpu.memory_space<hbm>>
      tpu.enqueue_dma source(%dma_start3A_957 : memref<32x1024xf32, #tpu.memory_space<hbm>>) target(%arg5 : memref<32x1024xf32, #tpu.memory_space<vmem>>) target_semaphore(%run_scoped3A : memref<!tpu.dma_semaphore, #tpu.memory_space<semaphore_mem>>)
      %dma_wait3A_958 = arith.constant 0 : i32
      %dma_wait3A_959 = tpu.memref_slice %arg3[%add3A_479, %dma_wait3A_958] : memref<2048x1024xf32, #tpu.memory_space<hbm>> -> memref<32x1024xf32, #tpu.memory_space<hbm>>
      %dma_wait3A_960 = arith.constant 0 : i32
      %dma_wait3A_961 = tpu.memref_slice %arg3[%add3A_479, %dma_wait3A_960] : memref<2048x1024xf32, #tpu.memory_space<hbm>> -> memref<32x1024xf32, #tpu.memory_space<hbm>>
      tpu.wait_dma2 semaphore(%run_scoped3A : memref<!tpu.dma_semaphore, #tpu.memory_space<semaphore_mem>>) src(%dma_wait3A_961 : memref<32x1024xf32, #tpu.memory_space<hbm>>) dst(%arg5 : memref<32x1024xf32, #tpu.memory_space<vmem>>)
      tpu.yield
    }) : () -> ()
    %dma_wait3A_480 = arith.constant 0 : i32
    %dma_wait3A_481 = arith.constant 0 : i32
    %dma_wait3A_482 = tpu.memref_slice %arg2[%dma_wait3A_480, %add3A_416, %dma_wait3A_481] : memref<4x2048x1024xf32, #tpu.memory_space<hbm>> -> memref<1x8x1024xf32, #tpu.memory_space<hbm>>
    %dma_wait3A_483 = tpu.memref_squeeze %dma_wait3A_482 : memref<1x8x1024xf32, #tpu.memory_space<hbm>> -> memref<8x1024xf32, #tpu.memory_space<hbm>>
    %dma_wait3A_484 = arith.constant 0 : i32
    %dma_wait3A_485 = tpu.memref_slice %arg2[%dma_wait3A_480, %add3A_416, %dma_wait3A_484] : memref<4x2048x1024xf32, #tpu.memory_space<hbm>> -> memref<1x8x1024xf32, #tpu.memory_space<hbm>>
    %dma_wait3A_486 = tpu.memref_squeeze %dma_wait3A_485 : memref<1x8x1024xf32, #tpu.memory_space<hbm>> -> memref<8x1024xf32, #tpu.memory_space<hbm>>
    tpu.wait_dma2 semaphore(%arg14 : memref<!tpu.dma_semaphore, #tpu.memory_space<semaphore_mem>>) src(%dma_wait3A_486 : memref<8x1024xf32, #tpu.memory_space<hbm>>) dst(%arg6 : memref<8x1024xf32, #tpu.memory_space<vmem>>)
    %dma_wait3A_487 = arith.constant 1 : i32
    %dma_wait3A_488 = arith.constant 0 : i32
    %dma_wait3A_489 = tpu.memref_slice %arg2[%dma_wait3A_487, %add3A_416, %dma_wait3A_488] : memref<4x2048x1024xf32, #tpu.memory_space<hbm>> -> memref<1x8x1024xf32, #tpu.memory_space<hbm>>
    %dma_wait3A_490 = tpu.memref_squeeze %dma_wait3A_489 : memref<1x8x1024xf32, #tpu.memory_space<hbm>> -> memref<8x1024xf32, #tpu.memory_space<hbm>>
    %dma_wait3A_491 = arith.constant 0 : i32
    %dma_wait3A_492 = tpu.memref_slice %arg2[%dma_wait3A_487, %add3A_416, %dma_wait3A_491] : memref<4x2048x1024xf32, #tpu.memory_space<hbm>> -> memref<1x8x1024xf32, #tpu.memory_space<hbm>>
    %dma_wait3A_493 = tpu.memref_squeeze %dma_wait3A_492 : memref<1x8x1024xf32, #tpu.memory_space<hbm>> -> memref<8x1024xf32, #tpu.memory_space<hbm>>
    tpu.wait_dma2 semaphore(%arg15 : memref<!tpu.dma_semaphore, #tpu.memory_space<semaphore_mem>>) src(%dma_wait3A_493 : memref<8x1024xf32, #tpu.memory_space<hbm>>) dst(%arg7 : memref<8x1024xf32, #tpu.memory_space<vmem>>)
    %dma_wait3A_494 = arith.constant 2 : i32
    %dma_wait3A_495 = arith.constant 0 : i32
    %dma_wait3A_496 = tpu.memref_slice %arg2[%dma_wait3A_494, %add3A_416, %dma_wait3A_495] : memref<4x2048x1024xf32, #tpu.memory_space<hbm>> -> memref<1x8x1024xf32, #tpu.memory_space<hbm>>
    %dma_wait3A_497 = tpu.memref_squeeze %dma_wait3A_496 : memref<1x8x1024xf32, #tpu.memory_space<hbm>> -> memref<8x1024xf32, #tpu.memory_space<hbm>>
    %dma_wait3A_498 = arith.constant 0 : i32
    %dma_wait3A_499 = tpu.memref_slice %arg2[%dma_wait3A_494, %add3A_416, %dma_wait3A_498] : memref<4x2048x1024xf32, #tpu.memory_space<hbm>> -> memref<1x8x1024xf32, #tpu.memory_space<hbm>>
    %dma_wait3A_500 = tpu.memref_squeeze %dma_wait3A_499 : memref<1x8x1024xf32, #tpu.memory_space<hbm>> -> memref<8x1024xf32, #tpu.memory_space<hbm>>
    tpu.wait_dma2 semaphore(%arg16 : memref<!tpu.dma_semaphore, #tpu.memory_space<semaphore_mem>>) src(%dma_wait3A_500 : memref<8x1024xf32, #tpu.memory_space<hbm>>) dst(%arg8 : memref<8x1024xf32, #tpu.memory_space<vmem>>)
    %dma_wait3A_501 = arith.constant 3 : i32
    %dma_wait3A_502 = arith.constant 0 : i32
    %dma_wait3A_503 = tpu.memref_slice %arg2[%dma_wait3A_501, %add3A_416, %dma_wait3A_502] : memref<4x2048x1024xf32, #tpu.memory_space<hbm>> -> memref<1x8x1024xf32, #tpu.memory_space<hbm>>
    %dma_wait3A_504 = tpu.memref_squeeze %dma_wait3A_503 : memref<1x8x1024xf32, #tpu.memory_space<hbm>> -> memref<8x1024xf32, #tpu.memory_space<hbm>>
    %dma_wait3A_505 = arith.constant 0 : i32
    %dma_wait3A_506 = tpu.memref_slice %arg2[%dma_wait3A_501, %add3A_416, %dma_wait3A_505] : memref<4x2048x1024xf32, #tpu.memory_space<hbm>> -> memref<1x8x1024xf32, #tpu.memory_space<hbm>>
    %dma_wait3A_507 = tpu.memref_squeeze %dma_wait3A_506 : memref<1x8x1024xf32, #tpu.memory_space<hbm>> -> memref<8x1024xf32, #tpu.memory_space<hbm>>
    tpu.wait_dma2 semaphore(%arg17 : memref<!tpu.dma_semaphore, #tpu.memory_space<semaphore_mem>>) src(%dma_wait3A_507 : memref<8x1024xf32, #tpu.memory_space<hbm>>) dst(%arg9 : memref<8x1024xf32, #tpu.memory_space<vmem>>)
    %dma_wait3A_508 = arith.constant 0 : i32
    %dma_wait3A_509 = arith.constant 0 : i32
    %dma_wait3A_510 = tpu.memref_slice %arg4[%dma_wait3A_508, %add3A_449, %dma_wait3A_509] : memref<4x2048x1024xf32, #tpu.memory_space<hbm>> -> memref<1x8x1024xf32, #tpu.memory_space<hbm>>
    %dma_wait3A_511 = tpu.memref_squeeze %dma_wait3A_510 : memref<1x8x1024xf32, #tpu.memory_space<hbm>> -> memref<8x1024xf32, #tpu.memory_space<hbm>>
    %dma_wait3A_512 = arith.constant 0 : i32
    %dma_wait3A_513 = tpu.memref_slice %arg4[%dma_wait3A_508, %add3A_449, %dma_wait3A_512] : memref<4x2048x1024xf32, #tpu.memory_space<hbm>> -> memref<1x8x1024xf32, #tpu.memory_space<hbm>>
    %dma_wait3A_514 = tpu.memref_squeeze %dma_wait3A_513 : memref<1x8x1024xf32, #tpu.memory_space<hbm>> -> memref<8x1024xf32, #tpu.memory_space<hbm>>
    tpu.wait_dma2 semaphore(%arg26 : memref<!tpu.dma_semaphore, #tpu.memory_space<semaphore_mem>>) src(%arg10 : memref<8x1024xf32, #tpu.memory_space<vmem>>) dst(%dma_wait3A_514 : memref<8x1024xf32, #tpu.memory_space<hbm>>)
    %dma_wait3A_515 = arith.constant 1 : i32
    %dma_wait3A_516 = arith.constant 0 : i32
    %dma_wait3A_517 = tpu.memref_slice %arg4[%dma_wait3A_515, %add3A_449, %dma_wait3A_516] : memref<4x2048x1024xf32, #tpu.memory_space<hbm>> -> memref<1x8x1024xf32, #tpu.memory_space<hbm>>
    %dma_wait3A_518 = tpu.memref_squeeze %dma_wait3A_517 : memref<1x8x1024xf32, #tpu.memory_space<hbm>> -> memref<8x1024xf32, #tpu.memory_space<hbm>>
    %dma_wait3A_519 = arith.constant 0 : i32
    %dma_wait3A_520 = tpu.memref_slice %arg4[%dma_wait3A_515, %add3A_449, %dma_wait3A_519] : memref<4x2048x1024xf32, #tpu.memory_space<hbm>> -> memref<1x8x1024xf32, #tpu.memory_space<hbm>>
    %dma_wait3A_521 = tpu.memref_squeeze %dma_wait3A_520 : memref<1x8x1024xf32, #tpu.memory_space<hbm>> -> memref<8x1024xf32, #tpu.memory_space<hbm>>
    tpu.wait_dma2 semaphore(%arg27 : memref<!tpu.dma_semaphore, #tpu.memory_space<semaphore_mem>>) src(%arg11 : memref<8x1024xf32, #tpu.memory_space<vmem>>) dst(%dma_wait3A_521 : memref<8x1024xf32, #tpu.memory_space<hbm>>)
    %dma_wait3A_522 = arith.constant 2 : i32
    %dma_wait3A_523 = arith.constant 0 : i32
    %dma_wait3A_524 = tpu.memref_slice %arg4[%dma_wait3A_522, %add3A_449, %dma_wait3A_523] : memref<4x2048x1024xf32, #tpu.memory_space<hbm>> -> memref<1x8x1024xf32, #tpu.memory_space<hbm>>
    %dma_wait3A_525 = tpu.memref_squeeze %dma_wait3A_524 : memref<1x8x1024xf32, #tpu.memory_space<hbm>> -> memref<8x1024xf32, #tpu.memory_space<hbm>>
    %dma_wait3A_526 = arith.constant 0 : i32
    %dma_wait3A_527 = tpu.memref_slice %arg4[%dma_wait3A_522, %add3A_449, %dma_wait3A_526] : memref<4x2048x1024xf32, #tpu.memory_space<hbm>> -> memref<1x8x1024xf32, #tpu.memory_space<hbm>>
    %dma_wait3A_528 = tpu.memref_squeeze %dma_wait3A_527 : memref<1x8x1024xf32, #tpu.memory_space<hbm>> -> memref<8x1024xf32, #tpu.memory_space<hbm>>
    tpu.wait_dma2 semaphore(%arg28 : memref<!tpu.dma_semaphore, #tpu.memory_space<semaphore_mem>>) src(%arg12 : memref<8x1024xf32, #tpu.memory_space<vmem>>) dst(%dma_wait3A_528 : memref<8x1024xf32, #tpu.memory_space<hbm>>)
    %dma_wait3A_529 = arith.constant 3 : i32
    %dma_wait3A_530 = arith.constant 0 : i32
    %dma_wait3A_531 = tpu.memref_slice %arg4[%dma_wait3A_529, %add3A_449, %dma_wait3A_530] : memref<4x2048x1024xf32, #tpu.memory_space<hbm>> -> memref<1x8x1024xf32, #tpu.memory_space<hbm>>
    %dma_wait3A_532 = tpu.memref_squeeze %dma_wait3A_531 : memref<1x8x1024xf32, #tpu.memory_space<hbm>> -> memref<8x1024xf32, #tpu.memory_space<hbm>>
    %dma_wait3A_533 = arith.constant 0 : i32
    %dma_wait3A_534 = tpu.memref_slice %arg4[%dma_wait3A_529, %add3A_449, %dma_wait3A_533] : memref<4x2048x1024xf32, #tpu.memory_space<hbm>> -> memref<1x8x1024xf32, #tpu.memory_space<hbm>>
    %dma_wait3A_535 = tpu.memref_squeeze %dma_wait3A_534 : memref<1x8x1024xf32, #tpu.memory_space<hbm>> -> memref<8x1024xf32, #tpu.memory_space<hbm>>
    tpu.wait_dma2 semaphore(%arg29 : memref<!tpu.dma_semaphore, #tpu.memory_space<semaphore_mem>>) src(%arg13 : memref<8x1024xf32, #tpu.memory_space<vmem>>) dst(%dma_wait3A_535 : memref<8x1024xf32, #tpu.memory_space<hbm>>)
    %add3A_536 = arith.constant 40 : i32
    %add3A_537 = arith.addi %mul3A_2, %add3A_536 : i32
    %dma_start3A_538 = arith.constant 0 : i32
    %dma_start3A_539 = arith.constant 0 : i32
    %dma_start3A_540 = tpu.memref_slice %arg2[%dma_start3A_538, %add3A_537, %dma_start3A_539] : memref<4x2048x1024xf32, #tpu.memory_space<hbm>> -> memref<1x8x1024xf32, #tpu.memory_space<hbm>>
    %dma_start3A_541 = tpu.memref_squeeze %dma_start3A_540 : memref<1x8x1024xf32, #tpu.memory_space<hbm>> -> memref<8x1024xf32, #tpu.memory_space<hbm>>
    %dma_start3A_542 = arith.constant 0 : i32
    %dma_start3A_543 = tpu.memref_slice %arg2[%dma_start3A_538, %add3A_537, %dma_start3A_542] : memref<4x2048x1024xf32, #tpu.memory_space<hbm>> -> memref<1x8x1024xf32, #tpu.memory_space<hbm>>
    %dma_start3A_544 = tpu.memref_squeeze %dma_start3A_543 : memref<1x8x1024xf32, #tpu.memory_space<hbm>> -> memref<8x1024xf32, #tpu.memory_space<hbm>>
    tpu.enqueue_dma source(%dma_start3A_544 : memref<8x1024xf32, #tpu.memory_space<hbm>>) target(%arg10 : memref<8x1024xf32, #tpu.memory_space<vmem>>) target_semaphore(%arg18 : memref<!tpu.dma_semaphore, #tpu.memory_space<semaphore_mem>>)
    %dma_start3A_545 = arith.constant 1 : i32
    %dma_start3A_546 = arith.constant 0 : i32
    %dma_start3A_547 = tpu.memref_slice %arg2[%dma_start3A_545, %add3A_537, %dma_start3A_546] : memref<4x2048x1024xf32, #tpu.memory_space<hbm>> -> memref<1x8x1024xf32, #tpu.memory_space<hbm>>
    %dma_start3A_548 = tpu.memref_squeeze %dma_start3A_547 : memref<1x8x1024xf32, #tpu.memory_space<hbm>> -> memref<8x1024xf32, #tpu.memory_space<hbm>>
    %dma_start3A_549 = arith.constant 0 : i32
    %dma_start3A_550 = tpu.memref_slice %arg2[%dma_start3A_545, %add3A_537, %dma_start3A_549] : memref<4x2048x1024xf32, #tpu.memory_space<hbm>> -> memref<1x8x1024xf32, #tpu.memory_space<hbm>>
    %dma_start3A_551 = tpu.memref_squeeze %dma_start3A_550 : memref<1x8x1024xf32, #tpu.memory_space<hbm>> -> memref<8x1024xf32, #tpu.memory_space<hbm>>
    tpu.enqueue_dma source(%dma_start3A_551 : memref<8x1024xf32, #tpu.memory_space<hbm>>) target(%arg11 : memref<8x1024xf32, #tpu.memory_space<vmem>>) target_semaphore(%arg19 : memref<!tpu.dma_semaphore, #tpu.memory_space<semaphore_mem>>)
    %dma_start3A_552 = arith.constant 2 : i32
    %dma_start3A_553 = arith.constant 0 : i32
    %dma_start3A_554 = tpu.memref_slice %arg2[%dma_start3A_552, %add3A_537, %dma_start3A_553] : memref<4x2048x1024xf32, #tpu.memory_space<hbm>> -> memref<1x8x1024xf32, #tpu.memory_space<hbm>>
    %dma_start3A_555 = tpu.memref_squeeze %dma_start3A_554 : memref<1x8x1024xf32, #tpu.memory_space<hbm>> -> memref<8x1024xf32, #tpu.memory_space<hbm>>
    %dma_start3A_556 = arith.constant 0 : i32
    %dma_start3A_557 = tpu.memref_slice %arg2[%dma_start3A_552, %add3A_537, %dma_start3A_556] : memref<4x2048x1024xf32, #tpu.memory_space<hbm>> -> memref<1x8x1024xf32, #tpu.memory_space<hbm>>
    %dma_start3A_558 = tpu.memref_squeeze %dma_start3A_557 : memref<1x8x1024xf32, #tpu.memory_space<hbm>> -> memref<8x1024xf32, #tpu.memory_space<hbm>>
    tpu.enqueue_dma source(%dma_start3A_558 : memref<8x1024xf32, #tpu.memory_space<hbm>>) target(%arg12 : memref<8x1024xf32, #tpu.memory_space<vmem>>) target_semaphore(%arg20 : memref<!tpu.dma_semaphore, #tpu.memory_space<semaphore_mem>>)
    %dma_start3A_559 = arith.constant 3 : i32
    %dma_start3A_560 = arith.constant 0 : i32
    %dma_start3A_561 = tpu.memref_slice %arg2[%dma_start3A_559, %add3A_537, %dma_start3A_560] : memref<4x2048x1024xf32, #tpu.memory_space<hbm>> -> memref<1x8x1024xf32, #tpu.memory_space<hbm>>
    %dma_start3A_562 = tpu.memref_squeeze %dma_start3A_561 : memref<1x8x1024xf32, #tpu.memory_space<hbm>> -> memref<8x1024xf32, #tpu.memory_space<hbm>>
    %dma_start3A_563 = arith.constant 0 : i32
    %dma_start3A_564 = tpu.memref_slice %arg2[%dma_start3A_559, %add3A_537, %dma_start3A_563] : memref<4x2048x1024xf32, #tpu.memory_space<hbm>> -> memref<1x8x1024xf32, #tpu.memory_space<hbm>>
    %dma_start3A_565 = tpu.memref_squeeze %dma_start3A_564 : memref<1x8x1024xf32, #tpu.memory_space<hbm>> -> memref<8x1024xf32, #tpu.memory_space<hbm>>
    tpu.enqueue_dma source(%dma_start3A_565 : memref<8x1024xf32, #tpu.memory_space<hbm>>) target(%arg13 : memref<8x1024xf32, #tpu.memory_space<vmem>>) target_semaphore(%arg21 : memref<!tpu.dma_semaphore, #tpu.memory_space<semaphore_mem>>)
    %parallel_loop3A_566 = arith.constant 0 : i32
    %parallel_loop3A_567 = arith.constant 8192 : i32
    %parallel_loop3A_568 = arith.constant 16 : i32
    scf.for %parallel_loop3A_954 = %parallel_loop3A_566 to %parallel_loop3A_567 step %parallel_loop3A_568  : i32 {
      %parallel_loop3A_955 = arith.constant 10 : i32
      %parallel_loop3A_956 = arith.shrsi %parallel_loop3A_954, %parallel_loop3A_955 : i32
      %parallel_loop3A_957 = arith.constant 1023 : i32
      %parallel_loop3A_958 = arith.andi %parallel_loop3A_954, %parallel_loop3A_957 : i32
      %parallel_loop3A_959 = tpu.assume_multiple %parallel_loop3A_958, 16 : i32
      %parallel_loop3A_960 = arith.constant 0 : i32
      %parallel_loop3A_961 = arith.addi %parallel_loop3A_960, %parallel_loop3A_956 : i32
      %parallel_loop3A_962 = arith.index_cast %parallel_loop3A_961 : i32 to index
      %parallel_loop3A_963 = arith.index_cast %parallel_loop3A_959 : i32 to index
      %parallel_loop3A_964 = tpu.vector_load %arg5[%parallel_loop3A_962, %parallel_loop3A_963] {strides = array<i32>} : memref<32x1024xf32, #tpu.memory_space<vmem>>, vector<1x16xf32>,
      %parallel_loop3A_965 = vector.shape_cast %parallel_loop3A_964 : vector<1x16xf32> to vector<16xf32>
      %parallel_loop3A_966 = arith.index_cast %parallel_loop3A_956 : i32 to index
      %parallel_loop3A_967 = arith.index_cast %parallel_loop3A_959 : i32 to index
      %parallel_loop3A_968 = tpu.vector_load %arg6[%parallel_loop3A_966, %parallel_loop3A_967] {strides = array<i32>} : memref<8x1024xf32, #tpu.memory_space<vmem>>, vector<1x16xf32>,
      %parallel_loop3A_969 = vector.shape_cast %parallel_loop3A_968 : vector<1x16xf32> to vector<16xf32>
      %parallel_loop3A_970 = arith.addf %parallel_loop3A_969, %parallel_loop3A_965 : vector<16xf32>
      %parallel_loop3A_971 = arith.index_cast %parallel_loop3A_956 : i32 to index
      %parallel_loop3A_972 = arith.index_cast %parallel_loop3A_959 : i32 to index
      %parallel_loop3A_973 = tpu.vector_load %arg6[%parallel_loop3A_971, %parallel_loop3A_972] {strides = array<i32>} : memref<8x1024xf32, #tpu.memory_space<vmem>>, vector<1x16xf32>,
      %parallel_loop3A_974 = vector.shape_cast %parallel_loop3A_973 : vector<1x16xf32> to vector<16xf32>
      %parallel_loop3A_975 = vector.shape_cast %parallel_loop3A_970 : vector<16xf32> to vector<1x16xf32>
      tpu.vector_store %arg6[%parallel_loop3A_971, %parallel_loop3A_972], %parallel_loop3A_975 {strides = array<i32>} : memref<8x1024xf32, #tpu.memory_space<vmem>>, vector<1x16xf32>,
      %parallel_loop3A_976 = arith.index_cast %parallel_loop3A_956 : i32 to index
      %parallel_loop3A_977 = arith.index_cast %parallel_loop3A_959 : i32 to index
      %parallel_loop3A_978 = tpu.vector_load %arg7[%parallel_loop3A_976, %parallel_loop3A_977] {strides = array<i32>} : memref<8x1024xf32, #tpu.memory_space<vmem>>, vector<1x16xf32>,
      %parallel_loop3A_979 = vector.shape_cast %parallel_loop3A_978 : vector<1x16xf32> to vector<16xf32>
      %parallel_loop3A_980 = arith.addf %parallel_loop3A_979, %parallel_loop3A_965 : vector<16xf32>
      %parallel_loop3A_981 = arith.index_cast %parallel_loop3A_956 : i32 to index
      %parallel_loop3A_982 = arith.index_cast %parallel_loop3A_959 : i32 to index
      %parallel_loop3A_983 = tpu.vector_load %arg7[%parallel_loop3A_981, %parallel_loop3A_982] {strides = array<i32>} : memref<8x1024xf32, #tpu.memory_space<vmem>>, vector<1x16xf32>,
      %parallel_loop3A_984 = vector.shape_cast %parallel_loop3A_983 : vector<1x16xf32> to vector<16xf32>
      %parallel_loop3A_985 = vector.shape_cast %parallel_loop3A_980 : vector<16xf32> to vector<1x16xf32>
      tpu.vector_store %arg7[%parallel_loop3A_981, %parallel_loop3A_982], %parallel_loop3A_985 {strides = array<i32>} : memref<8x1024xf32, #tpu.memory_space<vmem>>, vector<1x16xf32>,
      %parallel_loop3A_986 = arith.index_cast %parallel_loop3A_956 : i32 to index
      %parallel_loop3A_987 = arith.index_cast %parallel_loop3A_959 : i32 to index
      %parallel_loop3A_988 = tpu.vector_load %arg8[%parallel_loop3A_986, %parallel_loop3A_987] {strides = array<i32>} : memref<8x1024xf32, #tpu.memory_space<vmem>>, vector<1x16xf32>,
      %parallel_loop3A_989 = vector.shape_cast %parallel_loop3A_988 : vector<1x16xf32> to vector<16xf32>
      %parallel_loop3A_990 = arith.addf %parallel_loop3A_989, %parallel_loop3A_965 : vector<16xf32>
      %parallel_loop3A_991 = arith.index_cast %parallel_loop3A_956 : i32 to index
      %parallel_loop3A_992 = arith.index_cast %parallel_loop3A_959 : i32 to index
      %parallel_loop3A_993 = tpu.vector_load %arg8[%parallel_loop3A_991, %parallel_loop3A_992] {strides = array<i32>} : memref<8x1024xf32, #tpu.memory_space<vmem>>, vector<1x16xf32>,
      %parallel_loop3A_994 = vector.shape_cast %parallel_loop3A_993 : vector<1x16xf32> to vector<16xf32>
      %parallel_loop3A_995 = vector.shape_cast %parallel_loop3A_990 : vector<16xf32> to vector<1x16xf32>
      tpu.vector_store %arg8[%parallel_loop3A_991, %parallel_loop3A_992], %parallel_loop3A_995 {strides = array<i32>} : memref<8x1024xf32, #tpu.memory_space<vmem>>, vector<1x16xf32>,
      %parallel_loop3A_996 = arith.index_cast %parallel_loop3A_956 : i32 to index
      %parallel_loop3A_997 = arith.index_cast %parallel_loop3A_959 : i32 to index
      %parallel_loop3A_998 = tpu.vector_load %arg9[%parallel_loop3A_996, %parallel_loop3A_997] {strides = array<i32>} : memref<8x1024xf32, #tpu.memory_space<vmem>>, vector<1x16xf32>,
      %parallel_loop3A_999 = vector.shape_cast %parallel_loop3A_998 : vector<1x16xf32> to vector<16xf32>
      %parallel_loop3A_1000 = arith.addf %parallel_loop3A_999, %parallel_loop3A_965 : vector<16xf32>
      %parallel_loop3A_1001 = arith.index_cast %parallel_loop3A_956 : i32 to index
      %parallel_loop3A_1002 = arith.index_cast %parallel_loop3A_959 : i32 to index
      %parallel_loop3A_1003 = tpu.vector_load %arg9[%parallel_loop3A_1001, %parallel_loop3A_1002] {strides = array<i32>} : memref<8x1024xf32, #tpu.memory_space<vmem>>, vector<1x16xf32>,
      %parallel_loop3A_1004 = vector.shape_cast %parallel_loop3A_1003 : vector<1x16xf32> to vector<16xf32>
      %parallel_loop3A_1005 = vector.shape_cast %parallel_loop3A_1000 : vector<16xf32> to vector<1x16xf32>
      tpu.vector_store %arg9[%parallel_loop3A_1001, %parallel_loop3A_1002], %parallel_loop3A_1005 {strides = array<i32>} : memref<8x1024xf32, #tpu.memory_space<vmem>>, vector<1x16xf32>,
    } {sc.loop_unroll_factor = 4 : i64, sc.parallel_access}
    %add3A_569 = arith.constant 32 : i32
    %add3A_570 = arith.addi %mul3A_2, %add3A_569 : i32
    %dma_start3A_571 = arith.constant 0 : i32
    %dma_start3A_572 = arith.constant 0 : i32
    %dma_start3A_573 = tpu.memref_slice %arg4[%dma_start3A_571, %add3A_570, %dma_start3A_572] : memref<4x2048x1024xf32, #tpu.memory_space<hbm>> -> memref<1x8x1024xf32, #tpu.memory_space<hbm>>
    %dma_start3A_574 = tpu.memref_squeeze %dma_start3A_573 : memref<1x8x1024xf32, #tpu.memory_space<hbm>> -> memref<8x1024xf32, #tpu.memory_space<hbm>>
    %dma_start3A_575 = arith.constant 0 : i32
    %dma_start3A_576 = tpu.memref_slice %arg4[%dma_start3A_571, %add3A_570, %dma_start3A_575] : memref<4x2048x1024xf32, #tpu.memory_space<hbm>> -> memref<1x8x1024xf32, #tpu.memory_space<hbm>>
    %dma_start3A_577 = tpu.memref_squeeze %dma_start3A_576 : memref<1x8x1024xf32, #tpu.memory_space<hbm>> -> memref<8x1024xf32, #tpu.memory_space<hbm>>
    tpu.enqueue_dma source(%arg6 : memref<8x1024xf32, #tpu.memory_space<vmem>>) target(%dma_start3A_577 : memref<8x1024xf32, #tpu.memory_space<hbm>>) target_semaphore(%arg22 : memref<!tpu.dma_semaphore, #tpu.memory_space<semaphore_mem>>)
    %dma_start3A_578 = arith.constant 1 : i32
    %dma_start3A_579 = arith.constant 0 : i32
    %dma_start3A_580 = tpu.memref_slice %arg4[%dma_start3A_578, %add3A_570, %dma_start3A_579] : memref<4x2048x1024xf32, #tpu.memory_space<hbm>> -> memref<1x8x1024xf32, #tpu.memory_space<hbm>>
    %dma_start3A_581 = tpu.memref_squeeze %dma_start3A_580 : memref<1x8x1024xf32, #tpu.memory_space<hbm>> -> memref<8x1024xf32, #tpu.memory_space<hbm>>
    %dma_start3A_582 = arith.constant 0 : i32
    %dma_start3A_583 = tpu.memref_slice %arg4[%dma_start3A_578, %add3A_570, %dma_start3A_582] : memref<4x2048x1024xf32, #tpu.memory_space<hbm>> -> memref<1x8x1024xf32, #tpu.memory_space<hbm>>
    %dma_start3A_584 = tpu.memref_squeeze %dma_start3A_583 : memref<1x8x1024xf32, #tpu.memory_space<hbm>> -> memref<8x1024xf32, #tpu.memory_space<hbm>>
    tpu.enqueue_dma source(%arg7 : memref<8x1024xf32, #tpu.memory_space<vmem>>) target(%dma_start3A_584 : memref<8x1024xf32, #tpu.memory_space<hbm>>) target_semaphore(%arg23 : memref<!tpu.dma_semaphore, #tpu.memory_space<semaphore_mem>>)
    %dma_start3A_585 = arith.constant 2 : i32
    %dma_start3A_586 = arith.constant 0 : i32
    %dma_start3A_587 = tpu.memref_slice %arg4[%dma_start3A_585, %add3A_570, %dma_start3A_586] : memref<4x2048x1024xf32, #tpu.memory_space<hbm>> -> memref<1x8x1024xf32, #tpu.memory_space<hbm>>
    %dma_start3A_588 = tpu.memref_squeeze %dma_start3A_587 : memref<1x8x1024xf32, #tpu.memory_space<hbm>> -> memref<8x1024xf32, #tpu.memory_space<hbm>>
    %dma_start3A_589 = arith.constant 0 : i32
    %dma_start3A_590 = tpu.memref_slice %arg4[%dma_start3A_585, %add3A_570, %dma_start3A_589] : memref<4x2048x1024xf32, #tpu.memory_space<hbm>> -> memref<1x8x1024xf32, #tpu.memory_space<hbm>>
    %dma_start3A_591 = tpu.memref_squeeze %dma_start3A_590 : memref<1x8x1024xf32, #tpu.memory_space<hbm>> -> memref<8x1024xf32, #tpu.memory_space<hbm>>
    tpu.enqueue_dma source(%arg8 : memref<8x1024xf32, #tpu.memory_space<vmem>>) target(%dma_start3A_591 : memref<8x1024xf32, #tpu.memory_space<hbm>>) target_semaphore(%arg24 : memref<!tpu.dma_semaphore, #tpu.memory_space<semaphore_mem>>)
    %dma_start3A_592 = arith.constant 3 : i32
    %dma_start3A_593 = arith.constant 0 : i32
    %dma_start3A_594 = tpu.memref_slice %arg4[%dma_start3A_592, %add3A_570, %dma_start3A_593] : memref<4x2048x1024xf32, #tpu.memory_space<hbm>> -> memref<1x8x1024xf32, #tpu.memory_space<hbm>>
    %dma_start3A_595 = tpu.memref_squeeze %dma_start3A_594 : memref<1x8x1024xf32, #tpu.memory_space<hbm>> -> memref<8x1024xf32, #tpu.memory_space<hbm>>
    %dma_start3A_596 = arith.constant 0 : i32
    %dma_start3A_597 = tpu.memref_slice %arg4[%dma_start3A_592, %add3A_570, %dma_start3A_596] : memref<4x2048x1024xf32, #tpu.memory_space<hbm>> -> memref<1x8x1024xf32, #tpu.memory_space<hbm>>
    %dma_start3A_598 = tpu.memref_squeeze %dma_start3A_597 : memref<1x8x1024xf32, #tpu.memory_space<hbm>> -> memref<8x1024xf32, #tpu.memory_space<hbm>>
    tpu.enqueue_dma source(%arg9 : memref<8x1024xf32, #tpu.memory_space<vmem>>) target(%dma_start3A_598 : memref<8x1024xf32, #tpu.memory_space<hbm>>) target_semaphore(%arg25 : memref<!tpu.dma_semaphore, #tpu.memory_space<semaphore_mem>>)
    %dma_wait3A_599 = arith.constant 0 : i32
    %dma_wait3A_600 = arith.constant 0 : i32
    %dma_wait3A_601 = tpu.memref_slice %arg2[%dma_wait3A_599, %add3A_537, %dma_wait3A_600] : memref<4x2048x1024xf32, #tpu.memory_space<hbm>> -> memref<1x8x1024xf32, #tpu.memory_space<hbm>>
    %dma_wait3A_602 = tpu.memref_squeeze %dma_wait3A_601 : memref<1x8x1024xf32, #tpu.memory_space<hbm>> -> memref<8x1024xf32, #tpu.memory_space<hbm>>
    %dma_wait3A_603 = arith.constant 0 : i32
    %dma_wait3A_604 = tpu.memref_slice %arg2[%dma_wait3A_599, %add3A_537, %dma_wait3A_603] : memref<4x2048x1024xf32, #tpu.memory_space<hbm>> -> memref<1x8x1024xf32, #tpu.memory_space<hbm>>
    %dma_wait3A_605 = tpu.memref_squeeze %dma_wait3A_604 : memref<1x8x1024xf32, #tpu.memory_space<hbm>> -> memref<8x1024xf32, #tpu.memory_space<hbm>>
    tpu.wait_dma2 semaphore(%arg18 : memref<!tpu.dma_semaphore, #tpu.memory_space<semaphore_mem>>) src(%dma_wait3A_605 : memref<8x1024xf32, #tpu.memory_space<hbm>>) dst(%arg10 : memref<8x1024xf32, #tpu.memory_space<vmem>>)
    %dma_wait3A_606 = arith.constant 1 : i32
    %dma_wait3A_607 = arith.constant 0 : i32
    %dma_wait3A_608 = tpu.memref_slice %arg2[%dma_wait3A_606, %add3A_537, %dma_wait3A_607] : memref<4x2048x1024xf32, #tpu.memory_space<hbm>> -> memref<1x8x1024xf32, #tpu.memory_space<hbm>>
    %dma_wait3A_609 = tpu.memref_squeeze %dma_wait3A_608 : memref<1x8x1024xf32, #tpu.memory_space<hbm>> -> memref<8x1024xf32, #tpu.memory_space<hbm>>
    %dma_wait3A_610 = arith.constant 0 : i32
    %dma_wait3A_611 = tpu.memref_slice %arg2[%dma_wait3A_606, %add3A_537, %dma_wait3A_610] : memref<4x2048x1024xf32, #tpu.memory_space<hbm>> -> memref<1x8x1024xf32, #tpu.memory_space<hbm>>
    %dma_wait3A_612 = tpu.memref_squeeze %dma_wait3A_611 : memref<1x8x1024xf32, #tpu.memory_space<hbm>> -> memref<8x1024xf32, #tpu.memory_space<hbm>>
    tpu.wait_dma2 semaphore(%arg19 : memref<!tpu.dma_semaphore, #tpu.memory_space<semaphore_mem>>) src(%dma_wait3A_612 : memref<8x1024xf32, #tpu.memory_space<hbm>>) dst(%arg11 : memref<8x1024xf32, #tpu.memory_space<vmem>>)
    %dma_wait3A_613 = arith.constant 2 : i32
    %dma_wait3A_614 = arith.constant 0 : i32
    %dma_wait3A_615 = tpu.memref_slice %arg2[%dma_wait3A_613, %add3A_537, %dma_wait3A_614] : memref<4x2048x1024xf32, #tpu.memory_space<hbm>> -> memref<1x8x1024xf32, #tpu.memory_space<hbm>>
    %dma_wait3A_616 = tpu.memref_squeeze %dma_wait3A_615 : memref<1x8x1024xf32, #tpu.memory_space<hbm>> -> memref<8x1024xf32, #tpu.memory_space<hbm>>
    %dma_wait3A_617 = arith.constant 0 : i32
    %dma_wait3A_618 = tpu.memref_slice %arg2[%dma_wait3A_613, %add3A_537, %dma_wait3A_617] : memref<4x2048x1024xf32, #tpu.memory_space<hbm>> -> memref<1x8x1024xf32, #tpu.memory_space<hbm>>
    %dma_wait3A_619 = tpu.memref_squeeze %dma_wait3A_618 : memref<1x8x1024xf32, #tpu.memory_space<hbm>> -> memref<8x1024xf32, #tpu.memory_space<hbm>>
    tpu.wait_dma2 semaphore(%arg20 : memref<!tpu.dma_semaphore, #tpu.memory_space<semaphore_mem>>) src(%dma_wait3A_619 : memref<8x1024xf32, #tpu.memory_space<hbm>>) dst(%arg12 : memref<8x1024xf32, #tpu.memory_space<vmem>>)
    %dma_wait3A_620 = arith.constant 3 : i32
    %dma_wait3A_621 = arith.constant 0 : i32
    %dma_wait3A_622 = tpu.memref_slice %arg2[%dma_wait3A_620, %add3A_537, %dma_wait3A_621] : memref<4x2048x1024xf32, #tpu.memory_space<hbm>> -> memref<1x8x1024xf32, #tpu.memory_space<hbm>>
    %dma_wait3A_623 = tpu.memref_squeeze %dma_wait3A_622 : memref<1x8x1024xf32, #tpu.memory_space<hbm>> -> memref<8x1024xf32, #tpu.memory_space<hbm>>
    %dma_wait3A_624 = arith.constant 0 : i32
    %dma_wait3A_625 = tpu.memref_slice %arg2[%dma_wait3A_620, %add3A_537, %dma_wait3A_624] : memref<4x2048x1024xf32, #tpu.memory_space<hbm>> -> memref<1x8x1024xf32, #tpu.memory_space<hbm>>
    %dma_wait3A_626 = tpu.memref_squeeze %dma_wait3A_625 : memref<1x8x1024xf32, #tpu.memory_space<hbm>> -> memref<8x1024xf32, #tpu.memory_space<hbm>>
    tpu.wait_dma2 semaphore(%arg21 : memref<!tpu.dma_semaphore, #tpu.memory_space<semaphore_mem>>) src(%dma_wait3A_626 : memref<8x1024xf32, #tpu.memory_space<hbm>>) dst(%arg13 : memref<8x1024xf32, #tpu.memory_space<vmem>>)
    %dma_wait3A_627 = arith.constant 0 : i32
    %dma_wait3A_628 = arith.constant 0 : i32
    %dma_wait3A_629 = tpu.memref_slice %arg4[%dma_wait3A_627, %add3A_570, %dma_wait3A_628] : memref<4x2048x1024xf32, #tpu.memory_space<hbm>> -> memref<1x8x1024xf32, #tpu.memory_space<hbm>>
    %dma_wait3A_630 = tpu.memref_squeeze %dma_wait3A_629 : memref<1x8x1024xf32, #tpu.memory_space<hbm>> -> memref<8x1024xf32, #tpu.memory_space<hbm>>
    %dma_wait3A_631 = arith.constant 0 : i32
    %dma_wait3A_632 = tpu.memref_slice %arg4[%dma_wait3A_627, %add3A_570, %dma_wait3A_631] : memref<4x2048x1024xf32, #tpu.memory_space<hbm>> -> memref<1x8x1024xf32, #tpu.memory_space<hbm>>
    %dma_wait3A_633 = tpu.memref_squeeze %dma_wait3A_632 : memref<1x8x1024xf32, #tpu.memory_space<hbm>> -> memref<8x1024xf32, #tpu.memory_space<hbm>>
    tpu.wait_dma2 semaphore(%arg22 : memref<!tpu.dma_semaphore, #tpu.memory_space<semaphore_mem>>) src(%arg6 : memref<8x1024xf32, #tpu.memory_space<vmem>>) dst(%dma_wait3A_633 : memref<8x1024xf32, #tpu.memory_space<hbm>>)
    %dma_wait3A_634 = arith.constant 1 : i32
    %dma_wait3A_635 = arith.constant 0 : i32
    %dma_wait3A_636 = tpu.memref_slice %arg4[%dma_wait3A_634, %add3A_570, %dma_wait3A_635] : memref<4x2048x1024xf32, #tpu.memory_space<hbm>> -> memref<1x8x1024xf32, #tpu.memory_space<hbm>>
    %dma_wait3A_637 = tpu.memref_squeeze %dma_wait3A_636 : memref<1x8x1024xf32, #tpu.memory_space<hbm>> -> memref<8x1024xf32, #tpu.memory_space<hbm>>
    %dma_wait3A_638 = arith.constant 0 : i32
    %dma_wait3A_639 = tpu.memref_slice %arg4[%dma_wait3A_634, %add3A_570, %dma_wait3A_638] : memref<4x2048x1024xf32, #tpu.memory_space<hbm>> -> memref<1x8x1024xf32, #tpu.memory_space<hbm>>
    %dma_wait3A_640 = tpu.memref_squeeze %dma_wait3A_639 : memref<1x8x1024xf32, #tpu.memory_space<hbm>> -> memref<8x1024xf32, #tpu.memory_space<hbm>>
    tpu.wait_dma2 semaphore(%arg23 : memref<!tpu.dma_semaphore, #tpu.memory_space<semaphore_mem>>) src(%arg7 : memref<8x1024xf32, #tpu.memory_space<vmem>>) dst(%dma_wait3A_640 : memref<8x1024xf32, #tpu.memory_space<hbm>>)
    %dma_wait3A_641 = arith.constant 2 : i32
    %dma_wait3A_642 = arith.constant 0 : i32
    %dma_wait3A_643 = tpu.memref_slice %arg4[%dma_wait3A_641, %add3A_570, %dma_wait3A_642] : memref<4x2048x1024xf32, #tpu.memory_space<hbm>> -> memref<1x8x1024xf32, #tpu.memory_space<hbm>>
    %dma_wait3A_644 = tpu.memref_squeeze %dma_wait3A_643 : memref<1x8x1024xf32, #tpu.memory_space<hbm>> -> memref<8x1024xf32, #tpu.memory_space<hbm>>
    %dma_wait3A_645 = arith.constant 0 : i32
    %dma_wait3A_646 = tpu.memref_slice %arg4[%dma_wait3A_641, %add3A_570, %dma_wait3A_645] : memref<4x2048x1024xf32, #tpu.memory_space<hbm>> -> memref<1x8x1024xf32, #tpu.memory_space<hbm>>
    %dma_wait3A_647 = tpu.memref_squeeze %dma_wait3A_646 : memref<1x8x1024xf32, #tpu.memory_space<hbm>> -> memref<8x1024xf32, #tpu.memory_space<hbm>>
    tpu.wait_dma2 semaphore(%arg24 : memref<!tpu.dma_semaphore, #tpu.memory_space<semaphore_mem>>) src(%arg8 : memref<8x1024xf32, #tpu.memory_space<vmem>>) dst(%dma_wait3A_647 : memref<8x1024xf32, #tpu.memory_space<hbm>>)
    %dma_wait3A_648 = arith.constant 3 : i32
    %dma_wait3A_649 = arith.constant 0 : i32
    %dma_wait3A_650 = tpu.memref_slice %arg4[%dma_wait3A_648, %add3A_570, %dma_wait3A_649] : memref<4x2048x1024xf32, #tpu.memory_space<hbm>> -> memref<1x8x1024xf32, #tpu.memory_space<hbm>>
    %dma_wait3A_651 = tpu.memref_squeeze %dma_wait3A_650 : memref<1x8x1024xf32, #tpu.memory_space<hbm>> -> memref<8x1024xf32, #tpu.memory_space<hbm>>
    %dma_wait3A_652 = arith.constant 0 : i32
    %dma_wait3A_653 = tpu.memref_slice %arg4[%dma_wait3A_648, %add3A_570, %dma_wait3A_652] : memref<4x2048x1024xf32, #tpu.memory_space<hbm>> -> memref<1x8x1024xf32, #tpu.memory_space<hbm>>
    %dma_wait3A_654 = tpu.memref_squeeze %dma_wait3A_653 : memref<1x8x1024xf32, #tpu.memory_space<hbm>> -> memref<8x1024xf32, #tpu.memory_space<hbm>>
    tpu.wait_dma2 semaphore(%arg25 : memref<!tpu.dma_semaphore, #tpu.memory_space<semaphore_mem>>) src(%arg9 : memref<8x1024xf32, #tpu.memory_space<vmem>>) dst(%dma_wait3A_654 : memref<8x1024xf32, #tpu.memory_space<hbm>>)
    %add3A_655 = arith.constant 48 : i32
    %add3A_656 = arith.addi %mul3A_2, %add3A_655 : i32
    %dma_start3A_657 = arith.constant 0 : i32
    %dma_start3A_658 = arith.constant 0 : i32
    %dma_start3A_659 = tpu.memref_slice %arg2[%dma_start3A_657, %add3A_656, %dma_start3A_658] : memref<4x2048x1024xf32, #tpu.memory_space<hbm>> -> memref<1x8x1024xf32, #tpu.memory_space<hbm>>
    %dma_start3A_660 = tpu.memref_squeeze %dma_start3A_659 : memref<1x8x1024xf32, #tpu.memory_space<hbm>> -> memref<8x1024xf32, #tpu.memory_space<hbm>>
    %dma_start3A_661 = arith.constant 0 : i32
    %dma_start3A_662 = tpu.memref_slice %arg2[%dma_start3A_657, %add3A_656, %dma_start3A_661] : memref<4x2048x1024xf32, #tpu.memory_space<hbm>> -> memref<1x8x1024xf32, #tpu.memory_space<hbm>>
    %dma_start3A_663 = tpu.memref_squeeze %dma_start3A_662 : memref<1x8x1024xf32, #tpu.memory_space<hbm>> -> memref<8x1024xf32, #tpu.memory_space<hbm>>
    tpu.enqueue_dma source(%dma_start3A_663 : memref<8x1024xf32, #tpu.memory_space<hbm>>) target(%arg6 : memref<8x1024xf32, #tpu.memory_space<vmem>>) target_semaphore(%arg14 : memref<!tpu.dma_semaphore, #tpu.memory_space<semaphore_mem>>)
    %dma_start3A_664 = arith.constant 1 : i32
    %dma_start3A_665 = arith.constant 0 : i32
    %dma_start3A_666 = tpu.memref_slice %arg2[%dma_start3A_664, %add3A_656, %dma_start3A_665] : memref<4x2048x1024xf32, #tpu.memory_space<hbm>> -> memref<1x8x1024xf32, #tpu.memory_space<hbm>>
    %dma_start3A_667 = tpu.memref_squeeze %dma_start3A_666 : memref<1x8x1024xf32, #tpu.memory_space<hbm>> -> memref<8x1024xf32, #tpu.memory_space<hbm>>
    %dma_start3A_668 = arith.constant 0 : i32
    %dma_start3A_669 = tpu.memref_slice %arg2[%dma_start3A_664, %add3A_656, %dma_start3A_668] : memref<4x2048x1024xf32, #tpu.memory_space<hbm>> -> memref<1x8x1024xf32, #tpu.memory_space<hbm>>
    %dma_start3A_670 = tpu.memref_squeeze %dma_start3A_669 : memref<1x8x1024xf32, #tpu.memory_space<hbm>> -> memref<8x1024xf32, #tpu.memory_space<hbm>>
    tpu.enqueue_dma source(%dma_start3A_670 : memref<8x1024xf32, #tpu.memory_space<hbm>>) target(%arg7 : memref<8x1024xf32, #tpu.memory_space<vmem>>) target_semaphore(%arg15 : memref<!tpu.dma_semaphore, #tpu.memory_space<semaphore_mem>>)
    %dma_start3A_671 = arith.constant 2 : i32
    %dma_start3A_672 = arith.constant 0 : i32
    %dma_start3A_673 = tpu.memref_slice %arg2[%dma_start3A_671, %add3A_656, %dma_start3A_672] : memref<4x2048x1024xf32, #tpu.memory_space<hbm>> -> memref<1x8x1024xf32, #tpu.memory_space<hbm>>
    %dma_start3A_674 = tpu.memref_squeeze %dma_start3A_673 : memref<1x8x1024xf32, #tpu.memory_space<hbm>> -> memref<8x1024xf32, #tpu.memory_space<hbm>>
    %dma_start3A_675 = arith.constant 0 : i32
    %dma_start3A_676 = tpu.memref_slice %arg2[%dma_start3A_671, %add3A_656, %dma_start3A_675] : memref<4x2048x1024xf32, #tpu.memory_space<hbm>> -> memref<1x8x1024xf32, #tpu.memory_space<hbm>>
    %dma_start3A_677 = tpu.memref_squeeze %dma_start3A_676 : memref<1x8x1024xf32, #tpu.memory_space<hbm>> -> memref<8x1024xf32, #tpu.memory_space<hbm>>
    tpu.enqueue_dma source(%dma_start3A_677 : memref<8x1024xf32, #tpu.memory_space<hbm>>) target(%arg8 : memref<8x1024xf32, #tpu.memory_space<vmem>>) target_semaphore(%arg16 : memref<!tpu.dma_semaphore, #tpu.memory_space<semaphore_mem>>)
    %dma_start3A_678 = arith.constant 3 : i32
    %dma_start3A_679 = arith.constant 0 : i32
    %dma_start3A_680 = tpu.memref_slice %arg2[%dma_start3A_678, %add3A_656, %dma_start3A_679] : memref<4x2048x1024xf32, #tpu.memory_space<hbm>> -> memref<1x8x1024xf32, #tpu.memory_space<hbm>>
    %dma_start3A_681 = tpu.memref_squeeze %dma_start3A_680 : memref<1x8x1024xf32, #tpu.memory_space<hbm>> -> memref<8x1024xf32, #tpu.memory_space<hbm>>
    %dma_start3A_682 = arith.constant 0 : i32
    %dma_start3A_683 = tpu.memref_slice %arg2[%dma_start3A_678, %add3A_656, %dma_start3A_682] : memref<4x2048x1024xf32, #tpu.memory_space<hbm>> -> memref<1x8x1024xf32, #tpu.memory_space<hbm>>
    %dma_start3A_684 = tpu.memref_squeeze %dma_start3A_683 : memref<1x8x1024xf32, #tpu.memory_space<hbm>> -> memref<8x1024xf32, #tpu.memory_space<hbm>>
    tpu.enqueue_dma source(%dma_start3A_684 : memref<8x1024xf32, #tpu.memory_space<hbm>>) target(%arg9 : memref<8x1024xf32, #tpu.memory_space<vmem>>) target_semaphore(%arg17 : memref<!tpu.dma_semaphore, #tpu.memory_space<semaphore_mem>>)
    %parallel_loop3A_685 = arith.constant 0 : i32
    %parallel_loop3A_686 = arith.constant 8192 : i32
    %parallel_loop3A_687 = arith.constant 16 : i32
    scf.for %parallel_loop3A_954 = %parallel_loop3A_685 to %parallel_loop3A_686 step %parallel_loop3A_687  : i32 {
      %parallel_loop3A_955 = arith.constant 10 : i32
      %parallel_loop3A_956 = arith.shrsi %parallel_loop3A_954, %parallel_loop3A_955 : i32
      %parallel_loop3A_957 = arith.constant 1023 : i32
      %parallel_loop3A_958 = arith.andi %parallel_loop3A_954, %parallel_loop3A_957 : i32
      %parallel_loop3A_959 = tpu.assume_multiple %parallel_loop3A_958, 16 : i32
      %parallel_loop3A_960 = arith.constant 8 : i32
      %parallel_loop3A_961 = arith.addi %parallel_loop3A_960, %parallel_loop3A_956 : i32
      %parallel_loop3A_962 = arith.index_cast %parallel_loop3A_961 : i32 to index
      %parallel_loop3A_963 = arith.index_cast %parallel_loop3A_959 : i32 to index
      %parallel_loop3A_964 = tpu.vector_load %arg5[%parallel_loop3A_962, %parallel_loop3A_963] {strides = array<i32>} : memref<32x1024xf32, #tpu.memory_space<vmem>>, vector<1x16xf32>,
      %parallel_loop3A_965 = vector.shape_cast %parallel_loop3A_964 : vector<1x16xf32> to vector<16xf32>
      %parallel_loop3A_966 = arith.index_cast %parallel_loop3A_956 : i32 to index
      %parallel_loop3A_967 = arith.index_cast %parallel_loop3A_959 : i32 to index
      %parallel_loop3A_968 = tpu.vector_load %arg10[%parallel_loop3A_966, %parallel_loop3A_967] {strides = array<i32>} : memref<8x1024xf32, #tpu.memory_space<vmem>>, vector<1x16xf32>,
      %parallel_loop3A_969 = vector.shape_cast %parallel_loop3A_968 : vector<1x16xf32> to vector<16xf32>
      %parallel_loop3A_970 = arith.addf %parallel_loop3A_969, %parallel_loop3A_965 : vector<16xf32>
      %parallel_loop3A_971 = arith.index_cast %parallel_loop3A_956 : i32 to index
      %parallel_loop3A_972 = arith.index_cast %parallel_loop3A_959 : i32 to index
      %parallel_loop3A_973 = tpu.vector_load %arg10[%parallel_loop3A_971, %parallel_loop3A_972] {strides = array<i32>} : memref<8x1024xf32, #tpu.memory_space<vmem>>, vector<1x16xf32>,
      %parallel_loop3A_974 = vector.shape_cast %parallel_loop3A_973 : vector<1x16xf32> to vector<16xf32>
      %parallel_loop3A_975 = vector.shape_cast %parallel_loop3A_970 : vector<16xf32> to vector<1x16xf32>
      tpu.vector_store %arg10[%parallel_loop3A_971, %parallel_loop3A_972], %parallel_loop3A_975 {strides = array<i32>} : memref<8x1024xf32, #tpu.memory_space<vmem>>, vector<1x16xf32>,
      %parallel_loop3A_976 = arith.index_cast %parallel_loop3A_956 : i32 to index
      %parallel_loop3A_977 = arith.index_cast %parallel_loop3A_959 : i32 to index
      %parallel_loop3A_978 = tpu.vector_load %arg11[%parallel_loop3A_976, %parallel_loop3A_977] {strides = array<i32>} : memref<8x1024xf32, #tpu.memory_space<vmem>>, vector<1x16xf32>,
      %parallel_loop3A_979 = vector.shape_cast %parallel_loop3A_978 : vector<1x16xf32> to vector<16xf32>
      %parallel_loop3A_980 = arith.addf %parallel_loop3A_979, %parallel_loop3A_965 : vector<16xf32>
      %parallel_loop3A_981 = arith.index_cast %parallel_loop3A_956 : i32 to index
      %parallel_loop3A_982 = arith.index_cast %parallel_loop3A_959 : i32 to index
      %parallel_loop3A_983 = tpu.vector_load %arg11[%parallel_loop3A_981, %parallel_loop3A_982] {strides = array<i32>} : memref<8x1024xf32, #tpu.memory_space<vmem>>, vector<1x16xf32>,
      %parallel_loop3A_984 = vector.shape_cast %parallel_loop3A_983 : vector<1x16xf32> to vector<16xf32>
      %parallel_loop3A_985 = vector.shape_cast %parallel_loop3A_980 : vector<16xf32> to vector<1x16xf32>
      tpu.vector_store %arg11[%parallel_loop3A_981, %parallel_loop3A_982], %parallel_loop3A_985 {strides = array<i32>} : memref<8x1024xf32, #tpu.memory_space<vmem>>, vector<1x16xf32>,
      %parallel_loop3A_986 = arith.index_cast %parallel_loop3A_956 : i32 to index
      %parallel_loop3A_987 = arith.index_cast %parallel_loop3A_959 : i32 to index
      %parallel_loop3A_988 = tpu.vector_load %arg12[%parallel_loop3A_986, %parallel_loop3A_987] {strides = array<i32>} : memref<8x1024xf32, #tpu.memory_space<vmem>>, vector<1x16xf32>,
      %parallel_loop3A_989 = vector.shape_cast %parallel_loop3A_988 : vector<1x16xf32> to vector<16xf32>
      %parallel_loop3A_990 = arith.addf %parallel_loop3A_989, %parallel_loop3A_965 : vector<16xf32>
      %parallel_loop3A_991 = arith.index_cast %parallel_loop3A_956 : i32 to index
      %parallel_loop3A_992 = arith.index_cast %parallel_loop3A_959 : i32 to index
      %parallel_loop3A_993 = tpu.vector_load %arg12[%parallel_loop3A_991, %parallel_loop3A_992] {strides = array<i32>} : memref<8x1024xf32, #tpu.memory_space<vmem>>, vector<1x16xf32>,
      %parallel_loop3A_994 = vector.shape_cast %parallel_loop3A_993 : vector<1x16xf32> to vector<16xf32>
      %parallel_loop3A_995 = vector.shape_cast %parallel_loop3A_990 : vector<16xf32> to vector<1x16xf32>
      tpu.vector_store %arg12[%parallel_loop3A_991, %parallel_loop3A_992], %parallel_loop3A_995 {strides = array<i32>} : memref<8x1024xf32, #tpu.memory_space<vmem>>, vector<1x16xf32>,
      %parallel_loop3A_996 = arith.index_cast %parallel_loop3A_956 : i32 to index
      %parallel_loop3A_997 = arith.index_cast %parallel_loop3A_959 : i32 to index
      %parallel_loop3A_998 = tpu.vector_load %arg13[%parallel_loop3A_996, %parallel_loop3A_997] {strides = array<i32>} : memref<8x1024xf32, #tpu.memory_space<vmem>>, vector<1x16xf32>,
      %parallel_loop3A_999 = vector.shape_cast %parallel_loop3A_998 : vector<1x16xf32> to vector<16xf32>
      %parallel_loop3A_1000 = arith.addf %parallel_loop3A_999, %parallel_loop3A_965 : vector<16xf32>
      %parallel_loop3A_1001 = arith.index_cast %parallel_loop3A_956 : i32 to index
      %parallel_loop3A_1002 = arith.index_cast %parallel_loop3A_959 : i32 to index
      %parallel_loop3A_1003 = tpu.vector_load %arg13[%parallel_loop3A_1001, %parallel_loop3A_1002] {strides = array<i32>} : memref<8x1024xf32, #tpu.memory_space<vmem>>, vector<1x16xf32>,
      %parallel_loop3A_1004 = vector.shape_cast %parallel_loop3A_1003 : vector<1x16xf32> to vector<16xf32>
      %parallel_loop3A_1005 = vector.shape_cast %parallel_loop3A_1000 : vector<16xf32> to vector<1x16xf32>
      tpu.vector_store %arg13[%parallel_loop3A_1001, %parallel_loop3A_1002], %parallel_loop3A_1005 {strides = array<i32>} : memref<8x1024xf32, #tpu.memory_space<vmem>>, vector<1x16xf32>,
    } {sc.loop_unroll_factor = 4 : i64, sc.parallel_access}
    %add3A_688 = arith.constant 40 : i32
    %add3A_689 = arith.addi %mul3A_2, %add3A_688 : i32
    %dma_start3A_690 = arith.constant 0 : i32
    %dma_start3A_691 = arith.constant 0 : i32
    %dma_start3A_692 = tpu.memref_slice %arg4[%dma_start3A_690, %add3A_689, %dma_start3A_691] : memref<4x2048x1024xf32, #tpu.memory_space<hbm>> -> memref<1x8x1024xf32, #tpu.memory_space<hbm>>
    %dma_start3A_693 = tpu.memref_squeeze %dma_start3A_692 : memref<1x8x1024xf32, #tpu.memory_space<hbm>> -> memref<8x1024xf32, #tpu.memory_space<hbm>>
    %dma_start3A_694 = arith.constant 0 : i32
    %dma_start3A_695 = tpu.memref_slice %arg4[%dma_start3A_690, %add3A_689, %dma_start3A_694] : memref<4x2048x1024xf32, #tpu.memory_space<hbm>> -> memref<1x8x1024xf32, #tpu.memory_space<hbm>>
    %dma_start3A_696 = tpu.memref_squeeze %dma_start3A_695 : memref<1x8x1024xf32, #tpu.memory_space<hbm>> -> memref<8x1024xf32, #tpu.memory_space<hbm>>
    tpu.enqueue_dma source(%arg10 : memref<8x1024xf32, #tpu.memory_space<vmem>>) target(%dma_start3A_696 : memref<8x1024xf32, #tpu.memory_space<hbm>>) target_semaphore(%arg26 : memref<!tpu.dma_semaphore, #tpu.memory_space<semaphore_mem>>)
    %dma_start3A_697 = arith.constant 1 : i32
    %dma_start3A_698 = arith.constant 0 : i32
    %dma_start3A_699 = tpu.memref_slice %arg4[%dma_start3A_697, %add3A_689, %dma_start3A_698] : memref<4x2048x1024xf32, #tpu.memory_space<hbm>> -> memref<1x8x1024xf32, #tpu.memory_space<hbm>>
    %dma_start3A_700 = tpu.memref_squeeze %dma_start3A_699 : memref<1x8x1024xf32, #tpu.memory_space<hbm>> -> memref<8x1024xf32, #tpu.memory_space<hbm>>
    %dma_start3A_701 = arith.constant 0 : i32
    %dma_start3A_702 = tpu.memref_slice %arg4[%dma_start3A_697, %add3A_689, %dma_start3A_701] : memref<4x2048x1024xf32, #tpu.memory_space<hbm>> -> memref<1x8x1024xf32, #tpu.memory_space<hbm>>
    %dma_start3A_703 = tpu.memref_squeeze %dma_start3A_702 : memref<1x8x1024xf32, #tpu.memory_space<hbm>> -> memref<8x1024xf32, #tpu.memory_space<hbm>>
    tpu.enqueue_dma source(%arg11 : memref<8x1024xf32, #tpu.memory_space<vmem>>) target(%dma_start3A_703 : memref<8x1024xf32, #tpu.memory_space<hbm>>) target_semaphore(%arg27 : memref<!tpu.dma_semaphore, #tpu.memory_space<semaphore_mem>>)
    %dma_start3A_704 = arith.constant 2 : i32
    %dma_start3A_705 = arith.constant 0 : i32
    %dma_start3A_706 = tpu.memref_slice %arg4[%dma_start3A_704, %add3A_689, %dma_start3A_705] : memref<4x2048x1024xf32, #tpu.memory_space<hbm>> -> memref<1x8x1024xf32, #tpu.memory_space<hbm>>
    %dma_start3A_707 = tpu.memref_squeeze %dma_start3A_706 : memref<1x8x1024xf32, #tpu.memory_space<hbm>> -> memref<8x1024xf32, #tpu.memory_space<hbm>>
    %dma_start3A_708 = arith.constant 0 : i32
    %dma_start3A_709 = tpu.memref_slice %arg4[%dma_start3A_704, %add3A_689, %dma_start3A_708] : memref<4x2048x1024xf32, #tpu.memory_space<hbm>> -> memref<1x8x1024xf32, #tpu.memory_space<hbm>>
    %dma_start3A_710 = tpu.memref_squeeze %dma_start3A_709 : memref<1x8x1024xf32, #tpu.memory_space<hbm>> -> memref<8x1024xf32, #tpu.memory_space<hbm>>
    tpu.enqueue_dma source(%arg12 : memref<8x1024xf32, #tpu.memory_space<vmem>>) target(%dma_start3A_710 : memref<8x1024xf32, #tpu.memory_space<hbm>>) target_semaphore(%arg28 : memref<!tpu.dma_semaphore, #tpu.memory_space<semaphore_mem>>)
    %dma_start3A_711 = arith.constant 3 : i32
    %dma_start3A_712 = arith.constant 0 : i32
    %dma_start3A_713 = tpu.memref_slice %arg4[%dma_start3A_711, %add3A_689, %dma_start3A_712] : memref<4x2048x1024xf32, #tpu.memory_space<hbm>> -> memref<1x8x1024xf32, #tpu.memory_space<hbm>>
    %dma_start3A_714 = tpu.memref_squeeze %dma_start3A_713 : memref<1x8x1024xf32, #tpu.memory_space<hbm>> -> memref<8x1024xf32, #tpu.memory_space<hbm>>
    %dma_start3A_715 = arith.constant 0 : i32
    %dma_start3A_716 = tpu.memref_slice %arg4[%dma_start3A_711, %add3A_689, %dma_start3A_715] : memref<4x2048x1024xf32, #tpu.memory_space<hbm>> -> memref<1x8x1024xf32, #tpu.memory_space<hbm>>
    %dma_start3A_717 = tpu.memref_squeeze %dma_start3A_716 : memref<1x8x1024xf32, #tpu.memory_space<hbm>> -> memref<8x1024xf32, #tpu.memory_space<hbm>>
    tpu.enqueue_dma source(%arg13 : memref<8x1024xf32, #tpu.memory_space<vmem>>) target(%dma_start3A_717 : memref<8x1024xf32, #tpu.memory_space<hbm>>) target_semaphore(%arg29 : memref<!tpu.dma_semaphore, #tpu.memory_space<semaphore_mem>>)
    %dma_wait3A_718 = arith.constant 0 : i32
    %dma_wait3A_719 = arith.constant 0 : i32
    %dma_wait3A_720 = tpu.memref_slice %arg2[%dma_wait3A_718, %add3A_656, %dma_wait3A_719] : memref<4x2048x1024xf32, #tpu.memory_space<hbm>> -> memref<1x8x1024xf32, #tpu.memory_space<hbm>>
    %dma_wait3A_721 = tpu.memref_squeeze %dma_wait3A_720 : memref<1x8x1024xf32, #tpu.memory_space<hbm>> -> memref<8x1024xf32, #tpu.memory_space<hbm>>
    %dma_wait3A_722 = arith.constant 0 : i32
    %dma_wait3A_723 = tpu.memref_slice %arg2[%dma_wait3A_718, %add3A_656, %dma_wait3A_722] : memref<4x2048x1024xf32, #tpu.memory_space<hbm>> -> memref<1x8x1024xf32, #tpu.memory_space<hbm>>
    %dma_wait3A_724 = tpu.memref_squeeze %dma_wait3A_723 : memref<1x8x1024xf32, #tpu.memory_space<hbm>> -> memref<8x1024xf32, #tpu.memory_space<hbm>>
    tpu.wait_dma2 semaphore(%arg14 : memref<!tpu.dma_semaphore, #tpu.memory_space<semaphore_mem>>) src(%dma_wait3A_724 : memref<8x1024xf32, #tpu.memory_space<hbm>>) dst(%arg6 : memref<8x1024xf32, #tpu.memory_space<vmem>>)
    %dma_wait3A_725 = arith.constant 1 : i32
    %dma_wait3A_726 = arith.constant 0 : i32
    %dma_wait3A_727 = tpu.memref_slice %arg2[%dma_wait3A_725, %add3A_656, %dma_wait3A_726] : memref<4x2048x1024xf32, #tpu.memory_space<hbm>> -> memref<1x8x1024xf32, #tpu.memory_space<hbm>>
    %dma_wait3A_728 = tpu.memref_squeeze %dma_wait3A_727 : memref<1x8x1024xf32, #tpu.memory_space<hbm>> -> memref<8x1024xf32, #tpu.memory_space<hbm>>
    %dma_wait3A_729 = arith.constant 0 : i32
    %dma_wait3A_730 = tpu.memref_slice %arg2[%dma_wait3A_725, %add3A_656, %dma_wait3A_729] : memref<4x2048x1024xf32, #tpu.memory_space<hbm>> -> memref<1x8x1024xf32, #tpu.memory_space<hbm>>
    %dma_wait3A_731 = tpu.memref_squeeze %dma_wait3A_730 : memref<1x8x1024xf32, #tpu.memory_space<hbm>> -> memref<8x1024xf32, #tpu.memory_space<hbm>>
    tpu.wait_dma2 semaphore(%arg15 : memref<!tpu.dma_semaphore, #tpu.memory_space<semaphore_mem>>) src(%dma_wait3A_731 : memref<8x1024xf32, #tpu.memory_space<hbm>>) dst(%arg7 : memref<8x1024xf32, #tpu.memory_space<vmem>>)
    %dma_wait3A_732 = arith.constant 2 : i32
    %dma_wait3A_733 = arith.constant 0 : i32
    %dma_wait3A_734 = tpu.memref_slice %arg2[%dma_wait3A_732, %add3A_656, %dma_wait3A_733] : memref<4x2048x1024xf32, #tpu.memory_space<hbm>> -> memref<1x8x1024xf32, #tpu.memory_space<hbm>>
    %dma_wait3A_735 = tpu.memref_squeeze %dma_wait3A_734 : memref<1x8x1024xf32, #tpu.memory_space<hbm>> -> memref<8x1024xf32, #tpu.memory_space<hbm>>
    %dma_wait3A_736 = arith.constant 0 : i32
    %dma_wait3A_737 = tpu.memref_slice %arg2[%dma_wait3A_732, %add3A_656, %dma_wait3A_736] : memref<4x2048x1024xf32, #tpu.memory_space<hbm>> -> memref<1x8x1024xf32, #tpu.memory_space<hbm>>
    %dma_wait3A_738 = tpu.memref_squeeze %dma_wait3A_737 : memref<1x8x1024xf32, #tpu.memory_space<hbm>> -> memref<8x1024xf32, #tpu.memory_space<hbm>>
    tpu.wait_dma2 semaphore(%arg16 : memref<!tpu.dma_semaphore, #tpu.memory_space<semaphore_mem>>) src(%dma_wait3A_738 : memref<8x1024xf32, #tpu.memory_space<hbm>>) dst(%arg8 : memref<8x1024xf32, #tpu.memory_space<vmem>>)
    %dma_wait3A_739 = arith.constant 3 : i32
    %dma_wait3A_740 = arith.constant 0 : i32
    %dma_wait3A_741 = tpu.memref_slice %arg2[%dma_wait3A_739, %add3A_656, %dma_wait3A_740] : memref<4x2048x1024xf32, #tpu.memory_space<hbm>> -> memref<1x8x1024xf32, #tpu.memory_space<hbm>>
    %dma_wait3A_742 = tpu.memref_squeeze %dma_wait3A_741 : memref<1x8x1024xf32, #tpu.memory_space<hbm>> -> memref<8x1024xf32, #tpu.memory_space<hbm>>
    %dma_wait3A_743 = arith.constant 0 : i32
    %dma_wait3A_744 = tpu.memref_slice %arg2[%dma_wait3A_739, %add3A_656, %dma_wait3A_743] : memref<4x2048x1024xf32, #tpu.memory_space<hbm>> -> memref<1x8x1024xf32, #tpu.memory_space<hbm>>
    %dma_wait3A_745 = tpu.memref_squeeze %dma_wait3A_744 : memref<1x8x1024xf32, #tpu.memory_space<hbm>> -> memref<8x1024xf32, #tpu.memory_space<hbm>>
    tpu.wait_dma2 semaphore(%arg17 : memref<!tpu.dma_semaphore, #tpu.memory_space<semaphore_mem>>) src(%dma_wait3A_745 : memref<8x1024xf32, #tpu.memory_space<hbm>>) dst(%arg9 : memref<8x1024xf32, #tpu.memory_space<vmem>>)
    %dma_wait3A_746 = arith.constant 0 : i32
    %dma_wait3A_747 = arith.constant 0 : i32
    %dma_wait3A_748 = tpu.memref_slice %arg4[%dma_wait3A_746, %add3A_689, %dma_wait3A_747] : memref<4x2048x1024xf32, #tpu.memory_space<hbm>> -> memref<1x8x1024xf32, #tpu.memory_space<hbm>>
    %dma_wait3A_749 = tpu.memref_squeeze %dma_wait3A_748 : memref<1x8x1024xf32, #tpu.memory_space<hbm>> -> memref<8x1024xf32, #tpu.memory_space<hbm>>
    %dma_wait3A_750 = arith.constant 0 : i32
    %dma_wait3A_751 = tpu.memref_slice %arg4[%dma_wait3A_746, %add3A_689, %dma_wait3A_750] : memref<4x2048x1024xf32, #tpu.memory_space<hbm>> -> memref<1x8x1024xf32, #tpu.memory_space<hbm>>
    %dma_wait3A_752 = tpu.memref_squeeze %dma_wait3A_751 : memref<1x8x1024xf32, #tpu.memory_space<hbm>> -> memref<8x1024xf32, #tpu.memory_space<hbm>>
    tpu.wait_dma2 semaphore(%arg26 : memref<!tpu.dma_semaphore, #tpu.memory_space<semaphore_mem>>) src(%arg10 : memref<8x1024xf32, #tpu.memory_space<vmem>>) dst(%dma_wait3A_752 : memref<8x1024xf32, #tpu.memory_space<hbm>>)
    %dma_wait3A_753 = arith.constant 1 : i32
    %dma_wait3A_754 = arith.constant 0 : i32
    %dma_wait3A_755 = tpu.memref_slice %arg4[%dma_wait3A_753, %add3A_689, %dma_wait3A_754] : memref<4x2048x1024xf32, #tpu.memory_space<hbm>> -> memref<1x8x1024xf32, #tpu.memory_space<hbm>>
    %dma_wait3A_756 = tpu.memref_squeeze %dma_wait3A_755 : memref<1x8x1024xf32, #tpu.memory_space<hbm>> -> memref<8x1024xf32, #tpu.memory_space<hbm>>
    %dma_wait3A_757 = arith.constant 0 : i32
    %dma_wait3A_758 = tpu.memref_slice %arg4[%dma_wait3A_753, %add3A_689, %dma_wait3A_757] : memref<4x2048x1024xf32, #tpu.memory_space<hbm>> -> memref<1x8x1024xf32, #tpu.memory_space<hbm>>
    %dma_wait3A_759 = tpu.memref_squeeze %dma_wait3A_758 : memref<1x8x1024xf32, #tpu.memory_space<hbm>> -> memref<8x1024xf32, #tpu.memory_space<hbm>>
    tpu.wait_dma2 semaphore(%arg27 : memref<!tpu.dma_semaphore, #tpu.memory_space<semaphore_mem>>) src(%arg11 : memref<8x1024xf32, #tpu.memory_space<vmem>>) dst(%dma_wait3A_759 : memref<8x1024xf32, #tpu.memory_space<hbm>>)
    %dma_wait3A_760 = arith.constant 2 : i32
    %dma_wait3A_761 = arith.constant 0 : i32
    %dma_wait3A_762 = tpu.memref_slice %arg4[%dma_wait3A_760, %add3A_689, %dma_wait3A_761] : memref<4x2048x1024xf32, #tpu.memory_space<hbm>> -> memref<1x8x1024xf32, #tpu.memory_space<hbm>>
    %dma_wait3A_763 = tpu.memref_squeeze %dma_wait3A_762 : memref<1x8x1024xf32, #tpu.memory_space<hbm>> -> memref<8x1024xf32, #tpu.memory_space<hbm>>
    %dma_wait3A_764 = arith.constant 0 : i32
    %dma_wait3A_765 = tpu.memref_slice %arg4[%dma_wait3A_760, %add3A_689, %dma_wait3A_764] : memref<4x2048x1024xf32, #tpu.memory_space<hbm>> -> memref<1x8x1024xf32, #tpu.memory_space<hbm>>
    %dma_wait3A_766 = tpu.memref_squeeze %dma_wait3A_765 : memref<1x8x1024xf32, #tpu.memory_space<hbm>> -> memref<8x1024xf32, #tpu.memory_space<hbm>>
    tpu.wait_dma2 semaphore(%arg28 : memref<!tpu.dma_semaphore, #tpu.memory_space<semaphore_mem>>) src(%arg12 : memref<8x1024xf32, #tpu.memory_space<vmem>>) dst(%dma_wait3A_766 : memref<8x1024xf32, #tpu.memory_space<hbm>>)
    %dma_wait3A_767 = arith.constant 3 : i32
    %dma_wait3A_768 = arith.constant 0 : i32
    %dma_wait3A_769 = tpu.memref_slice %arg4[%dma_wait3A_767, %add3A_689, %dma_wait3A_768] : memref<4x2048x1024xf32, #tpu.memory_space<hbm>> -> memref<1x8x1024xf32, #tpu.memory_space<hbm>>
    %dma_wait3A_770 = tpu.memref_squeeze %dma_wait3A_769 : memref<1x8x1024xf32, #tpu.memory_space<hbm>> -> memref<8x1024xf32, #tpu.memory_space<hbm>>
    %dma_wait3A_771 = arith.constant 0 : i32
    %dma_wait3A_772 = tpu.memref_slice %arg4[%dma_wait3A_767, %add3A_689, %dma_wait3A_771] : memref<4x2048x1024xf32, #tpu.memory_space<hbm>> -> memref<1x8x1024xf32, #tpu.memory_space<hbm>>
    %dma_wait3A_773 = tpu.memref_squeeze %dma_wait3A_772 : memref<1x8x1024xf32, #tpu.memory_space<hbm>> -> memref<8x1024xf32, #tpu.memory_space<hbm>>
    tpu.wait_dma2 semaphore(%arg29 : memref<!tpu.dma_semaphore, #tpu.memory_space<semaphore_mem>>) src(%arg13 : memref<8x1024xf32, #tpu.memory_space<vmem>>) dst(%dma_wait3A_773 : memref<8x1024xf32, #tpu.memory_space<hbm>>)
    %add3A_774 = arith.constant 56 : i32
    %add3A_775 = arith.addi %mul3A_2, %add3A_774 : i32
    %dma_start3A_776 = arith.constant 0 : i32
    %dma_start3A_777 = arith.constant 0 : i32
    %dma_start3A_778 = tpu.memref_slice %arg2[%dma_start3A_776, %add3A_775, %dma_start3A_777] : memref<4x2048x1024xf32, #tpu.memory_space<hbm>> -> memref<1x8x1024xf32, #tpu.memory_space<hbm>>
    %dma_start3A_779 = tpu.memref_squeeze %dma_start3A_778 : memref<1x8x1024xf32, #tpu.memory_space<hbm>> -> memref<8x1024xf32, #tpu.memory_space<hbm>>
    %dma_start3A_780 = arith.constant 0 : i32
    %dma_start3A_781 = tpu.memref_slice %arg2[%dma_start3A_776, %add3A_775, %dma_start3A_780] : memref<4x2048x1024xf32, #tpu.memory_space<hbm>> -> memref<1x8x1024xf32, #tpu.memory_space<hbm>>
    %dma_start3A_782 = tpu.memref_squeeze %dma_start3A_781 : memref<1x8x1024xf32, #tpu.memory_space<hbm>> -> memref<8x1024xf32, #tpu.memory_space<hbm>>
    tpu.enqueue_dma source(%dma_start3A_782 : memref<8x1024xf32, #tpu.memory_space<hbm>>) target(%arg10 : memref<8x1024xf32, #tpu.memory_space<vmem>>) target_semaphore(%arg18 : memref<!tpu.dma_semaphore, #tpu.memory_space<semaphore_mem>>)
    %dma_start3A_783 = arith.constant 1 : i32
    %dma_start3A_784 = arith.constant 0 : i32
    %dma_start3A_785 = tpu.memref_slice %arg2[%dma_start3A_783, %add3A_775, %dma_start3A_784] : memref<4x2048x1024xf32, #tpu.memory_space<hbm>> -> memref<1x8x1024xf32, #tpu.memory_space<hbm>>
    %dma_start3A_786 = tpu.memref_squeeze %dma_start3A_785 : memref<1x8x1024xf32, #tpu.memory_space<hbm>> -> memref<8x1024xf32, #tpu.memory_space<hbm>>
    %dma_start3A_787 = arith.constant 0 : i32
    %dma_start3A_788 = tpu.memref_slice %arg2[%dma_start3A_783, %add3A_775, %dma_start3A_787] : memref<4x2048x1024xf32, #tpu.memory_space<hbm>> -> memref<1x8x1024xf32, #tpu.memory_space<hbm>>
    %dma_start3A_789 = tpu.memref_squeeze %dma_start3A_788 : memref<1x8x1024xf32, #tpu.memory_space<hbm>> -> memref<8x1024xf32, #tpu.memory_space<hbm>>
    tpu.enqueue_dma source(%dma_start3A_789 : memref<8x1024xf32, #tpu.memory_space<hbm>>) target(%arg11 : memref<8x1024xf32, #tpu.memory_space<vmem>>) target_semaphore(%arg19 : memref<!tpu.dma_semaphore, #tpu.memory_space<semaphore_mem>>)
    %dma_start3A_790 = arith.constant 2 : i32
    %dma_start3A_791 = arith.constant 0 : i32
    %dma_start3A_792 = tpu.memref_slice %arg2[%dma_start3A_790, %add3A_775, %dma_start3A_791] : memref<4x2048x1024xf32, #tpu.memory_space<hbm>> -> memref<1x8x1024xf32, #tpu.memory_space<hbm>>
    %dma_start3A_793 = tpu.memref_squeeze %dma_start3A_792 : memref<1x8x1024xf32, #tpu.memory_space<hbm>> -> memref<8x1024xf32, #tpu.memory_space<hbm>>
    %dma_start3A_794 = arith.constant 0 : i32
    %dma_start3A_795 = tpu.memref_slice %arg2[%dma_start3A_790, %add3A_775, %dma_start3A_794] : memref<4x2048x1024xf32, #tpu.memory_space<hbm>> -> memref<1x8x1024xf32, #tpu.memory_space<hbm>>
    %dma_start3A_796 = tpu.memref_squeeze %dma_start3A_795 : memref<1x8x1024xf32, #tpu.memory_space<hbm>> -> memref<8x1024xf32, #tpu.memory_space<hbm>>
    tpu.enqueue_dma source(%dma_start3A_796 : memref<8x1024xf32, #tpu.memory_space<hbm>>) target(%arg12 : memref<8x1024xf32, #tpu.memory_space<vmem>>) target_semaphore(%arg20 : memref<!tpu.dma_semaphore, #tpu.memory_space<semaphore_mem>>)
    %dma_start3A_797 = arith.constant 3 : i32
    %dma_start3A_798 = arith.constant 0 : i32
    %dma_start3A_799 = tpu.memref_slice %arg2[%dma_start3A_797, %add3A_775, %dma_start3A_798] : memref<4x2048x1024xf32, #tpu.memory_space<hbm>> -> memref<1x8x1024xf32, #tpu.memory_space<hbm>>
    %dma_start3A_800 = tpu.memref_squeeze %dma_start3A_799 : memref<1x8x1024xf32, #tpu.memory_space<hbm>> -> memref<8x1024xf32, #tpu.memory_space<hbm>>
    %dma_start3A_801 = arith.constant 0 : i32
    %dma_start3A_802 = tpu.memref_slice %arg2[%dma_start3A_797, %add3A_775, %dma_start3A_801] : memref<4x2048x1024xf32, #tpu.memory_space<hbm>> -> memref<1x8x1024xf32, #tpu.memory_space<hbm>>
    %dma_start3A_803 = tpu.memref_squeeze %dma_start3A_802 : memref<1x8x1024xf32, #tpu.memory_space<hbm>> -> memref<8x1024xf32, #tpu.memory_space<hbm>>
    tpu.enqueue_dma source(%dma_start3A_803 : memref<8x1024xf32, #tpu.memory_space<hbm>>) target(%arg13 : memref<8x1024xf32, #tpu.memory_space<vmem>>) target_semaphore(%arg21 : memref<!tpu.dma_semaphore, #tpu.memory_space<semaphore_mem>>)
    %parallel_loop3A_804 = arith.constant 0 : i32
    %parallel_loop3A_805 = arith.constant 8192 : i32
    %parallel_loop3A_806 = arith.constant 16 : i32
    scf.for %parallel_loop3A_954 = %parallel_loop3A_804 to %parallel_loop3A_805 step %parallel_loop3A_806  : i32 {
      %parallel_loop3A_955 = arith.constant 10 : i32
      %parallel_loop3A_956 = arith.shrsi %parallel_loop3A_954, %parallel_loop3A_955 : i32
      %parallel_loop3A_957 = arith.constant 1023 : i32
      %parallel_loop3A_958 = arith.andi %parallel_loop3A_954, %parallel_loop3A_957 : i32
      %parallel_loop3A_959 = tpu.assume_multiple %parallel_loop3A_958, 16 : i32
      %parallel_loop3A_960 = arith.constant 16 : i32
      %parallel_loop3A_961 = arith.addi %parallel_loop3A_960, %parallel_loop3A_956 : i32
      %parallel_loop3A_962 = arith.index_cast %parallel_loop3A_961 : i32 to index
      %parallel_loop3A_963 = arith.index_cast %parallel_loop3A_959 : i32 to index
      %parallel_loop3A_964 = tpu.vector_load %arg5[%parallel_loop3A_962, %parallel_loop3A_963] {strides = array<i32>} : memref<32x1024xf32, #tpu.memory_space<vmem>>, vector<1x16xf32>,
      %parallel_loop3A_965 = vector.shape_cast %parallel_loop3A_964 : vector<1x16xf32> to vector<16xf32>
      %parallel_loop3A_966 = arith.index_cast %parallel_loop3A_956 : i32 to index
      %parallel_loop3A_967 = arith.index_cast %parallel_loop3A_959 : i32 to index
      %parallel_loop3A_968 = tpu.vector_load %arg6[%parallel_loop3A_966, %parallel_loop3A_967] {strides = array<i32>} : memref<8x1024xf32, #tpu.memory_space<vmem>>, vector<1x16xf32>,
      %parallel_loop3A_969 = vector.shape_cast %parallel_loop3A_968 : vector<1x16xf32> to vector<16xf32>
      %parallel_loop3A_970 = arith.addf %parallel_loop3A_969, %parallel_loop3A_965 : vector<16xf32>
      %parallel_loop3A_971 = arith.index_cast %parallel_loop3A_956 : i32 to index
      %parallel_loop3A_972 = arith.index_cast %parallel_loop3A_959 : i32 to index
      %parallel_loop3A_973 = tpu.vector_load %arg6[%parallel_loop3A_971, %parallel_loop3A_972] {strides = array<i32>} : memref<8x1024xf32, #tpu.memory_space<vmem>>, vector<1x16xf32>,
      %parallel_loop3A_974 = vector.shape_cast %parallel_loop3A_973 : vector<1x16xf32> to vector<16xf32>
      %parallel_loop3A_975 = vector.shape_cast %parallel_loop3A_970 : vector<16xf32> to vector<1x16xf32>
      tpu.vector_store %arg6[%parallel_loop3A_971, %parallel_loop3A_972], %parallel_loop3A_975 {strides = array<i32>} : memref<8x1024xf32, #tpu.memory_space<vmem>>, vector<1x16xf32>,
      %parallel_loop3A_976 = arith.index_cast %parallel_loop3A_956 : i32 to index
      %parallel_loop3A_977 = arith.index_cast %parallel_loop3A_959 : i32 to index
      %parallel_loop3A_978 = tpu.vector_load %arg7[%parallel_loop3A_976, %parallel_loop3A_977] {strides = array<i32>} : memref<8x1024xf32, #tpu.memory_space<vmem>>, vector<1x16xf32>,
      %parallel_loop3A_979 = vector.shape_cast %parallel_loop3A_978 : vector<1x16xf32> to vector<16xf32>
      %parallel_loop3A_980 = arith.addf %parallel_loop3A_979, %parallel_loop3A_965 : vector<16xf32>
      %parallel_loop3A_981 = arith.index_cast %parallel_loop3A_956 : i32 to index
      %parallel_loop3A_982 = arith.index_cast %parallel_loop3A_959 : i32 to index
      %parallel_loop3A_983 = tpu.vector_load %arg7[%parallel_loop3A_981, %parallel_loop3A_982] {strides = array<i32>} : memref<8x1024xf32, #tpu.memory_space<vmem>>, vector<1x16xf32>,
      %parallel_loop3A_984 = vector.shape_cast %parallel_loop3A_983 : vector<1x16xf32> to vector<16xf32>
      %parallel_loop3A_985 = vector.shape_cast %parallel_loop3A_980 : vector<16xf32> to vector<1x16xf32>
      tpu.vector_store %arg7[%parallel_loop3A_981, %parallel_loop3A_982], %parallel_loop3A_985 {strides = array<i32>} : memref<8x1024xf32, #tpu.memory_space<vmem>>, vector<1x16xf32>,
      %parallel_loop3A_986 = arith.index_cast %parallel_loop3A_956 : i32 to index
      %parallel_loop3A_987 = arith.index_cast %parallel_loop3A_959 : i32 to index
      %parallel_loop3A_988 = tpu.vector_load %arg8[%parallel_loop3A_986, %parallel_loop3A_987] {strides = array<i32>} : memref<8x1024xf32, #tpu.memory_space<vmem>>, vector<1x16xf32>,
      %parallel_loop3A_989 = vector.shape_cast %parallel_loop3A_988 : vector<1x16xf32> to vector<16xf32>
      %parallel_loop3A_990 = arith.addf %parallel_loop3A_989, %parallel_loop3A_965 : vector<16xf32>
      %parallel_loop3A_991 = arith.index_cast %parallel_loop3A_956 : i32 to index
      %parallel_loop3A_992 = arith.index_cast %parallel_loop3A_959 : i32 to index
      %parallel_loop3A_993 = tpu.vector_load %arg8[%parallel_loop3A_991, %parallel_loop3A_992] {strides = array<i32>} : memref<8x1024xf32, #tpu.memory_space<vmem>>, vector<1x16xf32>,
      %parallel_loop3A_994 = vector.shape_cast %parallel_loop3A_993 : vector<1x16xf32> to vector<16xf32>
      %parallel_loop3A_995 = vector.shape_cast %parallel_loop3A_990 : vector<16xf32> to vector<1x16xf32>
      tpu.vector_store %arg8[%parallel_loop3A_991, %parallel_loop3A_992], %parallel_loop3A_995 {strides = array<i32>} : memref<8x1024xf32, #tpu.memory_space<vmem>>, vector<1x16xf32>,
      %parallel_loop3A_996 = arith.index_cast %parallel_loop3A_956 : i32 to index
      %parallel_loop3A_997 = arith.index_cast %parallel_loop3A_959 : i32 to index
      %parallel_loop3A_998 = tpu.vector_load %arg9[%parallel_loop3A_996, %parallel_loop3A_997] {strides = array<i32>} : memref<8x1024xf32, #tpu.memory_space<vmem>>, vector<1x16xf32>,
      %parallel_loop3A_999 = vector.shape_cast %parallel_loop3A_998 : vector<1x16xf32> to vector<16xf32>
      %parallel_loop3A_1000 = arith.addf %parallel_loop3A_999, %parallel_loop3A_965 : vector<16xf32>
      %parallel_loop3A_1001 = arith.index_cast %parallel_loop3A_956 : i32 to index
      %parallel_loop3A_1002 = arith.index_cast %parallel_loop3A_959 : i32 to index
      %parallel_loop3A_1003 = tpu.vector_load %arg9[%parallel_loop3A_1001, %parallel_loop3A_1002] {strides = array<i32>} : memref<8x1024xf32, #tpu.memory_space<vmem>>, vector<1x16xf32>,
      %parallel_loop3A_1004 = vector.shape_cast %parallel_loop3A_1003 : vector<1x16xf32> to vector<16xf32>
      %parallel_loop3A_1005 = vector.shape_cast %parallel_loop3A_1000 : vector<16xf32> to vector<1x16xf32>
      tpu.vector_store %arg9[%parallel_loop3A_1001, %parallel_loop3A_1002], %parallel_loop3A_1005 {strides = array<i32>} : memref<8x1024xf32, #tpu.memory_space<vmem>>, vector<1x16xf32>,
    } {sc.loop_unroll_factor = 4 : i64, sc.parallel_access}
    %add3A_807 = arith.constant 48 : i32
    %add3A_808 = arith.addi %mul3A_2, %add3A_807 : i32
    %dma_start3A_809 = arith.constant 0 : i32
    %dma_start3A_810 = arith.constant 0 : i32
    %dma_start3A_811 = tpu.memref_slice %arg4[%dma_start3A_809, %add3A_808, %dma_start3A_810] : memref<4x2048x1024xf32, #tpu.memory_space<hbm>> -> memref<1x8x1024xf32, #tpu.memory_space<hbm>>
    %dma_start3A_812 = tpu.memref_squeeze %dma_start3A_811 : memref<1x8x1024xf32, #tpu.memory_space<hbm>> -> memref<8x1024xf32, #tpu.memory_space<hbm>>
    %dma_start3A_813 = arith.constant 0 : i32
    %dma_start3A_814 = tpu.memref_slice %arg4[%dma_start3A_809, %add3A_808, %dma_start3A_813] : memref<4x2048x1024xf32, #tpu.memory_space<hbm>> -> memref<1x8x1024xf32, #tpu.memory_space<hbm>>
    %dma_start3A_815 = tpu.memref_squeeze %dma_start3A_814 : memref<1x8x1024xf32, #tpu.memory_space<hbm>> -> memref<8x1024xf32, #tpu.memory_space<hbm>>
    tpu.enqueue_dma source(%arg6 : memref<8x1024xf32, #tpu.memory_space<vmem>>) target(%dma_start3A_815 : memref<8x1024xf32, #tpu.memory_space<hbm>>) target_semaphore(%arg22 : memref<!tpu.dma_semaphore, #tpu.memory_space<semaphore_mem>>)
    %dma_start3A_816 = arith.constant 1 : i32
    %dma_start3A_817 = arith.constant 0 : i32
    %dma_start3A_818 = tpu.memref_slice %arg4[%dma_start3A_816, %add3A_808, %dma_start3A_817] : memref<4x2048x1024xf32, #tpu.memory_space<hbm>> -> memref<1x8x1024xf32, #tpu.memory_space<hbm>>
    %dma_start3A_819 = tpu.memref_squeeze %dma_start3A_818 : memref<1x8x1024xf32, #tpu.memory_space<hbm>> -> memref<8x1024xf32, #tpu.memory_space<hbm>>
    %dma_start3A_820 = arith.constant 0 : i32
    %dma_start3A_821 = tpu.memref_slice %arg4[%dma_start3A_816, %add3A_808, %dma_start3A_820] : memref<4x2048x1024xf32, #tpu.memory_space<hbm>> -> memref<1x8x1024xf32, #tpu.memory_space<hbm>>
    %dma_start3A_822 = tpu.memref_squeeze %dma_start3A_821 : memref<1x8x1024xf32, #tpu.memory_space<hbm>> -> memref<8x1024xf32, #tpu.memory_space<hbm>>
    tpu.enqueue_dma source(%arg7 : memref<8x1024xf32, #tpu.memory_space<vmem>>) target(%dma_start3A_822 : memref<8x1024xf32, #tpu.memory_space<hbm>>) target_semaphore(%arg23 : memref<!tpu.dma_semaphore, #tpu.memory_space<semaphore_mem>>)
    %dma_start3A_823 = arith.constant 2 : i32
    %dma_start3A_824 = arith.constant 0 : i32
    %dma_start3A_825 = tpu.memref_slice %arg4[%dma_start3A_823, %add3A_808, %dma_start3A_824] : memref<4x2048x1024xf32, #tpu.memory_space<hbm>> -> memref<1x8x1024xf32, #tpu.memory_space<hbm>>
    %dma_start3A_826 = tpu.memref_squeeze %dma_start3A_825 : memref<1x8x1024xf32, #tpu.memory_space<hbm>> -> memref<8x1024xf32, #tpu.memory_space<hbm>>
    %dma_start3A_827 = arith.constant 0 : i32
    %dma_start3A_828 = tpu.memref_slice %arg4[%dma_start3A_823, %add3A_808, %dma_start3A_827] : memref<4x2048x1024xf32, #tpu.memory_space<hbm>> -> memref<1x8x1024xf32, #tpu.memory_space<hbm>>
    %dma_start3A_829 = tpu.memref_squeeze %dma_start3A_828 : memref<1x8x1024xf32, #tpu.memory_space<hbm>> -> memref<8x1024xf32, #tpu.memory_space<hbm>>
    tpu.enqueue_dma source(%arg8 : memref<8x1024xf32, #tpu.memory_space<vmem>>) target(%dma_start3A_829 : memref<8x1024xf32, #tpu.memory_space<hbm>>) target_semaphore(%arg24 : memref<!tpu.dma_semaphore, #tpu.memory_space<semaphore_mem>>)
    %dma_start3A_830 = arith.constant 3 : i32
    %dma_start3A_831 = arith.constant 0 : i32
    %dma_start3A_832 = tpu.memref_slice %arg4[%dma_start3A_830, %add3A_808, %dma_start3A_831] : memref<4x2048x1024xf32, #tpu.memory_space<hbm>> -> memref<1x8x1024xf32, #tpu.memory_space<hbm>>
    %dma_start3A_833 = tpu.memref_squeeze %dma_start3A_832 : memref<1x8x1024xf32, #tpu.memory_space<hbm>> -> memref<8x1024xf32, #tpu.memory_space<hbm>>
    %dma_start3A_834 = arith.constant 0 : i32
    %dma_start3A_835 = tpu.memref_slice %arg4[%dma_start3A_830, %add3A_808, %dma_start3A_834] : memref<4x2048x1024xf32, #tpu.memory_space<hbm>> -> memref<1x8x1024xf32, #tpu.memory_space<hbm>>
    %dma_start3A_836 = tpu.memref_squeeze %dma_start3A_835 : memref<1x8x1024xf32, #tpu.memory_space<hbm>> -> memref<8x1024xf32, #tpu.memory_space<hbm>>
    tpu.enqueue_dma source(%arg9 : memref<8x1024xf32, #tpu.memory_space<vmem>>) target(%dma_start3A_836 : memref<8x1024xf32, #tpu.memory_space<hbm>>) target_semaphore(%arg25 : memref<!tpu.dma_semaphore, #tpu.memory_space<semaphore_mem>>)
    %dma_wait3A_837 = arith.constant 0 : i32
    %dma_wait3A_838 = arith.constant 0 : i32
    %dma_wait3A_839 = tpu.memref_slice %arg2[%dma_wait3A_837, %add3A_775, %dma_wait3A_838] : memref<4x2048x1024xf32, #tpu.memory_space<hbm>> -> memref<1x8x1024xf32, #tpu.memory_space<hbm>>
    %dma_wait3A_840 = tpu.memref_squeeze %dma_wait3A_839 : memref<1x8x1024xf32, #tpu.memory_space<hbm>> -> memref<8x1024xf32, #tpu.memory_space<hbm>>
    %dma_wait3A_841 = arith.constant 0 : i32
    %dma_wait3A_842 = tpu.memref_slice %arg2[%dma_wait3A_837, %add3A_775, %dma_wait3A_841] : memref<4x2048x1024xf32, #tpu.memory_space<hbm>> -> memref<1x8x1024xf32, #tpu.memory_space<hbm>>
    %dma_wait3A_843 = tpu.memref_squeeze %dma_wait3A_842 : memref<1x8x1024xf32, #tpu.memory_space<hbm>> -> memref<8x1024xf32, #tpu.memory_space<hbm>>
    tpu.wait_dma2 semaphore(%arg18 : memref<!tpu.dma_semaphore, #tpu.memory_space<semaphore_mem>>) src(%dma_wait3A_843 : memref<8x1024xf32, #tpu.memory_space<hbm>>) dst(%arg10 : memref<8x1024xf32, #tpu.memory_space<vmem>>)
    %dma_wait3A_844 = arith.constant 1 : i32
    %dma_wait3A_845 = arith.constant 0 : i32
    %dma_wait3A_846 = tpu.memref_slice %arg2[%dma_wait3A_844, %add3A_775, %dma_wait3A_845] : memref<4x2048x1024xf32, #tpu.memory_space<hbm>> -> memref<1x8x1024xf32, #tpu.memory_space<hbm>>
    %dma_wait3A_847 = tpu.memref_squeeze %dma_wait3A_846 : memref<1x8x1024xf32, #tpu.memory_space<hbm>> -> memref<8x1024xf32, #tpu.memory_space<hbm>>
    %dma_wait3A_848 = arith.constant 0 : i32
    %dma_wait3A_849 = tpu.memref_slice %arg2[%dma_wait3A_844, %add3A_775, %dma_wait3A_848] : memref<4x2048x1024xf32, #tpu.memory_space<hbm>> -> memref<1x8x1024xf32, #tpu.memory_space<hbm>>
    %dma_wait3A_850 = tpu.memref_squeeze %dma_wait3A_849 : memref<1x8x1024xf32, #tpu.memory_space<hbm>> -> memref<8x1024xf32, #tpu.memory_space<hbm>>
    tpu.wait_dma2 semaphore(%arg19 : memref<!tpu.dma_semaphore, #tpu.memory_space<semaphore_mem>>) src(%dma_wait3A_850 : memref<8x1024xf32, #tpu.memory_space<hbm>>) dst(%arg11 : memref<8x1024xf32, #tpu.memory_space<vmem>>)
    %dma_wait3A_851 = arith.constant 2 : i32
    %dma_wait3A_852 = arith.constant 0 : i32
    %dma_wait3A_853 = tpu.memref_slice %arg2[%dma_wait3A_851, %add3A_775, %dma_wait3A_852] : memref<4x2048x1024xf32, #tpu.memory_space<hbm>> -> memref<1x8x1024xf32, #tpu.memory_space<hbm>>
    %dma_wait3A_854 = tpu.memref_squeeze %dma_wait3A_853 : memref<1x8x1024xf32, #tpu.memory_space<hbm>> -> memref<8x1024xf32, #tpu.memory_space<hbm>>
    %dma_wait3A_855 = arith.constant 0 : i32
    %dma_wait3A_856 = tpu.memref_slice %arg2[%dma_wait3A_851, %add3A_775, %dma_wait3A_855] : memref<4x2048x1024xf32, #tpu.memory_space<hbm>> -> memref<1x8x1024xf32, #tpu.memory_space<hbm>>
    %dma_wait3A_857 = tpu.memref_squeeze %dma_wait3A_856 : memref<1x8x1024xf32, #tpu.memory_space<hbm>> -> memref<8x1024xf32, #tpu.memory_space<hbm>>
    tpu.wait_dma2 semaphore(%arg20 : memref<!tpu.dma_semaphore, #tpu.memory_space<semaphore_mem>>) src(%dma_wait3A_857 : memref<8x1024xf32, #tpu.memory_space<hbm>>) dst(%arg12 : memref<8x1024xf32, #tpu.memory_space<vmem>>)
    %dma_wait3A_858 = arith.constant 3 : i32
    %dma_wait3A_859 = arith.constant 0 : i32
    %dma_wait3A_860 = tpu.memref_slice %arg2[%dma_wait3A_858, %add3A_775, %dma_wait3A_859] : memref<4x2048x1024xf32, #tpu.memory_space<hbm>> -> memref<1x8x1024xf32, #tpu.memory_space<hbm>>
    %dma_wait3A_861 = tpu.memref_squeeze %dma_wait3A_860 : memref<1x8x1024xf32, #tpu.memory_space<hbm>> -> memref<8x1024xf32, #tpu.memory_space<hbm>>
    %dma_wait3A_862 = arith.constant 0 : i32
    %dma_wait3A_863 = tpu.memref_slice %arg2[%dma_wait3A_858, %add3A_775, %dma_wait3A_862] : memref<4x2048x1024xf32, #tpu.memory_space<hbm>> -> memref<1x8x1024xf32, #tpu.memory_space<hbm>>
    %dma_wait3A_864 = tpu.memref_squeeze %dma_wait3A_863 : memref<1x8x1024xf32, #tpu.memory_space<hbm>> -> memref<8x1024xf32, #tpu.memory_space<hbm>>
    tpu.wait_dma2 semaphore(%arg21 : memref<!tpu.dma_semaphore, #tpu.memory_space<semaphore_mem>>) src(%dma_wait3A_864 : memref<8x1024xf32, #tpu.memory_space<hbm>>) dst(%arg13 : memref<8x1024xf32, #tpu.memory_space<vmem>>)
    %parallel_loop3A_865 = arith.constant 0 : i32
    %parallel_loop3A_866 = arith.constant 8192 : i32
    %parallel_loop3A_867 = arith.constant 16 : i32
    scf.for %parallel_loop3A_954 = %parallel_loop3A_865 to %parallel_loop3A_866 step %parallel_loop3A_867  : i32 {
      %parallel_loop3A_955 = arith.constant 10 : i32
      %parallel_loop3A_956 = arith.shrsi %parallel_loop3A_954, %parallel_loop3A_955 : i32
      %parallel_loop3A_957 = arith.constant 1023 : i32
      %parallel_loop3A_958 = arith.andi %parallel_loop3A_954, %parallel_loop3A_957 : i32
      %parallel_loop3A_959 = tpu.assume_multiple %parallel_loop3A_958, 16 : i32
      %parallel_loop3A_960 = arith.constant 24 : i32
      %parallel_loop3A_961 = arith.addi %parallel_loop3A_960, %parallel_loop3A_956 : i32
      %parallel_loop3A_962 = arith.index_cast %parallel_loop3A_961 : i32 to index
      %parallel_loop3A_963 = arith.index_cast %parallel_loop3A_959 : i32 to index
      %parallel_loop3A_964 = tpu.vector_load %arg5[%parallel_loop3A_962, %parallel_loop3A_963] {strides = array<i32>} : memref<32x1024xf32, #tpu.memory_space<vmem>>, vector<1x16xf32>,
      %parallel_loop3A_965 = vector.shape_cast %parallel_loop3A_964 : vector<1x16xf32> to vector<16xf32>
      %parallel_loop3A_966 = arith.index_cast %parallel_loop3A_956 : i32 to index
      %parallel_loop3A_967 = arith.index_cast %parallel_loop3A_959 : i32 to index
      %parallel_loop3A_968 = tpu.vector_load %arg10[%parallel_loop3A_966, %parallel_loop3A_967] {strides = array<i32>} : memref<8x1024xf32, #tpu.memory_space<vmem>>, vector<1x16xf32>,
      %parallel_loop3A_969 = vector.shape_cast %parallel_loop3A_968 : vector<1x16xf32> to vector<16xf32>
      %parallel_loop3A_970 = arith.addf %parallel_loop3A_969, %parallel_loop3A_965 : vector<16xf32>
      %parallel_loop3A_971 = arith.index_cast %parallel_loop3A_956 : i32 to index
      %parallel_loop3A_972 = arith.index_cast %parallel_loop3A_959 : i32 to index
      %parallel_loop3A_973 = tpu.vector_load %arg10[%parallel_loop3A_971, %parallel_loop3A_972] {strides = array<i32>} : memref<8x1024xf32, #tpu.memory_space<vmem>>, vector<1x16xf32>,
      %parallel_loop3A_974 = vector.shape_cast %parallel_loop3A_973 : vector<1x16xf32> to vector<16xf32>
      %parallel_loop3A_975 = vector.shape_cast %parallel_loop3A_970 : vector<16xf32> to vector<1x16xf32>
      tpu.vector_store %arg10[%parallel_loop3A_971, %parallel_loop3A_972], %parallel_loop3A_975 {strides = array<i32>} : memref<8x1024xf32, #tpu.memory_space<vmem>>, vector<1x16xf32>,
      %parallel_loop3A_976 = arith.index_cast %parallel_loop3A_956 : i32 to index
      %parallel_loop3A_977 = arith.index_cast %parallel_loop3A_959 : i32 to index
      %parallel_loop3A_978 = tpu.vector_load %arg11[%parallel_loop3A_976, %parallel_loop3A_977] {strides = array<i32>} : memref<8x1024xf32, #tpu.memory_space<vmem>>, vector<1x16xf32>,
      %parallel_loop3A_979 = vector.shape_cast %parallel_loop3A_978 : vector<1x16xf32> to vector<16xf32>
      %parallel_loop3A_980 = arith.addf %parallel_loop3A_979, %parallel_loop3A_965 : vector<16xf32>
      %parallel_loop3A_981 = arith.index_cast %parallel_loop3A_956 : i32 to index
      %parallel_loop3A_982 = arith.index_cast %parallel_loop3A_959 : i32 to index
      %parallel_loop3A_983 = tpu.vector_load %arg11[%parallel_loop3A_981, %parallel_loop3A_982] {strides = array<i32>} : memref<8x1024xf32, #tpu.memory_space<vmem>>, vector<1x16xf32>,
      %parallel_loop3A_984 = vector.shape_cast %parallel_loop3A_983 : vector<1x16xf32> to vector<16xf32>
      %parallel_loop3A_985 = vector.shape_cast %parallel_loop3A_980 : vector<16xf32> to vector<1x16xf32>
      tpu.vector_store %arg11[%parallel_loop3A_981, %parallel_loop3A_982], %parallel_loop3A_985 {strides = array<i32>} : memref<8x1024xf32, #tpu.memory_space<vmem>>, vector<1x16xf32>,
      %parallel_loop3A_986 = arith.index_cast %parallel_loop3A_956 : i32 to index
      %parallel_loop3A_987 = arith.index_cast %parallel_loop3A_959 : i32 to index
      %parallel_loop3A_988 = tpu.vector_load %arg12[%parallel_loop3A_986, %parallel_loop3A_987] {strides = array<i32>} : memref<8x1024xf32, #tpu.memory_space<vmem>>, vector<1x16xf32>,
      %parallel_loop3A_989 = vector.shape_cast %parallel_loop3A_988 : vector<1x16xf32> to vector<16xf32>
      %parallel_loop3A_990 = arith.addf %parallel_loop3A_989, %parallel_loop3A_965 : vector<16xf32>
      %parallel_loop3A_991 = arith.index_cast %parallel_loop3A_956 : i32 to index
      %parallel_loop3A_992 = arith.index_cast %parallel_loop3A_959 : i32 to index
      %parallel_loop3A_993 = tpu.vector_load %arg12[%parallel_loop3A_991, %parallel_loop3A_992] {strides = array<i32>} : memref<8x1024xf32, #tpu.memory_space<vmem>>, vector<1x16xf32>,
      %parallel_loop3A_994 = vector.shape_cast %parallel_loop3A_993 : vector<1x16xf32> to vector<16xf32>
      %parallel_loop3A_995 = vector.shape_cast %parallel_loop3A_990 : vector<16xf32> to vector<1x16xf32>
      tpu.vector_store %arg12[%parallel_loop3A_991, %parallel_loop3A_992], %parallel_loop3A_995 {strides = array<i32>} : memref<8x1024xf32, #tpu.memory_space<vmem>>, vector<1x16xf32>,
      %parallel_loop3A_996 = arith.index_cast %parallel_loop3A_956 : i32 to index
      %parallel_loop3A_997 = arith.index_cast %parallel_loop3A_959 : i32 to index
      %parallel_loop3A_998 = tpu.vector_load %arg13[%parallel_loop3A_996, %parallel_loop3A_997] {strides = array<i32>} : memref<8x1024xf32, #tpu.memory_space<vmem>>, vector<1x16xf32>,
      %parallel_loop3A_999 = vector.shape_cast %parallel_loop3A_998 : vector<1x16xf32> to vector<16xf32>
      %parallel_loop3A_1000 = arith.addf %parallel_loop3A_999, %parallel_loop3A_965 : vector<16xf32>
      %parallel_loop3A_1001 = arith.index_cast %parallel_loop3A_956 : i32 to index
      %parallel_loop3A_1002 = arith.index_cast %parallel_loop3A_959 : i32 to index
      %parallel_loop3A_1003 = tpu.vector_load %arg13[%parallel_loop3A_1001, %parallel_loop3A_1002] {strides = array<i32>} : memref<8x1024xf32, #tpu.memory_space<vmem>>, vector<1x16xf32>,
      %parallel_loop3A_1004 = vector.shape_cast %parallel_loop3A_1003 : vector<1x16xf32> to vector<16xf32>
      %parallel_loop3A_1005 = vector.shape_cast %parallel_loop3A_1000 : vector<16xf32> to vector<1x16xf32>
      tpu.vector_store %arg13[%parallel_loop3A_1001, %parallel_loop3A_1002], %parallel_loop3A_1005 {strides = array<i32>} : memref<8x1024xf32, #tpu.memory_space<vmem>>, vector<1x16xf32>,
    } {sc.loop_unroll_factor = 4 : i64, sc.parallel_access}
    %add3A_868 = arith.constant 56 : i32
    %add3A_869 = arith.addi %mul3A_2, %add3A_868 : i32
    %dma_start3A_870 = arith.constant 0 : i32
    %dma_start3A_871 = arith.constant 0 : i32
    %dma_start3A_872 = tpu.memref_slice %arg4[%dma_start3A_870, %add3A_869, %dma_start3A_871] : memref<4x2048x1024xf32, #tpu.memory_space<hbm>> -> memref<1x8x1024xf32, #tpu.memory_space<hbm>>
    %dma_start3A_873 = tpu.memref_squeeze %dma_start3A_872 : memref<1x8x1024xf32, #tpu.memory_space<hbm>> -> memref<8x1024xf32, #tpu.memory_space<hbm>>
    %dma_start3A_874 = arith.constant 0 : i32
    %dma_start3A_875 = tpu.memref_slice %arg4[%dma_start3A_870, %add3A_869, %dma_start3A_874] : memref<4x2048x1024xf32, #tpu.memory_space<hbm>> -> memref<1x8x1024xf32, #tpu.memory_space<hbm>>
    %dma_start3A_876 = tpu.memref_squeeze %dma_start3A_875 : memref<1x8x1024xf32, #tpu.memory_space<hbm>> -> memref<8x1024xf32, #tpu.memory_space<hbm>>
    tpu.enqueue_dma source(%arg10 : memref<8x1024xf32, #tpu.memory_space<vmem>>) target(%dma_start3A_876 : memref<8x1024xf32, #tpu.memory_space<hbm>>) target_semaphore(%arg26 : memref<!tpu.dma_semaphore, #tpu.memory_space<semaphore_mem>>)
    %dma_start3A_877 = arith.constant 1 : i32
    %dma_start3A_878 = arith.constant 0 : i32
    %dma_start3A_879 = tpu.memref_slice %arg4[%dma_start3A_877, %add3A_869, %dma_start3A_878] : memref<4x2048x1024xf32, #tpu.memory_space<hbm>> -> memref<1x8x1024xf32, #tpu.memory_space<hbm>>
    %dma_start3A_880 = tpu.memref_squeeze %dma_start3A_879 : memref<1x8x1024xf32, #tpu.memory_space<hbm>> -> memref<8x1024xf32, #tpu.memory_space<hbm>>
    %dma_start3A_881 = arith.constant 0 : i32
    %dma_start3A_882 = tpu.memref_slice %arg4[%dma_start3A_877, %add3A_869, %dma_start3A_881] : memref<4x2048x1024xf32, #tpu.memory_space<hbm>> -> memref<1x8x1024xf32, #tpu.memory_space<hbm>>
    %dma_start3A_883 = tpu.memref_squeeze %dma_start3A_882 : memref<1x8x1024xf32, #tpu.memory_space<hbm>> -> memref<8x1024xf32, #tpu.memory_space<hbm>>
    tpu.enqueue_dma source(%arg11 : memref<8x1024xf32, #tpu.memory_space<vmem>>) target(%dma_start3A_883 : memref<8x1024xf32, #tpu.memory_space<hbm>>) target_semaphore(%arg27 : memref<!tpu.dma_semaphore, #tpu.memory_space<semaphore_mem>>)
    %dma_start3A_884 = arith.constant 2 : i32
    %dma_start3A_885 = arith.constant 0 : i32
    %dma_start3A_886 = tpu.memref_slice %arg4[%dma_start3A_884, %add3A_869, %dma_start3A_885] : memref<4x2048x1024xf32, #tpu.memory_space<hbm>> -> memref<1x8x1024xf32, #tpu.memory_space<hbm>>
    %dma_start3A_887 = tpu.memref_squeeze %dma_start3A_886 : memref<1x8x1024xf32, #tpu.memory_space<hbm>> -> memref<8x1024xf32, #tpu.memory_space<hbm>>
    %dma_start3A_888 = arith.constant 0 : i32
    %dma_start3A_889 = tpu.memref_slice %arg4[%dma_start3A_884, %add3A_869, %dma_start3A_888] : memref<4x2048x1024xf32, #tpu.memory_space<hbm>> -> memref<1x8x1024xf32, #tpu.memory_space<hbm>>
    %dma_start3A_890 = tpu.memref_squeeze %dma_start3A_889 : memref<1x8x1024xf32, #tpu.memory_space<hbm>> -> memref<8x1024xf32, #tpu.memory_space<hbm>>
    tpu.enqueue_dma source(%arg12 : memref<8x1024xf32, #tpu.memory_space<vmem>>) target(%dma_start3A_890 : memref<8x1024xf32, #tpu.memory_space<hbm>>) target_semaphore(%arg28 : memref<!tpu.dma_semaphore, #tpu.memory_space<semaphore_mem>>)
    %dma_start3A_891 = arith.constant 3 : i32
    %dma_start3A_892 = arith.constant 0 : i32
    %dma_start3A_893 = tpu.memref_slice %arg4[%dma_start3A_891, %add3A_869, %dma_start3A_892] : memref<4x2048x1024xf32, #tpu.memory_space<hbm>> -> memref<1x8x1024xf32, #tpu.memory_space<hbm>>
    %dma_start3A_894 = tpu.memref_squeeze %dma_start3A_893 : memref<1x8x1024xf32, #tpu.memory_space<hbm>> -> memref<8x1024xf32, #tpu.memory_space<hbm>>
    %dma_start3A_895 = arith.constant 0 : i32
    %dma_start3A_896 = tpu.memref_slice %arg4[%dma_start3A_891, %add3A_869, %dma_start3A_895] : memref<4x2048x1024xf32, #tpu.memory_space<hbm>> -> memref<1x8x1024xf32, #tpu.memory_space<hbm>>
    %dma_start3A_897 = tpu.memref_squeeze %dma_start3A_896 : memref<1x8x1024xf32, #tpu.memory_space<hbm>> -> memref<8x1024xf32, #tpu.memory_space<hbm>>
    tpu.enqueue_dma source(%arg13 : memref<8x1024xf32, #tpu.memory_space<vmem>>) target(%dma_start3A_897 : memref<8x1024xf32, #tpu.memory_space<hbm>>) target_semaphore(%arg29 : memref<!tpu.dma_semaphore, #tpu.memory_space<semaphore_mem>>)
    %dma_wait3A_898 = arith.constant 0 : i32
    %dma_wait3A_899 = arith.constant 0 : i32
    %dma_wait3A_900 = tpu.memref_slice %arg4[%dma_wait3A_898, %add3A_808, %dma_wait3A_899] : memref<4x2048x1024xf32, #tpu.memory_space<hbm>> -> memref<1x8x1024xf32, #tpu.memory_space<hbm>>
    %dma_wait3A_901 = tpu.memref_squeeze %dma_wait3A_900 : memref<1x8x1024xf32, #tpu.memory_space<hbm>> -> memref<8x1024xf32, #tpu.memory_space<hbm>>
    %dma_wait3A_902 = arith.constant 0 : i32
    %dma_wait3A_903 = tpu.memref_slice %arg4[%dma_wait3A_898, %add3A_808, %dma_wait3A_902] : memref<4x2048x1024xf32, #tpu.memory_space<hbm>> -> memref<1x8x1024xf32, #tpu.memory_space<hbm>>
    %dma_wait3A_904 = tpu.memref_squeeze %dma_wait3A_903 : memref<1x8x1024xf32, #tpu.memory_space<hbm>> -> memref<8x1024xf32, #tpu.memory_space<hbm>>
    tpu.wait_dma2 semaphore(%arg22 : memref<!tpu.dma_semaphore, #tpu.memory_space<semaphore_mem>>) src(%arg6 : memref<8x1024xf32, #tpu.memory_space<vmem>>) dst(%dma_wait3A_904 : memref<8x1024xf32, #tpu.memory_space<hbm>>)
    %dma_wait3A_905 = arith.constant 1 : i32
    %dma_wait3A_906 = arith.constant 0 : i32
    %dma_wait3A_907 = tpu.memref_slice %arg4[%dma_wait3A_905, %add3A_808, %dma_wait3A_906] : memref<4x2048x1024xf32, #tpu.memory_space<hbm>> -> memref<1x8x1024xf32, #tpu.memory_space<hbm>>
    %dma_wait3A_908 = tpu.memref_squeeze %dma_wait3A_907 : memref<1x8x1024xf32, #tpu.memory_space<hbm>> -> memref<8x1024xf32, #tpu.memory_space<hbm>>
    %dma_wait3A_909 = arith.constant 0 : i32
    %dma_wait3A_910 = tpu.memref_slice %arg4[%dma_wait3A_905, %add3A_808, %dma_wait3A_909] : memref<4x2048x1024xf32, #tpu.memory_space<hbm>> -> memref<1x8x1024xf32, #tpu.memory_space<hbm>>
    %dma_wait3A_911 = tpu.memref_squeeze %dma_wait3A_910 : memref<1x8x1024xf32, #tpu.memory_space<hbm>> -> memref<8x1024xf32, #tpu.memory_space<hbm>>
    tpu.wait_dma2 semaphore(%arg23 : memref<!tpu.dma_semaphore, #tpu.memory_space<semaphore_mem>>) src(%arg7 : memref<8x1024xf32, #tpu.memory_space<vmem>>) dst(%dma_wait3A_911 : memref<8x1024xf32, #tpu.memory_space<hbm>>)
    %dma_wait3A_912 = arith.constant 2 : i32
    %dma_wait3A_913 = arith.constant 0 : i32
    %dma_wait3A_914 = tpu.memref_slice %arg4[%dma_wait3A_912, %add3A_808, %dma_wait3A_913] : memref<4x2048x1024xf32, #tpu.memory_space<hbm>> -> memref<1x8x1024xf32, #tpu.memory_space<hbm>>
    %dma_wait3A_915 = tpu.memref_squeeze %dma_wait3A_914 : memref<1x8x1024xf32, #tpu.memory_space<hbm>> -> memref<8x1024xf32, #tpu.memory_space<hbm>>
    %dma_wait3A_916 = arith.constant 0 : i32
    %dma_wait3A_917 = tpu.memref_slice %arg4[%dma_wait3A_912, %add3A_808, %dma_wait3A_916] : memref<4x2048x1024xf32, #tpu.memory_space<hbm>> -> memref<1x8x1024xf32, #tpu.memory_space<hbm>>
    %dma_wait3A_918 = tpu.memref_squeeze %dma_wait3A_917 : memref<1x8x1024xf32, #tpu.memory_space<hbm>> -> memref<8x1024xf32, #tpu.memory_space<hbm>>
    tpu.wait_dma2 semaphore(%arg24 : memref<!tpu.dma_semaphore, #tpu.memory_space<semaphore_mem>>) src(%arg8 : memref<8x1024xf32, #tpu.memory_space<vmem>>) dst(%dma_wait3A_918 : memref<8x1024xf32, #tpu.memory_space<hbm>>)
    %dma_wait3A_919 = arith.constant 3 : i32
    %dma_wait3A_920 = arith.constant 0 : i32
    %dma_wait3A_921 = tpu.memref_slice %arg4[%dma_wait3A_919, %add3A_808, %dma_wait3A_920] : memref<4x2048x1024xf32, #tpu.memory_space<hbm>> -> memref<1x8x1024xf32, #tpu.memory_space<hbm>>
    %dma_wait3A_922 = tpu.memref_squeeze %dma_wait3A_921 : memref<1x8x1024xf32, #tpu.memory_space<hbm>> -> memref<8x1024xf32, #tpu.memory_space<hbm>>
    %dma_wait3A_923 = arith.constant 0 : i32
    %dma_wait3A_924 = tpu.memref_slice %arg4[%dma_wait3A_919, %add3A_808, %dma_wait3A_923] : memref<4x2048x1024xf32, #tpu.memory_space<hbm>> -> memref<1x8x1024xf32, #tpu.memory_space<hbm>>
    %dma_wait3A_925 = tpu.memref_squeeze %dma_wait3A_924 : memref<1x8x1024xf32, #tpu.memory_space<hbm>> -> memref<8x1024xf32, #tpu.memory_space<hbm>>
    tpu.wait_dma2 semaphore(%arg25 : memref<!tpu.dma_semaphore, #tpu.memory_space<semaphore_mem>>) src(%arg9 : memref<8x1024xf32, #tpu.memory_space<vmem>>) dst(%dma_wait3A_925 : memref<8x1024xf32, #tpu.memory_space<hbm>>)
    %dma_wait3A_926 = arith.constant 0 : i32
    %dma_wait3A_927 = arith.constant 0 : i32
    %dma_wait3A_928 = tpu.memref_slice %arg4[%dma_wait3A_926, %add3A_869, %dma_wait3A_927] : memref<4x2048x1024xf32, #tpu.memory_space<hbm>> -> memref<1x8x1024xf32, #tpu.memory_space<hbm>>
    %dma_wait3A_929 = tpu.memref_squeeze %dma_wait3A_928 : memref<1x8x1024xf32, #tpu.memory_space<hbm>> -> memref<8x1024xf32, #tpu.memory_space<hbm>>
    %dma_wait3A_930 = arith.constant 0 : i32
    %dma_wait3A_931 = tpu.memref_slice %arg4[%dma_wait3A_926, %add3A_869, %dma_wait3A_930] : memref<4x2048x1024xf32, #tpu.memory_space<hbm>> -> memref<1x8x1024xf32, #tpu.memory_space<hbm>>
    %dma_wait3A_932 = tpu.memref_squeeze %dma_wait3A_931 : memref<1x8x1024xf32, #tpu.memory_space<hbm>> -> memref<8x1024xf32, #tpu.memory_space<hbm>>
    tpu.wait_dma2 semaphore(%arg26 : memref<!tpu.dma_semaphore, #tpu.memory_space<semaphore_mem>>) src(%arg10 : memref<8x1024xf32, #tpu.memory_space<vmem>>) dst(%dma_wait3A_932 : memref<8x1024xf32, #tpu.memory_space<hbm>>)
    %dma_wait3A_933 = arith.constant 1 : i32
    %dma_wait3A_934 = arith.constant 0 : i32
    %dma_wait3A_935 = tpu.memref_slice %arg4[%dma_wait3A_933, %add3A_869, %dma_wait3A_934] : memref<4x2048x1024xf32, #tpu.memory_space<hbm>> -> memref<1x8x1024xf32, #tpu.memory_space<hbm>>
    %dma_wait3A_936 = tpu.memref_squeeze %dma_wait3A_935 : memref<1x8x1024xf32, #tpu.memory_space<hbm>> -> memref<8x1024xf32, #tpu.memory_space<hbm>>
    %dma_wait3A_937 = arith.constant 0 : i32
    %dma_wait3A_938 = tpu.memref_slice %arg4[%dma_wait3A_933, %add3A_869, %dma_wait3A_937] : memref<4x2048x1024xf32, #tpu.memory_space<hbm>> -> memref<1x8x1024xf32, #tpu.memory_space<hbm>>
    %dma_wait3A_939 = tpu.memref_squeeze %dma_wait3A_938 : memref<1x8x1024xf32, #tpu.memory_space<hbm>> -> memref<8x1024xf32, #tpu.memory_space<hbm>>
    tpu.wait_dma2 semaphore(%arg27 : memref<!tpu.dma_semaphore, #tpu.memory_space<semaphore_mem>>) src(%arg11 : memref<8x1024xf32, #tpu.memory_space<vmem>>) dst(%dma_wait3A_939 : memref<8x1024xf32, #tpu.memory_space<hbm>>)
    %dma_wait3A_940 = arith.constant 2 : i32
    %dma_wait3A_941 = arith.constant 0 : i32
    %dma_wait3A_942 = tpu.memref_slice %arg4[%dma_wait3A_940, %add3A_869, %dma_wait3A_941] : memref<4x2048x1024xf32, #tpu.memory_space<hbm>> -> memref<1x8x1024xf32, #tpu.memory_space<hbm>>
    %dma_wait3A_943 = tpu.memref_squeeze %dma_wait3A_942 : memref<1x8x1024xf32, #tpu.memory_space<hbm>> -> memref<8x1024xf32, #tpu.memory_space<hbm>>
    %dma_wait3A_944 = arith.constant 0 : i32
    %dma_wait3A_945 = tpu.memref_slice %arg4[%dma_wait3A_940, %add3A_869, %dma_wait3A_944] : memref<4x2048x1024xf32, #tpu.memory_space<hbm>> -> memref<1x8x1024xf32, #tpu.memory_space<hbm>>
    %dma_wait3A_946 = tpu.memref_squeeze %dma_wait3A_945 : memref<1x8x1024xf32, #tpu.memory_space<hbm>> -> memref<8x1024xf32, #tpu.memory_space<hbm>>
    tpu.wait_dma2 semaphore(%arg28 : memref<!tpu.dma_semaphore, #tpu.memory_space<semaphore_mem>>) src(%arg12 : memref<8x1024xf32, #tpu.memory_space<vmem>>) dst(%dma_wait3A_946 : memref<8x1024xf32, #tpu.memory_space<hbm>>)
    %dma_wait3A_947 = arith.constant 3 : i32
    %dma_wait3A_948 = arith.constant 0 : i32
    %dma_wait3A_949 = tpu.memref_slice %arg4[%dma_wait3A_947, %add3A_869, %dma_wait3A_948] : memref<4x2048x1024xf32, #tpu.memory_space<hbm>> -> memref<1x8x1024xf32, #tpu.memory_space<hbm>>
    %dma_wait3A_950 = tpu.memref_squeeze %dma_wait3A_949 : memref<1x8x1024xf32, #tpu.memory_space<hbm>> -> memref<8x1024xf32, #tpu.memory_space<hbm>>
    %dma_wait3A_951 = arith.constant 0 : i32
    %dma_wait3A_952 = tpu.memref_slice %arg4[%dma_wait3A_947, %add3A_869, %dma_wait3A_951] : memref<4x2048x1024xf32, #tpu.memory_space<hbm>> -> memref<1x8x1024xf32, #tpu.memory_space<hbm>>
    %dma_wait3A_953 = tpu.memref_squeeze %dma_wait3A_952 : memref<1x8x1024xf32, #tpu.memory_space<hbm>> -> memref<8x1024xf32, #tpu.memory_space<hbm>>
    tpu.wait_dma2 semaphore(%arg29 : memref<!tpu.dma_semaphore, #tpu.memory_space<semaphore_mem>>) src(%arg13 : memref<8x1024xf32, #tpu.memory_space<vmem>>) dst(%dma_wait3A_953 : memref<8x1024xf32, #tpu.memory_space<hbm>>)
    return
  }
}

</mosaic_0001>

<sc_bundles>
// kernel: kernel.3.cloned.1.call-start
scs
__scs_entry_jumppad:
0x0: {  	(pc) =	sbr.rel $0x88, $3  }
0x1: {  	(tag) =	ssettag $0x0;
	lr =	simm.s32 $0x1  }
0x2: {  	[smem:$0x3F9F] =	sst lr;
	_ =	strace $0xD0000000  }
0x3: {  	_ = 	snop  }
0x4: {  	_ = 	snop  }
0x5: {  	_ = 	snop  }
0x6: {  	_ = 	snop  }
0x7: {  	_ = 	snop  }
__scs_overlays_trampoline_lowered:
0x8: {  	[smem:$0x3FAE] =	sst s0  }
0x9: {  	[smem:$0x3FAF] =	sst s1  }
0xa: {  	[smem:$0x3FB0] =	sst s2  }
0xb: {  	[smem:$0x3FB1] =	sst s3  }
0xc: {  	[smem:$0x3FB2] =	sst s4  }
0xd: {  	[smem:$0x3FB3] =	sst s5  }
0xe: {  	[smem:$0x3FB4] =	sst s6  }
0xf: {  	[smem:$0x3FB5] =	sst s7  }
0x10: {  	[smem:$0x3FB6] =	sst s8  }
0x11: {  	[smem:$0x3FB7] =	sst s9;
	s0 =	simm.s32 @!p0 $0x0  }
0x12: {  	s1 =	sld [smem:$0x3F9D];
	s0 =	simm.s32 @p0 $0x1  }
0x13: {  	[smem:$0x3FB8] =	sst s0;
	s0 =	simm.s32 @!p1 $0x0  }
0x14: {  	s2 =	sld [smem:$0x3F9C];
	s0 =	simm.s32 @p1 $0x1  }
0x15: {  	[smem:$0x3FB9] =	sst s0;
	s0 =	simm.s32 @!p2 $0x0  }
0x16: {  	s3 =	sld [smem:$0x3FDB];
	s0 =	simm.s32 @p2 $0x1  }
0x17: {  	s4 =	simm.s32 $0x1BF5;
	[smem:$0x3FBB] =	sst s0  }
0x18: {  	s0 =	sld [smem:$0x3F9E];
	_ =	swait.ge [sflag:s4], $0x0  }
0x19: {  	s7 =	sld [smem:$0x3F9F]  }
0x1a: {  	s8 =	sadd.s32 $0xFFFFE003, lr  }
0x1b: {  	s9 =	sadd.s32 $0xFFFFFEF7, lr;
	s5 =	simm.s32 $0xFFFFFFFF;
	p2 =	slt.u32 s8, $0xFFFFF086  }
0x1c: {  	p1 =	slt.u32 s9, $0xF7A;
	s5 =	simm.s32 @!p2 $0x0  }
0x1d: {  	s5 =	simm.s32 @p1 $0x1;
	p0 =	seq.s32 s7, s2  }
0x1e: {  	s7 =	smul.u32 @!p0 $0xF7A, s2;
	p2 =	seq.s32 @!p0 s5, $0x0  }
0x1f: {  	s9 =	smul.u32 $0xF7A, s1;
	s8 =	simm.s32 @!p0 $0x1BF5;
	p2 =	por !p2, p0  }
0x20: {  	[sflag:s8] =	ssyncset.s32 @!p0 $0xFFFFF086;
	s6 =	sadd.s32 @!p0 s3, s7;
	s7 =	simm.s32 @!p0 $0x108  }
0x21: {  	s3 =	sadd.s32 s3, s9;
	s6 =	sadd.s32 @!p0 $0x88, s6;
	s7 =	simm.s32 @p2 $0x1082  }
0x22: {  	[simem:s7], [sflag:s8] =	dma.local @!p0 [hbm:s6], $0xF7A  }
0x23: {  	s9 =	sor.u32 $0xD0000000, s2;
	s6 =	simm.s32 $0x108;
	_ =	swait.ge @!p0 [sflag:s8], $0x0  }
0x24: {  	s3 =	sadd.s32 $0x88, s3;
	s6 =	simm.s32 @!p1 $0x1082;
	[sflag:s4] =	ssyncset.s32 $0xFFFFF086  }
0x25: {  	[simem:s6], [sflag:s4] =	dma.local [hbm:s3], $0xF7A  }
0x26: {  	[smem:$0x3F9F] =	sst s1;
	(tag) =	ssettag s2;
	_ =	strace s9  }
0x27: {  	s1 =	sld [smem:$0x3FAF]  }
0x28: {  	s2 =	sld [smem:$0x3FB0]  }
0x29: {  	s4 =	sld [smem:$0x3FB2]  }
0x2a: {  	p0 =	seq.s32 s5, $0x0;
	s5 =	sld [smem:$0x3FB3]  }
0x2b: {  	s6 =	sld [smem:$0x3FB4]  }
0x2c: {  	s7 =	sld [smem:$0x3FB5]  }
0x2d: {  	s3 =	simm.s32 $0x108;
	s8 =	sld [smem:$0x3FB6]  }
0x2e: {  	s3 =	simm.s32 @!p0 $0x1082;
	s9 =	sld [smem:$0x3FB7]  }
0x2f: {  	lr =	sadd.s32 s0, s3;
	s0 =	sld [smem:$0x3FAE]  }
0x30: {  	s3 =	sld [smem:$0x3FB1]  }
0x31: {  	[smem:$0x3FBA] =	sst s10  }
0x32: {  	s10 =	sld [smem:$0x3FB8];
	_ =	sdelay $0x3  }
0x33: {  	p0 =	seq.s32 s10, $0x1;
	s10 =	sld [smem:$0x3FBA];
	_ =	sdelay $0x3  }
0x34: {  	[smem:$0x3FBA] =	sst s10  }
0x35: {  	s10 =	sld [smem:$0x3FB9];
	_ =	sdelay $0x3  }
0x36: {  	p1 =	seq.s32 s10, $0x1;
	s10 =	sld [smem:$0x3FBA];
	_ =	sdelay $0x3  }
0x37: {  	[smem:$0x3FBA] =	sst s10  }
0x38: {  	s10 =	sld [smem:$0x3FBB]  }
0x39: {  	_ = 	snop;
	(pc) =	sbr.ind lr, $3  }
0x3a: {  	_ = 	snop  }
0x3b: {  	_ = 	snop  }
0x3c: {  	p2 =	seq.s32 s10, $0x1;
	s10 =	sld [smem:$0x3FBA]  }
0x3d: {  	_ =	shalt  }
0x3e: {  	_ =	shalt  }
0x3f: {  	_ =	shalt  }
0x40: {  	_ =	shalt  }
0x41: {  	_ =	shalt  }
0x42: {  	_ =	shalt  }
0x43: {  	_ =	shalt  }
0x44: {  	_ =	shalt  }
0x45: {  	_ =	shalt  }
0x46: {  	_ =	shalt  }
0x47: {  	_ =	shalt  }
0x48: {  	_ =	shalt  }
0x49: {  	_ =	shalt  }
0x4a: {  	_ =	shalt  }
0x4b: {  	_ =	shalt  }
0x4c: {  	_ =	shalt  }
0x4d: {  	_ =	shalt  }
0x4e: {  	_ =	shalt  }
0x4f: {  	_ =	shalt  }
0x50: {  	_ =	shalt  }
0x51: {  	_ =	shalt  }
0x52: {  	_ =	shalt  }
0x53: {  	_ =	shalt  }
0x54: {  	_ =	shalt  }
0x55: {  	_ =	shalt  }
0x56: {  	_ =	shalt  }
0x57: {  	_ =	shalt  }
0x58: {  	_ =	shalt  }
0x59: {  	_ =	shalt  }
0x5a: {  	_ =	shalt  }
0x5b: {  	_ =	shalt  }
0x5c: {  	_ =	shalt  }
0x5d: {  	_ =	shalt  }
0x5e: {  	_ =	shalt  }
0x5f: {  	_ =	shalt  }
0x60: {  	_ =	shalt  }
0x61: {  	_ =	shalt  }
0x62: {  	_ =	shalt  }
0x63: {  	_ =	shalt  }
0x64: {  	_ =	shalt  }
0x65: {  	_ =	shalt  }
0x66: {  	_ =	shalt  }
0x67: {  	_ =	shalt  }
0x68: {  	_ =	shalt  }
0x69: {  	_ =	shalt  }
0x6a: {  	_ =	shalt  }
0x6b: {  	_ =	shalt  }
0x6c: {  	_ =	shalt  }
0x6d: {  	_ =	shalt  }
0x6e: {  	_ =	shalt  }
0x6f: {  	_ =	shalt  }
0x70: {  	_ =	shalt  }
0x71: {  	_ =	shalt  }
0x72: {  	_ =	shalt  }
0x73: {  	_ =	shalt  }
0x74: {  	_ =	shalt  }
0x75: {  	_ =	shalt  }
0x76: {  	_ =	shalt  }
0x77: {  	_ =	shalt  }
0x78: {  	_ =	shalt  }
0x79: {  	_ =	shalt  }
0x7a: {  	_ =	shalt  }
0x7b: {  	_ =	shalt  }
0x7c: {  	_ =	shalt  }
0x7d: {  	_ =	shalt  }
0x7e: {  	_ =	shalt  }
0x7f: {  	_ =	shalt  }
0x80: {  	_ =	shalt  }
0x81: {  	_ =	shalt  }
0x82: {  	_ =	shalt  }
0x83: {  	_ =	shalt  }
0x84: {  	_ =	shalt  }
0x85: {  	_ =	shalt  }
0x86: {  	_ =	shalt  }
0x87: {  	_ =	shalt  }
.Lfunc_end0:
.L_simem_size_0:
called_computation_lowered:
.L_overlay_start_0:
0x88: {  	s2 =	sld [smem:$0x3FD9]  }
0x89: {  	s3 =	sld [smem:$0x3FFE];
	_ =	sdelay $0x1  }
0x8a: {  	s1 =	srdreg.scid  }
0x8b: {  	s0 =	sand.u32 $0x1, s1  }
0x8c: {  	s18 =	sshll.u32 s0, $0xA;
	s2 =	sadd.s32 s3, s2  }
0x8d: {  	s2 =	sadd.s32 s2, s18  }
0x8e: {  	[smem:$0x3FC6] =	sst s2  }
0x8f: {  	_ = 	snop  }
0x90: {  	s2 =	sld [smem:$0x3FC9]  }
0x91: {  	s19 =	sld [smem:$0x3FC8]  }
0x92: {  	s4 =	sld [smem:$0x3FD0];
	(tm) =	ssettm $0x1  }
0x93: {  	s5 =	sld [smem:$0x3FFB];
	_ =	sdelay $0x3  }
0x94: {  	_ =	strace s5  }
0x95: {  	s5 =	sld [smem:$0x3FFC];
	_ =	sdelay $0x3  }
0x96: {  	_ =	strace s5  }
0x97: {  	s5 =	sld [smem:$0x3FFD];
	_ =	sdelay $0x3  }
0x98: {  	_ =	strace s5  }
0x99: {  	_ =	strace $0x8FFFFFFF  }
0x9a: {  	s20 =	sld [smem:$0x3FDB];
	_ =	sdelay $0x1  }
0x9b: {  	s6 =	simm.s32 $_scs_section_size  }
0x9c: {  	s7 =	simm.s32 $_size__tile_overlayer_lowered;
	s8 =	simm.s32 $_tile_overlayer_lowered  }
0x9d: {  	s23 =	simm.s32 $0x1BFF;
	s22 =	sshll.u32 s8, $0x1;
	s5 =	sadd.s32 s6, s20  }
0x9e: {  	s9 =	simm.s32 $0x0;
	s21 =	sshll.u32 s7, $0x1;
	s7 =	sadd.s32 s22, s5  }
0x9f: {  	[timem:s9], [sflag:s23] =	dma.local [hbm:s7], s21  }
0xa0: {  	_ =	swait.ge [sflag:s23], s21  }
0xa1: {  	s6 =	ssub.s32 $0x0, s21;
	[sflag:s23] =	ssyncset.done $0x0  }
0xa2: {  	[sflag:s23] =	ssyncadd.s32 s6;
	_ =	sdelay $0x1  }
0xa3: {  	s24 =	simm.s32 $0x1B8B  }
0xa4: {  	_ =	swait.ge [sflag:s24], $0x1  }
0xa5: {  	[sflag:s24] =	ssyncset.done $0x0  }
0xa6: {  	s25 =	simm.s32 $0x1B8E;
	[sflag:s24] =	ssyncadd.s32 $0xFFFFFFFF  }
0xa7: {  	s26 =	simm.s32 $execute0_lowered;
	[smem:$0x3FD2] =	sst s25  }
0xa8: {  	s6 =	sshll.u32 s26, $0x1;
	_ =	strace $0x80000046;
	[dreg:$0x1] =	wrdreg $0xFFFFFFFF  }
0xa9: {  	s28 =	simm.s32 $_size_execute0_lowered;
	s5 =	sadd.s32 s5, s6;
	[dreg:$0x0] =	wrdreg $0x0  }
0xaa: {  	s6 =	sshll.u32 s28, $0x1;
	[dreg:$0x2] =	wrdreg s5  }
0xab: {  	[dreg:$0x3] =	wrdreg s6  }
0xac: {  	[dreg:$0x4] =	wrdreg $0xC0  }
0xad: {  	_ =	task [dreg:s9], $0x5FFFF  }
0xae: {  	[dreg:$0x1] =	wrdreg $0xFFFFFFFF  }
0xaf: {  	[dreg:$0x0] =	wrdreg $0x60  }
0xb0: {  	[dreg:$0x2] =	wrdreg s2  }
0xb1: {  	[dreg:$0x3] =	wrdreg s19  }
0xb2: {  	[dreg:$0x4] =	wrdreg s4  }
0xb3: {  	[dreg:$0x5] =	wrdreg $0x9  }
0xb4: {  	_ =	task.clear_ibuf [dreg:s9], $0x6FFFF;
	_ =	strace $0x90000046  }
0xb5: {  	s29 =	simm.s32 $0x9;
	_ =	strace $0x80000048  }
0xb6: {  	_ =	swait.ge [sflag:s29], $0x1  }
0xb7: {  	[sflag:s29] =	ssyncadd.s32 $0xFFFFFFFF  }
0xb8: {  	_ =	strace $0x90000048  }
0xb9: {  	_ =	sfence  }
0xba: {  	s30 =	sld [smem:$0x0];
	_ =	sdelay $0x2  }
0xbb: {  	s31 =	sshll.u32 s1, $0xD;
	s1 =	sshrl.u32 s1, $0x2  }
0xbc: {  	s3 =	sand.u32 $0x4000, s31;
	s1 =	sadd.s32 s1, s30  }
0xbd: {  	s0 =	sor.u32 s3, s0;
	s1 =	sshll.u32 s1, $0x11  }
0xbe: {  	s0 =	sor.u32 s1, s0  }
0xbf: {  	s0 =	sadd.s32 $0x8F2B, s0  }
0xc0: {  	[sflag:s0] =	ssyncadd.remote.s32 $0x1  }
0xc1: {  	_ =	sfence.sel $0xFFFF  }
0xc2: {  	[dreg:$0x0] =	wrdreg $0xFFFFFFFF;
	(pc) =	sbr.abs _section_cstart, $3  }
0xc3: {  	[dreg:$0x1] =	wrdreg $0xFFFFFFFF  }
0xc4: {  	_ =	task.clear_ibuf [dreg:s9], $0x2FFFF;
	_ =	strace $0x9FFFFFFF  }
0xc5: {  	(tm) =	ssettm $0x7FFFFFFF  }
tec
execute0_lowered:
.L_overlay_start_1:
0x0: {  	(tag) =	ssettag $0x1  }
0x1: {  	s1 =	srdreg.scid  }
0x2: {  	s4 =	stileid.u32;
	s1 =	sand.u32 $0x1, s1  }
0x3: {  	s2 =	rddreg [dreg:$0x0];
	s4 =	sshll.u32 s4, $0xE;
	s5 =	sshll.u32 s1, $0xD  }
0x4: {  	s0 =	rddreg [dreg:$0x2];
	s4 =	sor.u32 s5, s4  }
0x5: {  	s3 =	ssub.s32 $0x2, s1;
	s1 =	simm.s32 $0x0;
	s5 =	sor.u32 $0x40000, s4  }
0x6: {  	[smem:$0x7FF] =	sst s1;
	s23 =	sor.u32 $0x80000, s4;
	s22 =	sadd.s32 s2, s5  }
0x7: {  	s7 =	sor.u32 $0xC0000, s4;
	s8 =	sadd.s32 s2, s23;
	[dreg:$0x4] =	wrdreg s22  }
0x8: {  	s25 =	sor.u32 $0x400, s4;
	s24 =	sadd.s32 s2, s7;
	[dreg:$0x5] =	wrdreg s8  }
0x9: {  	s26 =	sor.u32 $0x40400, s4;
	s9 =	sadd.s32 s2, s25;
	[dreg:$0x6] =	wrdreg s24  }
0xa: {  	s10 =	sor.u32 $0x80400, s4;
	s11 =	sadd.s32 s2, s26;
	[dreg:$0x7] =	wrdreg s9  }
0xb: {  	s14 =	sor.u32 $0xC0400, s4;
	s13 =	sadd.s32 s2, s10;
	[dreg:$0x8] =	wrdreg s11  }
0xc: {  	s12 =	sadd.s32 s2, s14;
	[dreg:$0x9] =	wrdreg s13  }
0xd: {  	s5 =	sadd.s32 s0, s5;
	[dreg:$0xa] =	wrdreg s12  }
0xe: {  	s15 =	sadd.s32 s0, s23;
	[dreg:$0xb] =	wrdreg s5  }
0xf: {  	s17 =	sor.u32 $0x800, s4;
	s16 =	sadd.s32 s0, s7;
	[dreg:$0xc] =	wrdreg s15  }
0x10: {  	s18 =	sor.u32 $0x40800, s4;
	s19 =	sadd.s32 s2, s17;
	[dreg:$0xd] =	wrdreg s16  }
0x11: {  	s20 =	sadd.s32 s2, s18;
	[dreg:$0xe] =	wrdreg s19  }
0x12: {  	s6 =	sshrl.u32 s3, $0x1;
	s23 =	sadd.s32 s0, s26;
	[dreg:$0xf] =	wrdreg s20  }
0x13: {  	s21 =	sor.u32 $0x80800, s4;
	s26 =	sadd.s32 s0, s18;
	[dreg:$0x12] =	wrdreg s23  }
0x14: {  	s3 =	ssub.s32 s3, s6;
	s6 =	sadd.s32 s0, s21;
	[dreg:$0x16] =	wrdreg s26  }
0x15: {  	[dreg:$0x17] =	wrdreg s6  }
0x16: {  	s22 =	sadd.s32 s2, s21;
	s16 =	rddreg [dreg:$0x1]  }
0x17: {  	s8 =	sadd.s32 s0, s25;
	[dreg:$0x10] =	wrdreg s22  }
0x18: {  	s24 =	sadd.s32 s0, s10;
	[dreg:$0x11] =	wrdreg s8  }
0x19: {  	s25 =	sadd.s32 s0, s14;
	[dreg:$0x13] =	wrdreg s24  }
0x1a: {  	s18 =	sor.u32 $0x1000, s4;
	s5 =	sadd.s32 s0, s17;
	[dreg:$0x14] =	wrdreg s25  }
0x1b: {  	s7 =	sor.u32 $0xC0800, s4;
	s21 =	sadd.s32 s2, s18;
	[dreg:$0x15] =	wrdreg s5  }
0x1c: {  	s8 =	sadd.s32 s2, s7;
	[smem:$0x7DB] =	sst s21  }
0x1d: {  	s9 =	sor.u32 $0xC00, s4;
	s5 =	sadd.s32 s0, s7;
	[dreg:$0x18] =	wrdreg s8  }
0x1e: {  	s11 =	sor.u32 $0x40C00, s4;
	s10 =	sadd.s32 s2, s9;
	[dreg:$0x19] =	wrdreg s5  }
0x1f: {  	s13 =	sor.u32 $0x80C00, s4;
	s12 =	sadd.s32 s2, s11;
	[dreg:$0x1a] =	wrdreg s10  }
0x20: {  	s15 =	sor.u32 $0xC0C00, s4;
	s14 =	sadd.s32 s2, s13;
	[dreg:$0x1c] =	wrdreg s12  }
0x21: {  	s17 =	sadd.s32 s2, s15;
	[dreg:$0x1e] =	wrdreg s14  }
0x22: {  	s19 =	sadd.s32 s16, s4;
	[smem:$0x7D7] =	sst s17  }
0x23: {  	s20 =	sadd.s32 s16, s18;
	[smem:$0x7D9] =	sst s19  }
0x24: {  	s23 =	sor.u32 $0x41000, s4;
	s22 =	sadd.s32 s0, s18;
	[smem:$0x7DA] =	sst s20  }
0x25: {  	s24 =	sadd.s32 s2, s23;
	[smem:$0x7DC] =	sst s22  }
0x26: {  	s18 =	sadd.s32 s0, s4;
	[smem:$0x7DD] =	sst s24  }
0x27: {  	s25 =	sor.u32 $0x81000, s4;
	s5 =	sadd.s32 s0, s9;
	[smem:$0x7EC] =	sst s18  }
0x28: {  	s7 =	sor.u32 $0xC1000, s4;
	s26 =	sadd.s32 s2, s25;
	[dreg:$0x1b] =	wrdreg s5  }
0x29: {  	s8 =	sadd.s32 s2, s7;
	[smem:$0x7DF] =	sst s26  }
0x2a: {  	s17 =	sadd.s32 s2, s4;
	[smem:$0x7E1] =	sst s8  }
0x2b: {  	s9 =	sor.u32 $0x1400, s4;
	s5 =	sadd.s32 s0, s11;
	[smem:$0x7EB] =	sst s17  }
0x2c: {  	s19 =	sor.u32 $0x1800, s4;
	s10 =	sadd.s32 s2, s9;
	[dreg:$0x1d] =	wrdreg s5  }
0x2d: {  	s24 =	sor.u32 $0x41C00, s4;
	s26 =	sadd.s32 s2, s19;
	[smem:$0x7E3] =	sst s10  }
0x2e: {  	s17 =	sadd.s32 s2, s24;
	[smem:$0x7ED] =	sst s26  }
0x2f: {  	s19 =	sadd.s32 s0, s19;
	[smem:$0x7F2] =	sst s17  }
0x30: {  	s24 =	sadd.s32 s0, s24;
	[smem:$0x7F5] =	sst s19  }
0x31: {  	s11 =	sor.u32 $0x41400, s4;
	s5 =	sadd.s32 s0, s13;
	[smem:$0x7FA] =	sst s24  }
0x32: {  	s12 =	sadd.s32 s2, s11;
	[dreg:$0x1f] =	wrdreg s5  }
0x33: {  	s13 =	sor.u32 $0x81400, s4;
	s5 =	sadd.s32 s0, s15;
	[smem:$0x7E5] =	sst s12  }
0x34: {  	s28 =	simm.s32 $0xA;
	s14 =	sadd.s32 s2, s13;
	[smem:$0x7D8] =	sst s5  }
0x35: {  	s15 =	sor.u32 $0xC1400, s4;
	s5 =	sadd.s32 s0, s23;
	[smem:$0x7E7] =	sst s14  }
0x36: {  	s21 =	sor.u32 $0x81800, s4;
	s16 =	sadd.s32 s2, s15;
	[smem:$0x7DE] =	sst s5  }
0x37: {  	s29 =	simm.s32 $0xB;
	s14 =	sadd.s32 s2, s21;
	[smem:$0x7E9] =	sst s16  }
0x38: {  	s30 =	simm.s32 $0xC;
	s21 =	sadd.s32 s0, s21;
	[smem:$0x7EF] =	sst s14  }
0x39: {  	s23 =	sor.u32 $0x1C00, s4;
	s5 =	sadd.s32 s0, s25;
	[smem:$0x7F7] =	sst s21  }
0x3a: {  	s31 =	simm.s32 $0xD;
	s16 =	sadd.s32 s2, s23;
	[smem:$0x7E0] =	sst s5  }
0x3b: {  	s6 =	simm.s32 $0x10000;
	s23 =	sadd.s32 s0, s23;
	[smem:$0x7F1] =	sst s16  }
0x3c: {  	s25 =	sor.u32 $0x81C00, s4;
	s5 =	sadd.s32 s0, s7;
	[smem:$0x7F9] =	sst s23  }
0x3d: {  	s20 =	sor.u32 $0x41800, s4;
	s18 =	sadd.s32 s2, s25;
	[smem:$0x7E2] =	sst s5  }
0x3e: {  	s22 =	sor.u32 $0xC1800, s4;
	s25 =	sadd.s32 s0, s25;
	[smem:$0x7F3] =	sst s18  }
0x3f: {  	s8 =	simm.s32 $0x14000;
	s5 =	sadd.s32 s0, s9;
	[smem:$0x7FB] =	sst s25  }
0x40: {  	s26 =	smax.u32 s3, $0x1;
	[smem:$0x7E4] =	sst s5;
	s5 =	sadd.s32 s0, s11  }
0x41: {  	s17 =	simm.s32 $0xA000;
	[smem:$0x7E6] =	sst s5;
	s5 =	sadd.s32 s0, s13  }
0x42: {  	s24 =	simm.s32 $0x7;
	s13 =	sadd.s32 s2, s20;
	[smem:$0x7E8] =	sst s5  }
0x43: {  	s3 =	simm.s32 $0x10;
	s20 =	sadd.s32 s0, s20;
	[smem:$0x7EE] =	sst s13  }
0x44: {  	s4 =	sor.u32 $0xC1C00, s4;
	s5 =	sadd.s32 s0, s15;
	[smem:$0x7F6] =	sst s20  }
0x45: {  	s16 =	simm.s32 $0x8000;
	s15 =	sadd.s32 s2, s22;
	[smem:$0x7EA] =	sst s5  }
0x46: {  	s23 =	simm.s32 $0xE000;
	s2 =	sadd.s32 s2, s4;
	[smem:$0x7F0] =	sst s15  }
0x47: {  	s7 =	simm.s32 $0x12000;
	s22 =	sadd.s32 s0, s22;
	[smem:$0x7F4] =	sst s2  }
0x48: {  	s9 =	simm.s32 $0x16000;
	s0 =	sadd.s32 s0, s4;
	[smem:$0x7F8] =	sst s22  }
0x49: {  	s25 =	simm.s32 $0x8;
	s4 =	simm.s32 $0x0;
	[smem:$0x7FC] =	sst s0  }
0x4a: {  	s22 =	simm.s32 $0xC000;
	s0 =	simm.s32 $0xE;
	s2 =	simm.s32 $0xF  }
0x4b: {  	_ =	strace $0x80000047;
	[smem:$0x7FD] =	sst s26;
	s26 =	simm.s32 $0x9  }
.LBB2_1:
0x4c: {  	s5 =	sld [smem:$0x7EB];
	_ =	sdelay $0x1  }
0x4d: {  	s20 =	rddreg [dreg:$0x4]  }
0x4e: {  	[tilespmem:s16], [sflag:$0x1] =	stream.linear.gather [hbm4b:s5+s1], $0x2000, $0x38;
	[tilespmem:$0x18000] =	vst v63  }
0x4f: {  	s21 =	rddreg [dreg:$0x5]  }
0x50: {  	[tilespmem:s17], [sflag:$0x2] =	stream.linear.gather [hbm4b:s20+s1], $0x2000, $0x38;
	[tilespmem:$0x18000] =	vst v63  }
0x51: {  	s10 =	rddreg [dreg:$0x6]  }
0x52: {  	[tilespmem:s22], [sflag:$0x3] =	stream.linear.gather [hbm4b:s21+s1], $0x2000, $0x38;
	[tilespmem:$0x18000] =	vst v63  }
0x53: {  	s11 =	sld [smem:$0x7D9]  }
0x54: {  	[tilespmem:s23], [sflag:$0x4] =	stream.linear.gather [hbm4b:s10+s1], $0x2000, $0x38;
	[tilespmem:$0x18000] =	vst v63  }
0x55: {  	s12 =	simm.s32 $0x11  }
0x56: {  	[tilespmem:s1], [sflag:$0x11] =	stream.linear.gather [hbm4b:s11+s1], $0x8000, $0x38;
	[tilespmem:$0x18000] =	vst v63  }
0x57: {  	_ =	swait.ge [sflag:s12], $0x8000  }
0x58: {  	[sflag:s12] =	ssyncset.done $0x0  }
0x59: {  	s13 =	simm.s32 $0x1;
	[sflag:s12] =	ssyncadd.s32 $0xFFFF8000  }
0x5a: {  	_ =	swait.ge [sflag:s13], $0x2000  }
0x5b: {  	[sflag:s13] =	ssyncset.done $0x0  }
0x5c: {  	s14 =	simm.s32 $0x2;
	[sflag:s13] =	ssyncadd.s32 $0xFFFFE000  }
0x5d: {  	_ =	swait.ge [sflag:s14], $0x2000  }
0x5e: {  	[sflag:s14] =	ssyncset.done $0x0  }
0x5f: {  	s15 =	simm.s32 $0x3;
	[sflag:s14] =	ssyncadd.s32 $0xFFFFE000  }
0x60: {  	_ =	swait.ge [sflag:s15], $0x2000  }
0x61: {  	[sflag:s15] =	ssyncset.done $0x0  }
0x62: {  	s16 =	simm.s32 $0x4;
	[sflag:s15] =	ssyncadd.s32 $0xFFFFE000  }
0x63: {  	_ =	swait.ge [sflag:s16], $0x2000  }
0x64: {  	[sflag:s16] =	ssyncset.done $0x0  }
0x65: {  	s21 =	sand.u32 $0x1C00, s1;
	s17 =	rddreg [dreg:$0x7];
	[sflag:s16] =	ssyncadd.s32 $0xFFFFE000  }
0x66: {  	[tilespmem:s6], [sflag:$0x5] =	stream.linear.gather [hbm4b:s17+s1], $0x2000, $0x38;
	[tilespmem:$0x18000] =	vst v63  }
0x67: {  	s22 =	sand.u32 $0x380, s1;
	s18 =	rddreg [dreg:$0x8];
	s6 =	simm.s32 $0x0  }
0x68: {  	[tilespmem:s7], [sflag:$0x6] =	stream.linear.gather [hbm4b:s18+s1], $0x2000, $0x38;
	[tilespmem:$0x18000] =	vst v63  }
0x69: {  	s5 =	sor.u32 s22, s21;
	s19 =	rddreg [dreg:$0x9];
	s23 =	sand.u32 $0x40, s6  }
0x6a: {  	[tilespmem:s8], [sflag:$0x7] =	stream.linear.gather [hbm4b:s19+s1], $0x2000, $0x38;
	[tilespmem:$0x18000] =	vst v63  }
0x6b: {  	s20 =	rddreg [dreg:$0xa];
	s5 =	sor.u32 s23, s5  }
0x6c: {  	[tilespmem:s9], [sflag:$0x8] =	stream.linear.gather [hbm4b:s20+s1], $0x2000, $0x38;
	[tilespmem:$0x18000] =	vst v63  }
0x6d: {  	v0 =	vld [tilespmem:s5+$0x30]  }
0x6e: {  	v1 =	vld [tilespmem:s5+$0xE030]  }
0x6f: {  	v2 =	vld [tilespmem:s5+$0x0]  }
0x70: {  	v3 =	vld [tilespmem:s5+$0x8000]  }
0x71: {  	v4 =	vld [tilespmem:s5+$0xA000]  }
0x72: {  	v8 =	vld [tilespmem:s5+$0x10]  }
0x73: {  	v9 =	vld [tilespmem:s5+$0xA010];
	_ =	sdelay $0x1  }
0x74: {  	v5 =	vld [tilespmem:s5+$0xC000]  }
0x75: {  	v6 =	vld [tilespmem:s5+$0xE000];
	v1 =	vadd.f32 v1, v0  }
0x76: {  	v7 =	vld [tilespmem:s5+$0x8010];
	v3 =	vadd.f32 v3, v2  }
0x77: {  	v9 =	vadd.f32 v9, v8;
	[tilespmem:s5+$0xE030] =	vst v1;
	v1 =	vadd.f32 v4, v2;
	v4 =	vld [tilespmem:s5+$0xC010]  }
0x78: {  	v10 =	vld [tilespmem:s5+$0xE010];
	[tilespmem:s5+$0x8000] =	vst v3  }
0x79: {  	v3 =	vadd.f32 v5, v2;
	v5 =	vld [tilespmem:s5+$0x8020];
	[tilespmem:s5+$0xA010] =	vst v9  }
0x7a: {  	v2 =	vadd.f32 v6, v2;
	[tilespmem:s5+$0xA000] =	vst v1;
	v1 =	vld [tilespmem:s5+$0x20]  }
0x7b: {  	v6 =	vadd.f32 v7, v8;
	[tilespmem:s5+$0xC000] =	vst v3;
	v3 =	vld [tilespmem:s5+$0xA020]  }
0x7c: {  	s22 =	simm.s32 $0x14000;
	s16 =	simm.s32 $0x10000;
	s17 =	simm.s32 $0x12000;
	[tilespmem:s5+$0xE000] =	vst v2;
	v2 =	vld [tilespmem:s5+$0xC020];
	v7 =	vadd.f32 v4, v8  }
0x7d: {  	s7 =	simm.s32 $0x8;
	s23 =	simm.s32 $0x16000;
	s8 =	simm.s32 $0x200;
	[tilespmem:s5+$0x8010] =	vst v6;
	v6 =	vadd.f32 v10, v8;
	v4 =	vld [tilespmem:s5+$0xE020]  }
.LBB2_2:
0x7e: {  	s6 =	sadd.s32 $0x40, s6;
	s9 =	sand.u32 $0x1C00, s8;
	s13 =	sand.u32 $0x380, s7;
	[tilespmem:s5+$0xC010] =	vst v7;
	v7 =	vld [tilespmem:s5+$0x8030]  }
0x7f: {  	s10 =	sand.u32 $0x40, s6;
	s9 =	sor.u32 s13, s9;
	p0 =	slt.u32 s6, $0x1FC0;
	[tilespmem:s5+$0xE010] =	vst v6;
	v5 =	vadd.f32 v5, v1;
	v6 =	vld [tilespmem:s5+$0xA030]  }
0x80: {  	s9 =	sor.u32 s10, s9;
	v3 =	vadd.f32 v3, v1;
	v8 =	vld [tilespmem:s5+$0xC030]  }
0x81: {  	v9 =	vld [tilespmem:s9+$0x30];
	[tilespmem:s5+$0x8020] =	vst v5;
	v2 =	vadd.f32 v2, v1  }
0x82: {  	v5 =	vld [tilespmem:s9+$0xE030];
	[tilespmem:s5+$0xA020] =	vst v3;
	v1 =	vadd.f32 v4, v1  }
0x83: {  	v3 =	vld [tilespmem:s9+$0x0];
	[tilespmem:s5+$0xC020] =	vst v2;
	v2 =	vadd.f32 v7, v0  }
0x84: {  	v4 =	vld [tilespmem:s9+$0x8000];
	[tilespmem:s5+$0xE020] =	vst v1;
	v1 =	vadd.f32 v6, v0  }
0x85: {  	v6 =	vld [tilespmem:s9+$0xA000];
	[tilespmem:s5+$0x8030] =	vst v2;
	v2 =	vadd.f32 v8, v0  }
0x86: {  	v7 =	vld [tilespmem:s9+$0xC000];
	[tilespmem:s5+$0xA030] =	vst v1;
	v0 =	vmov v9  }
0x87: {  	v1 =	vld [tilespmem:s9+$0xE000];
	v5 =	vadd.f32 v5, v0;
	[tilespmem:s5+$0xC030] =	vst v2;
	s5 =	smov.u32 s9  }
0x88: {  	v8 =	vld [tilespmem:s5+$0x10]  }
0x89: {  	v2 =	vadd.f32 v4, v3;
	v4 =	vld [tilespmem:s5+$0x8010];
	[tilespmem:s5+$0xE030] =	vst v5  }
0x8a: {  	v5 =	vadd.f32 v6, v3;
	v6 =	vld [tilespmem:s5+$0xA010]  }
0x8b: {  	[tilespmem:s5+$0x8000] =	vst v2;
	v2 =	vadd.f32 v7, v3;
	v7 =	vld [tilespmem:s5+$0xC010]  }
0x8c: {  	[tilespmem:s5+$0xA000] =	vst v5;
	v3 =	vadd.f32 v1, v3;
	v9 =	vld [tilespmem:s5+$0xE010]  }
.Ltmp0:
0x8d: {  	[tilespmem:s5+$0xC000] =	vst v2;
	v1 =	vld [tilespmem:s5+$0x20];
	(pc) =	sbr.rel @p0 .LBB2_2-.Ltmp0, $4  }
0x8e: {  	[tilespmem:s5+$0xE000] =	vst v3;
	v2 =	vadd.f32 v4, v8;
	v5 =	vld [tilespmem:s5+$0x8020]  }
0x8f: {  	v4 =	vadd.f32 v6, v8;
	v3 =	vld [tilespmem:s5+$0xA020]  }
0x90: {  	[tilespmem:s5+$0x8010] =	vst v2;
	v7 =	vadd.f32 v7, v8;
	v2 =	vld [tilespmem:s5+$0xC020]  }
0x91: {  	s7 =	sadd.s32 $0x8, s7;
	s8 =	sadd.s32 $0x200, s8;
	[tilespmem:s5+$0xA010] =	vst v4;
	v6 =	vadd.f32 v9, v8;
	v4 =	vld [tilespmem:s5+$0xE020]  }
0x92: {  	v8 =	vld [tilespmem:s5+$0x8030]  }
0x93: {  	[tilespmem:s5+$0xC010] =	vst v7;
	v7 =	vld [tilespmem:s5+$0xA030];
	v5 =	vadd.f32 v5, v1  }
0x94: {  	[tilespmem:s5+$0xE010] =	vst v6;
	v6 =	vld [tilespmem:s5+$0xC030];
	v3 =	vadd.f32 v3, v1  }
0x95: {  	[tilespmem:s5+$0x8020] =	vst v5;
	v2 =	vadd.f32 v2, v1  }
0x96: {  	[tilespmem:s5+$0xA020] =	vst v3;
	v1 =	vadd.f32 v4, v1  }
0x97: {  	[tilespmem:s5+$0xC020] =	vst v2;
	v2 =	vadd.f32 v8, v0  }
0x98: {  	[tilespmem:s5+$0xE020] =	vst v1;
	v1 =	vadd.f32 v7, v0  }
0x99: {  	v0 =	vadd.f32 v6, v0;
	[tilespmem:s5+$0x8030] =	vst v2  }
0x9a: {  	[tilespmem:s5+$0xA030] =	vst v1  }
0x9b: {  	[tilespmem:s5+$0xC030] =	vst v0  }
0x9c: {  	s6 =	sld [smem:$0x7EC];
	_ =	sdelay $0x1  }
0x9d: {  	s7 =	simm.s32 $0x8000;
	s5 =	simm.s32 $0x0  }
0x9e: {  	[hbm4b:s6+s5] =	stream.linear.scatter [tilespmem:s7], [sflag:$0x9], $0x2000, $0x38;
	[tilespmem:$0x18000] =	vst v63  }
0x9f: {  	s8 =	simm.s32 $0xA000;
	s14 =	rddreg [dreg:$0xb]  }
0xa0: {  	[hbm4b:s14+s5] =	stream.linear.scatter [tilespmem:s8], [sflag:$0xA], $0x2000, $0x38;
	[tilespmem:$0x18000] =	vst v63  }
0xa1: {  	s9 =	simm.s32 $0xC000;
	s15 =	rddreg [dreg:$0xc]  }
0xa2: {  	[hbm4b:s15+s5] =	stream.linear.scatter [tilespmem:s9], [sflag:$0xB], $0x2000, $0x38;
	[tilespmem:$0x18000] =	vst v63  }
0xa3: {  	s10 =	simm.s32 $0xE000;
	s19 =	simm.s32 $0x5;
	s18 =	rddreg [dreg:$0xd]  }
0xa4: {  	[hbm4b:s18+s5] =	stream.linear.scatter [tilespmem:s10], [sflag:$0xC], $0x2000, $0x38;
	[tilespmem:$0x18000] =	vst v63  }
0xa5: {  	_ =	swait.ge [sflag:s19], $0x2000  }
0xa6: {  	[sflag:s19] =	ssyncset.done $0x0  }
0xa7: {  	s20 =	simm.s32 $0x6;
	[sflag:s19] =	ssyncadd.s32 $0xFFFFE000  }
0xa8: {  	_ =	swait.ge [sflag:s20], $0x2000  }
0xa9: {  	[sflag:s20] =	ssyncset.done $0x0  }
0xaa: {  	[sflag:s20] =	ssyncadd.s32 $0xFFFFE000  }
0xab: {  	_ =	swait.ge [sflag:s24], $0x2000  }
0xac: {  	[sflag:s24] =	ssyncset.done $0x0  }
0xad: {  	[sflag:s24] =	ssyncadd.s32 $0xFFFFE000  }
0xae: {  	_ =	swait.ge [sflag:s25], $0x2000  }
0xaf: {  	[sflag:s25] =	ssyncset.done $0x0  }
0xb0: {  	[sflag:s25] =	ssyncadd.s32 $0xFFFFE000  }
0xb1: {  	_ =	swait.ge [sflag:s26], $0x2000  }
0xb2: {  	[sflag:s26] =	ssyncset.done $0x0  }
0xb3: {  	[sflag:s26] =	ssyncadd.s32 $0xFFFFE000  }
0xb4: {  	_ =	swait.ge [sflag:s28], $0x2000  }
0xb5: {  	[sflag:s28] =	ssyncset.done $0x0  }
0xb6: {  	[sflag:s28] =	ssyncadd.s32 $0xFFFFE000  }
0xb7: {  	_ =	swait.ge [sflag:s29], $0x2000  }
0xb8: {  	[sflag:s29] =	ssyncset.done $0x0  }
0xb9: {  	[sflag:s29] =	ssyncadd.s32 $0xFFFFE000  }
0xba: {  	_ =	swait.ge [sflag:s30], $0x2000  }
0xbb: {  	[sflag:s30] =	ssyncset.done $0x0  }
0xbc: {  	s21 =	rddreg [dreg:$0xe];
	[sflag:s30] =	ssyncadd.s32 $0xFFFFE000  }
0xbd: {  	[tilespmem:s7], [sflag:$0x1] =	stream.linear.gather [hbm4b:s21+s5], $0x2000, $0x38;
	[tilespmem:$0x18000] =	vst v63  }
0xbe: {  	s13 =	simm.s32 $0x0;
	s7 =	rddreg [dreg:$0xf]  }
0xbf: {  	[tilespmem:s8], [sflag:$0x2] =	stream.linear.gather [hbm4b:s7+s5], $0x2000, $0x38;
	[tilespmem:$0x18000] =	vst v63  }
0xc0: {  	s6 =	sand.u32 $0x1FFFFF80, s13;
	s14 =	sand.u32 $0x1C00, s5;
	s7 =	simm.s32 $0x0  }
0xc1: {  	s11 =	rddreg [dreg:$0x10];
	s8 =	sadd.s32 s14, s6;
	s15 =	sand.u32 $0x40, s7  }
0xc2: {  	[tilespmem:s9], [sflag:$0x3] =	stream.linear.gather [hbm4b:s11+s5], $0x2000, $0x38;
	[tilespmem:$0x18000] =	vst v63  }
0xc3: {  	s20 =	sadd.s32 $0x2000, s8;
	s19 =	sor.u32 $0x30, s15  }
0xc4: {  	s12 =	rddreg [dreg:$0x18];
	s13 =	sor.u32 s19, s20  }
0xc5: {  	[tilespmem:s10], [sflag:$0x4] =	stream.linear.gather [hbm4b:s12+s5], $0x2000, $0x38;
	[tilespmem:$0x18000] =	vst v63  }
0xc6: {  	s11 =	sor.u32 $0x10, s15;
	s12 =	sor.u32 s15, s20;
	v0 =	vld [tilespmem:s13+$0x0]  }
0xc7: {  	s18 =	sor.u32 $0x20, s15;
	s21 =	sor.u32 s11, s20;
	v3 =	vld [tilespmem:s12+$0x0]  }
0xc8: {  	s10 =	sor.u32 s18, s20;
	v2 =	vld [tilespmem:s21+$0x0]  }
0xc9: {  	s6 =	sor.u32 s19, s8;
	v1 =	vld [tilespmem:s10+$0x0]  }
0xca: {  	s9 =	sor.u32 s15, s8;
	v4 =	vld [tilespmem:s6+$0x16000]  }
0xcb: {  	v5 =	vld [tilespmem:s9+$0x10000]  }
0xcc: {  	v6 =	vld [tilespmem:s9+$0x12000]  }
0xcd: {  	v8 =	vld [tilespmem:s9+$0x14000]  }
0xce: {  	s13 =	sor.u32 s11, s8;
	v9 =	vld [tilespmem:s9+$0x16000]  }
0xcf: {  	v10 =	vld [tilespmem:s13+$0x10000];
	v4 =	vadd.f32 v4, v0  }
0xd0: {  	v7 =	vld [tilespmem:s13+$0x12000];
	v5 =	vadd.f32 v5, v3  }
0xd1: {  	[tilespmem:s6+$0x16000] =	vst v4;
	v4 =	vadd.f32 v6, v3;
	v6 =	vld [tilespmem:s13+$0x14000]  }
0xd2: {  	s8 =	sor.u32 s18, s8;
	v8 =	vadd.f32 v8, v3;
	[tilespmem:s9+$0x10000] =	vst v5;
	v5 =	vld [tilespmem:s13+$0x16000]  }
0xd3: {  	v9 =	vadd.f32 v9, v3;
	[tilespmem:s9+$0x12000] =	vst v4;
	v4 =	vld [tilespmem:s8+$0x10000]  }
0xd4: {  	[tilespmem:s9+$0x14000] =	vst v8;
	v8 =	vadd.f32 v10, v2;
	v3 =	vld [tilespmem:s8+$0x12000]  }
.LBB2_4:
0xd5: {  	s7 =	sadd.s32 $0x40, s7;
	[tilespmem:s9+$0x16000] =	vst v9;
	v7 =	vadd.f32 v7, v2;
	v9 =	vld [tilespmem:s8+$0x14000]  }
0xd6: {  	s5 =	sadd.s32 $0x200, s5;
	s9 =	sshrl.u32 s7, $0x3;
	p0 =	slt.u32 s7, $0x1FC0;
	[tilespmem:s13+$0x10000] =	vst v8;
	v6 =	vadd.f32 v6, v2;
	v8 =	vld [tilespmem:s8+$0x16000]  }
0xd7: {  	s10 =	sand.u32 $0x40, s7;
	s11 =	sand.u32 $0x1C00, s5;
	s9 =	sand.u32 $0x1FFFFF80, s9;
	[tilespmem:s13+$0x12000] =	vst v7;
	v2 =	vadd.f32 v5, v2;
	v5 =	vld [tilespmem:s6+$0x10000]  }
0xd8: {  	s12 =	sor.u32 $0x10, s10;
	s11 =	sadd.s32 s11, s9;
	s9 =	sor.u32 $0x30, s10;
	[tilespmem:s13+$0x14000] =	vst v6;
	v4 =	vadd.f32 v4, v1;
	v6 =	vld [tilespmem:s6+$0x12000]  }
0xd9: {  	s19 =	sor.u32 $0x20, s10;
	s18 =	sadd.s32 $0x2000, s11;
	s20 =	sor.u32 s9, s11;
	[tilespmem:s13+$0x16000] =	vst v2;
	v2 =	vadd.f32 v3, v1;
	v3 =	vld [tilespmem:s6+$0x14000]  }
0xda: {  	s21 =	sor.u32 s10, s18;
	s14 =	sor.u32 s12, s18;
	s15 =	sor.u32 s9, s18;
	v7 =	vld [tilespmem:s20+$0x16000];
	[tilespmem:s8+$0x10000] =	vst v4;
	v4 =	vadd.f32 v9, v1  }
0xdb: {  	s13 =	sor.u32 s12, s11;
	s9 =	sor.u32 s10, s11;
	s10 =	sor.u32 s19, s18;
	v9 =	vld [tilespmem:s15+$0x0];
	[tilespmem:s8+$0x12000] =	vst v2;
	v1 =	vadd.f32 v8, v1  }
0xdc: {  	s11 =	sor.u32 s19, s11;
	v8 =	vld [tilespmem:s21+$0x0];
	[tilespmem:s8+$0x14000] =	vst v4;
	v4 =	vadd.f32 v5, v0  }
0xdd: {  	v2 =	vld [tilespmem:s14+$0x0];
	[tilespmem:s8+$0x16000] =	vst v1;
	v5 =	vadd.f32 v6, v0;
	s8 =	smov.u32 s11  }
0xde: {  	v1 =	vld [tilespmem:s10+$0x0];
	[tilespmem:s6+$0x10000] =	vst v4;
	v6 =	vadd.f32 v3, v0  }
0xdf: {  	v3 =	vld [tilespmem:s9+$0x10000];
	[tilespmem:s6+$0x12000] =	vst v5  }
0xe0: {  	v4 =	vld [tilespmem:s9+$0x12000];
	v5 =	vadd.f32 v7, v9;
	[tilespmem:s6+$0x14000] =	vst v6;
	v0 =	vmov v9;
	s6 =	smov.u32 s20  }
0xe1: {  	v9 =	vld [tilespmem:s9+$0x14000]  }
0xe2: {  	v10 =	vld [tilespmem:s9+$0x16000];
	[tilespmem:s6+$0x16000] =	vst v5  }
0xe3: {  	v11 =	vld [tilespmem:s13+$0x10000]  }
.Ltmp1:
0xe4: {  	v3 =	vadd.f32 v3, v8;
	v7 =	vld [tilespmem:s13+$0x12000];
	(pc) =	sbr.rel @p0 .LBB2_4-.Ltmp1, $4  }
0xe5: {  	v4 =	vadd.f32 v4, v8;
	v6 =	vld [tilespmem:s13+$0x14000]  }
0xe6: {  	[tilespmem:s9+$0x10000] =	vst v3;
	v3 =	vadd.f32 v9, v8;
	v5 =	vld [tilespmem:s13+$0x16000]  }
0xe7: {  	[tilespmem:s9+$0x12000] =	vst v4;
	v9 =	vadd.f32 v10, v8;
	v4 =	vld [tilespmem:s8+$0x10000]  }
0xe8: {  	[tilespmem:s9+$0x14000] =	vst v3;
	v8 =	vadd.f32 v11, v2;
	v3 =	vld [tilespmem:s8+$0x12000]  }
0xe9: {  	[tilespmem:s9+$0x16000] =	vst v9;
	v7 =	vadd.f32 v7, v2;
	v9 =	vld [tilespmem:s8+$0x14000]  }
0xea: {  	[tilespmem:s13+$0x10000] =	vst v8;
	v6 =	vadd.f32 v6, v2;
	v8 =	vld [tilespmem:s8+$0x16000]  }
0xeb: {  	[tilespmem:s13+$0x12000] =	vst v7;
	v2 =	vadd.f32 v5, v2;
	v5 =	vld [tilespmem:s6+$0x10000]  }
0xec: {  	[tilespmem:s13+$0x14000] =	vst v6;
	v4 =	vadd.f32 v4, v1;
	v6 =	vld [tilespmem:s6+$0x12000]  }
0xed: {  	[tilespmem:s13+$0x16000] =	vst v2;
	v2 =	vadd.f32 v3, v1;
	v3 =	vld [tilespmem:s6+$0x14000]  }
0xee: {  	[tilespmem:s8+$0x10000] =	vst v4;
	v4 =	vadd.f32 v9, v1  }
0xef: {  	[tilespmem:s8+$0x12000] =	vst v2;
	v1 =	vadd.f32 v8, v1  }
0xf0: {  	[tilespmem:s8+$0x14000] =	vst v4;
	v2 =	vadd.f32 v5, v0  }
0xf1: {  	[tilespmem:s8+$0x16000] =	vst v1;
	v1 =	vadd.f32 v6, v0  }
0xf2: {  	[tilespmem:s6+$0x10000] =	vst v2;
	v0 =	vadd.f32 v3, v0  }
0xf3: {  	[tilespmem:s6+$0x12000] =	vst v1  }
0xf4: {  	[tilespmem:s6+$0x14000] =	vst v0  }
0xf5: {  	s5 =	simm.s32 $0x0;
	s6 =	rddreg [dreg:$0x11]  }
0xf6: {  	[hbm4b:s6+s5] =	stream.linear.scatter [tilespmem:s16], [sflag:$0xD], $0x2000, $0x38;
	[tilespmem:$0x18000] =	vst v63  }
0xf7: {  	s15 =	rddreg [dreg:$0x12]  }
0xf8: {  	[hbm4b:s15+s5] =	stream.linear.scatter [tilespmem:s17], [sflag:$0xE], $0x2000, $0x38;
	[tilespmem:$0x18000] =	vst v63  }
0xf9: {  	s18 =	rddreg [dreg:$0x13]  }
0xfa: {  	[hbm4b:s18+s5] =	stream.linear.scatter [tilespmem:s22], [sflag:$0xF], $0x2000, $0x38;
	[tilespmem:$0x18000] =	vst v63  }
0xfb: {  	s20 =	simm.s32 $0x1;
	s19 =	rddreg [dreg:$0x14]  }
0xfc: {  	[hbm4b:s19+s5] =	stream.linear.scatter [tilespmem:s23], [sflag:$0x10], $0x2000, $0x38;
	[tilespmem:$0x18000] =	vst v63  }
0xfd: {  	_ =	swait.ge [sflag:s20], $0x2000  }
0xfe: {  	[sflag:s20] =	ssyncset.done $0x0  }
0xff: {  	s21 =	simm.s32 $0x2;
	[sflag:s20] =	ssyncadd.s32 $0xFFFFE000  }
0x100: {  	_ =	swait.ge [sflag:s21], $0x2000  }
0x101: {  	[sflag:s21] =	ssyncset.done $0x0  }
0x102: {  	s7 =	simm.s32 $0x3;
	[sflag:s21] =	ssyncadd.s32 $0xFFFFE000  }
0x103: {  	_ =	swait.ge [sflag:s7], $0x2000  }
0x104: {  	[sflag:s7] =	ssyncset.done $0x0  }
0x105: {  	s8 =	simm.s32 $0x4;
	[sflag:s7] =	ssyncadd.s32 $0xFFFFE000  }
0x106: {  	_ =	swait.ge [sflag:s8], $0x2000  }
0x107: {  	[sflag:s8] =	ssyncset.done $0x0  }
0x108: {  	[sflag:s8] =	ssyncadd.s32 $0xFFFFE000  }
0x109: {  	_ =	swait.ge [sflag:s31], $0x2000  }
0x10a: {  	[sflag:s31] =	ssyncset.done $0x0  }
0x10b: {  	[sflag:s31] =	ssyncadd.s32 $0xFFFFE000  }
0x10c: {  	_ =	swait.ge [sflag:s0], $0x2000  }
0x10d: {  	[sflag:s0] =	ssyncset.done $0x0  }
0x10e: {  	[sflag:s0] =	ssyncadd.s32 $0xFFFFE000  }
0x10f: {  	_ =	swait.ge [sflag:s2], $0x2000  }
0x110: {  	[sflag:s2] =	ssyncset.done $0x0  }
0x111: {  	[sflag:s2] =	ssyncadd.s32 $0xFFFFE000  }
0x112: {  	s14 =	sand.u32 $0x1C00, s5;
	s13 =	simm.s32 $0x0;
	_ =	swait.ge [sflag:s3], $0x2000  }
0x113: {  	s6 =	sand.u32 $0x1FFFFF80, s13;
	[sflag:s3] =	ssyncset.done $0x0;
	s9 =	rddreg [dreg:$0x1a]  }
0x114: {  	s7 =	simm.s32 $0x0;
	s10 =	rddreg [dreg:$0x1c];
	[sflag:s3] =	ssyncadd.s32 $0xFFFFE000  }
0x115: {  	[tilespmem:s16], [sflag:$0x5] =	stream.linear.gather [hbm4b:s9+s5], $0x2000, $0x38;
	[tilespmem:$0x18000] =	vst v63  }
0x116: {  	s15 =	sand.u32 $0x40, s7;
	s8 =	sadd.s32 s14, s6;
	s11 =	rddreg [dreg:$0x1e]  }
0x117: {  	[tilespmem:s17], [sflag:$0x6] =	stream.linear.gather [hbm4b:s10+s5], $0x2000, $0x38;
	[tilespmem:$0x18000] =	vst v63  }
0x118: {  	s18 =	sor.u32 $0x30, s15;
	s12 =	sld [smem:$0x7D7];
	s10 =	sadd.s32 $0x4000, s8  }
0x119: {  	[tilespmem:s22], [sflag:$0x7] =	stream.linear.gather [hbm4b:s11+s5], $0x2000, $0x38;
	[tilespmem:$0x18000] =	vst v63  }
0x11a: {  	s11 =	sor.u32 s18, s10  }
0x11b: {  	[tilespmem:s23], [sflag:$0x8] =	stream.linear.gather [hbm4b:s12+s5], $0x2000, $0x38;
	[tilespmem:$0x18000] =	vst v63  }
0x11c: {  	s19 =	sor.u32 s15, s10;
	v0 =	vld [tilespmem:s11+$0x0]  }
0x11d: {  	s6 =	sor.u32 s18, s8;
	v3 =	vld [tilespmem:s19+$0x0]  }
0x11e: {  	s9 =	sor.u32 s15, s8;
	v4 =	vld [tilespmem:s6+$0xE000]  }
0x11f: {  	v5 =	vld [tilespmem:s9+$0x8000]  }
0x120: {  	v6 =	vld [tilespmem:s9+$0xA000]  }
0x121: {  	s12 =	sor.u32 $0x10, s15;
	v8 =	vld [tilespmem:s9+$0xC000]  }
0x122: {  	s20 =	sor.u32 $0x20, s15;
	s21 =	sor.u32 s12, s10;
	v9 =	vld [tilespmem:s9+$0xE000]  }
0x123: {  	s10 =	sor.u32 s20, s10;
	v2 =	vld [tilespmem:s21+$0x0]  }
0x124: {  	s13 =	sor.u32 s12, s8;
	v1 =	vld [tilespmem:s10+$0x0]  }
0x125: {  	v10 =	vld [tilespmem:s13+$0x8000];
	v4 =	vadd.f32 v4, v0  }
0x126: {  	v7 =	vld [tilespmem:s13+$0xA000];
	v5 =	vadd.f32 v5, v3  }
0x127: {  	[tilespmem:s6+$0xE000] =	vst v4;
	v4 =	vadd.f32 v6, v3;
	v6 =	vld [tilespmem:s13+$0xC000]  }
0x128: {  	s8 =	sor.u32 s20, s8;
	v8 =	vadd.f32 v8, v3;
	[tilespmem:s9+$0x8000] =	vst v5;
	v5 =	vld [tilespmem:s13+$0xE000]  }
0x129: {  	v9 =	vadd.f32 v9, v3;
	[tilespmem:s9+$0xA000] =	vst v4;
	v4 =	vld [tilespmem:s8+$0x8000]  }
0x12a: {  	[tilespmem:s9+$0xC000] =	vst v8;
	v8 =	vadd.f32 v10, v2;
	v3 =	vld [tilespmem:s8+$0xA000]  }
.LBB2_6:
0x12b: {  	s7 =	sadd.s32 $0x40, s7;
	[tilespmem:s9+$0xE000] =	vst v9;
	v7 =	vadd.f32 v7, v2;
	v9 =	vld [tilespmem:s8+$0xC000]  }
0x12c: {  	s5 =	sadd.s32 $0x200, s5;
	s9 =	sshrl.u32 s7, $0x3;
	p0 =	slt.u32 s7, $0x1FC0;
	[tilespmem:s13+$0x8000] =	vst v8;
	v6 =	vadd.f32 v6, v2;
	v8 =	vld [tilespmem:s8+$0xE000]  }
0x12d: {  	s10 =	sand.u32 $0x40, s7;
	s11 =	sand.u32 $0x1C00, s5;
	s9 =	sand.u32 $0x1FFFFF80, s9;
	[tilespmem:s13+$0xA000] =	vst v7;
	v2 =	vadd.f32 v5, v2;
	v5 =	vld [tilespmem:s6+$0x8000]  }
0x12e: {  	s12 =	sor.u32 $0x10, s10;
	s11 =	sadd.s32 s11, s9;
	s9 =	sor.u32 $0x30, s10;
	[tilespmem:s13+$0xC000] =	vst v6;
	v4 =	vadd.f32 v4, v1;
	v6 =	vld [tilespmem:s6+$0xA000]  }
0x12f: {  	s15 =	sor.u32 $0x20, s10;
	s14 =	sadd.s32 $0x4000, s11;
	s18 =	sor.u32 s9, s11;
	[tilespmem:s13+$0xE000] =	vst v2;
	v2 =	vadd.f32 v3, v1;
	v3 =	vld [tilespmem:s6+$0xC000]  }
0x130: {  	s19 =	sor.u32 s10, s14;
	s20 =	sor.u32 s12, s14;
	s21 =	sor.u32 s9, s14;
	v7 =	vld [tilespmem:s18+$0xE000];
	[tilespmem:s8+$0x8000] =	vst v4;
	v4 =	vadd.f32 v9, v1  }
0x131: {  	s13 =	sor.u32 s12, s11;
	s9 =	sor.u32 s10, s11;
	s10 =	sor.u32 s15, s14;
	v9 =	vld [tilespmem:s21+$0x0];
	[tilespmem:s8+$0xA000] =	vst v2;
	v1 =	vadd.f32 v8, v1  }
0x132: {  	s11 =	sor.u32 s15, s11;
	v8 =	vld [tilespmem:s19+$0x0];
	[tilespmem:s8+$0xC000] =	vst v4;
	v4 =	vadd.f32 v5, v0  }
0x133: {  	v2 =	vld [tilespmem:s20+$0x0];
	[tilespmem:s8+$0xE000] =	vst v1;
	v5 =	vadd.f32 v6, v0;
	s8 =	smov.u32 s11  }
0x134: {  	v1 =	vld [tilespmem:s10+$0x0];
	[tilespmem:s6+$0x8000] =	vst v4;
	v6 =	vadd.f32 v3, v0  }
0x135: {  	v3 =	vld [tilespmem:s9+$0x8000];
	[tilespmem:s6+$0xA000] =	vst v5  }
0x136: {  	v4 =	vld [tilespmem:s9+$0xA000];
	v5 =	vadd.f32 v7, v9;
	[tilespmem:s6+$0xC000] =	vst v6;
	v0 =	vmov v9;
	s6 =	smov.u32 s18  }
0x137: {  	v9 =	vld [tilespmem:s9+$0xC000]  }
0x138: {  	v10 =	vld [tilespmem:s9+$0xE000];
	[tilespmem:s6+$0xE000] =	vst v5  }
0x139: {  	v11 =	vld [tilespmem:s13+$0x8000]  }
.Ltmp2:
0x13a: {  	v3 =	vadd.f32 v3, v8;
	v7 =	vld [tilespmem:s13+$0xA000];
	(pc) =	sbr.rel @p0 .LBB2_6-.Ltmp2, $4  }
0x13b: {  	v4 =	vadd.f32 v4, v8;
	v6 =	vld [tilespmem:s13+$0xC000]  }
0x13c: {  	[tilespmem:s9+$0x8000] =	vst v3;
	v3 =	vadd.f32 v9, v8;
	v5 =	vld [tilespmem:s13+$0xE000]  }
0x13d: {  	[tilespmem:s9+$0xA000] =	vst v4;
	v9 =	vadd.f32 v10, v8;
	v4 =	vld [tilespmem:s8+$0x8000]  }
0x13e: {  	[tilespmem:s9+$0xC000] =	vst v3;
	v8 =	vadd.f32 v11, v2;
	v3 =	vld [tilespmem:s8+$0xA000]  }
0x13f: {  	[tilespmem:s9+$0xE000] =	vst v9;
	v7 =	vadd.f32 v7, v2;
	v9 =	vld [tilespmem:s8+$0xC000]  }
0x140: {  	[tilespmem:s13+$0x8000] =	vst v8;
	v6 =	vadd.f32 v6, v2;
	v8 =	vld [tilespmem:s8+$0xE000]  }
0x141: {  	[tilespmem:s13+$0xA000] =	vst v7;
	v2 =	vadd.f32 v5, v2;
	v5 =	vld [tilespmem:s6+$0x8000]  }
0x142: {  	[tilespmem:s13+$0xC000] =	vst v6;
	v4 =	vadd.f32 v4, v1;
	v6 =	vld [tilespmem:s6+$0xA000]  }
0x143: {  	[tilespmem:s13+$0xE000] =	vst v2;
	v2 =	vadd.f32 v3, v1;
	v3 =	vld [tilespmem:s6+$0xC000]  }
0x144: {  	[tilespmem:s8+$0x8000] =	vst v4;
	v4 =	vadd.f32 v9, v1  }
0x145: {  	[tilespmem:s8+$0xA000] =	vst v2;
	v1 =	vadd.f32 v8, v1  }
0x146: {  	[tilespmem:s8+$0xC000] =	vst v4;
	v2 =	vadd.f32 v5, v0  }
0x147: {  	[tilespmem:s8+$0xE000] =	vst v1;
	v1 =	vadd.f32 v6, v0  }
0x148: {  	[tilespmem:s6+$0x8000] =	vst v2;
	v0 =	vadd.f32 v3, v0  }
0x149: {  	[tilespmem:s6+$0xA000] =	vst v1  }
0x14a: {  	[tilespmem:s6+$0xC000] =	vst v0  }
0x14b: {  	s5 =	simm.s32 $0x0;
	s7 =	simm.s32 $0x8000;
	s6 =	rddreg [dreg:$0x15]  }
0x14c: {  	[hbm4b:s6+s5] =	stream.linear.scatter [tilespmem:s7], [sflag:$0x9], $0x2000, $0x38;
	[tilespmem:$0x18000] =	vst v63  }
0x14d: {  	s13 =	simm.s32 $0xA000;
	s12 =	rddreg [dreg:$0x16]  }
0x14e: {  	[hbm4b:s12+s5] =	stream.linear.scatter [tilespmem:s13], [sflag:$0xA], $0x2000, $0x38;
	[tilespmem:$0x18000] =	vst v63  }
0x14f: {  	s15 =	simm.s32 $0xC000;
	s14 =	rddreg [dreg:$0x17]  }
0x150: {  	[hbm4b:s14+s5] =	stream.linear.scatter [tilespmem:s15], [sflag:$0xB], $0x2000, $0x38;
	[tilespmem:$0x18000] =	vst v63  }
0x151: {  	s10 =	simm.s32 $0xE000;
	s19 =	simm.s32 $0x5;
	s18 =	rddreg [dreg:$0x19]  }
0x152: {  	[hbm4b:s18+s5] =	stream.linear.scatter [tilespmem:s10], [sflag:$0xC], $0x2000, $0x38;
	[tilespmem:$0x18000] =	vst v63  }
0x153: {  	_ =	swait.ge [sflag:s19], $0x2000  }
0x154: {  	[sflag:s19] =	ssyncset.done $0x0  }
0x155: {  	s20 =	simm.s32 $0x6;
	[sflag:s19] =	ssyncadd.s32 $0xFFFFE000  }
0x156: {  	_ =	swait.ge [sflag:s20], $0x2000  }
0x157: {  	[sflag:s20] =	ssyncset.done $0x0  }
0x158: {  	[sflag:s20] =	ssyncadd.s32 $0xFFFFE000  }
0x159: {  	_ =	swait.ge [sflag:s24], $0x2000  }
0x15a: {  	[sflag:s24] =	ssyncset.done $0x0  }
0x15b: {  	[sflag:s24] =	ssyncadd.s32 $0xFFFFE000  }
0x15c: {  	_ =	swait.ge [sflag:s25], $0x2000  }
0x15d: {  	[sflag:s25] =	ssyncset.done $0x0  }
0x15e: {  	[sflag:s25] =	ssyncadd.s32 $0xFFFFE000  }
0x15f: {  	_ =	swait.ge [sflag:s26], $0x2000  }
0x160: {  	[sflag:s26] =	ssyncset.done $0x0  }
0x161: {  	[sflag:s26] =	ssyncadd.s32 $0xFFFFE000  }
0x162: {  	_ =	swait.ge [sflag:s28], $0x2000  }
0x163: {  	[sflag:s28] =	ssyncset.done $0x0  }
0x164: {  	[sflag:s28] =	ssyncadd.s32 $0xFFFFE000  }
0x165: {  	_ =	swait.ge [sflag:s29], $0x2000  }
0x166: {  	[sflag:s29] =	ssyncset.done $0x0  }
0x167: {  	[sflag:s29] =	ssyncadd.s32 $0xFFFFE000  }
0x168: {  	_ =	swait.ge [sflag:s30], $0x2000  }
0x169: {  	s21 =	sld [smem:$0x7DB]  }
0x16a: {  	[sflag:s30] =	ssyncset.done $0x0  }
0x16b: {  	[sflag:s30] =	ssyncadd.s32 $0xFFFFE000  }
0x16c: {  	[tilespmem:s7], [sflag:$0x1] =	stream.linear.gather [hbm4b:s21+s5], $0x2000, $0x38;
	[tilespmem:$0x18000] =	vst v63  }
0x16d: {  	s7 =	sld [smem:$0x7DD]  }
0x16e: {  	s12 =	simm.s32 $0x0  }
0x16f: {  	s6 =	sand.u32 $0x1FFFFF80, s12;
	s8 =	sld [smem:$0x7DF]  }
0x170: {  	[tilespmem:s13], [sflag:$0x2] =	stream.linear.gather [hbm4b:s7+s5], $0x2000, $0x38;
	[tilespmem:$0x18000] =	vst v63  }
0x171: {  	s11 =	sld [smem:$0x7E1];
	s7 =	simm.s32 $0x0;
	s13 =	sand.u32 $0x1C00, s5  }
0x172: {  	[tilespmem:s15], [sflag:$0x3] =	stream.linear.gather [hbm4b:s8+s5], $0x2000, $0x38;
	[tilespmem:$0x18000] =	vst v63  }
0x173: {  	s14 =	sand.u32 $0x40, s7;
	s8 =	sadd.s32 s13, s6  }
0x174: {  	s15 =	sor.u32 $0x30, s14;
	s18 =	sadd.s32 $0x6000, s8  }
0x175: {  	[tilespmem:s10], [sflag:$0x4] =	stream.linear.gather [hbm4b:s11+s5], $0x2000, $0x38;
	[tilespmem:$0x18000] =	vst v63  }
0x176: {  	s11 =	sor.u32 s15, s18  }
0x177: {  	s12 =	sor.u32 $0x10, s14;
	s19 =	sor.u32 s14, s18;
	v0 =	vld [tilespmem:s11+$0x0]  }
0x178: {  	s20 =	sor.u32 $0x20, s14;
	s21 =	sor.u32 s12, s18;
	v3 =	vld [tilespmem:s19+$0x0]  }
0x179: {  	s10 =	sor.u32 s20, s18;
	v2 =	vld [tilespmem:s21+$0x0]  }
0x17a: {  	s6 =	sor.u32 s15, s8;
	v1 =	vld [tilespmem:s10+$0x0]  }
0x17b: {  	s9 =	sor.u32 s14, s8;
	v4 =	vld [tilespmem:s6+$0x16000]  }
0x17c: {  	v5 =	vld [tilespmem:s9+$0x10000]  }
0x17d: {  	v6 =	vld [tilespmem:s9+$0x12000]  }
0x17e: {  	v8 =	vld [tilespmem:s9+$0x14000]  }
0x17f: {  	s13 =	sor.u32 s12, s8;
	v9 =	vld [tilespmem:s9+$0x16000]  }
0x180: {  	v10 =	vld [tilespmem:s13+$0x10000];
	v4 =	vadd.f32 v4, v0  }
0x181: {  	v7 =	vld [tilespmem:s13+$0x12000];
	v5 =	vadd.f32 v5, v3  }
0x182: {  	[tilespmem:s6+$0x16000] =	vst v4;
	v4 =	vadd.f32 v6, v3;
	v6 =	vld [tilespmem:s13+$0x14000]  }
0x183: {  	s8 =	sor.u32 s20, s8;
	v8 =	vadd.f32 v8, v3;
	[tilespmem:s9+$0x10000] =	vst v5;
	v5 =	vld [tilespmem:s13+$0x16000]  }
0x184: {  	v9 =	vadd.f32 v9, v3;
	[tilespmem:s9+$0x12000] =	vst v4;
	v4 =	vld [tilespmem:s8+$0x10000]  }
0x185: {  	[tilespmem:s9+$0x14000] =	vst v8;
	v8 =	vadd.f32 v10, v2;
	v3 =	vld [tilespmem:s8+$0x12000]  }
.LBB2_8:
0x186: {  	s7 =	sadd.s32 $0x40, s7;
	[tilespmem:s9+$0x16000] =	vst v9;
	v7 =	vadd.f32 v7, v2;
	v9 =	vld [tilespmem:s8+$0x14000]  }
0x187: {  	s5 =	sadd.s32 $0x200, s5;
	s9 =	sshrl.u32 s7, $0x3;
	p0 =	slt.u32 s7, $0x1FC0;
	[tilespmem:s13+$0x10000] =	vst v8;
	v6 =	vadd.f32 v6, v2;
	v8 =	vld [tilespmem:s8+$0x16000]  }
0x188: {  	s10 =	sand.u32 $0x40, s7;
	s11 =	sand.u32 $0x1C00, s5;
	s9 =	sand.u32 $0x1FFFFF80, s9;
	[tilespmem:s13+$0x12000] =	vst v7;
	v2 =	vadd.f32 v5, v2;
	v5 =	vld [tilespmem:s6+$0x10000]  }
0x189: {  	s12 =	sor.u32 $0x10, s10;
	s11 =	sadd.s32 s11, s9;
	s9 =	sor.u32 $0x30, s10;
	[tilespmem:s13+$0x14000] =	vst v6;
	v4 =	vadd.f32 v4, v1;
	v6 =	vld [tilespmem:s6+$0x12000]  }
0x18a: {  	s15 =	sor.u32 $0x20, s10;
	s14 =	sadd.s32 $0x6000, s11;
	s18 =	sor.u32 s9, s11;
	[tilespmem:s13+$0x16000] =	vst v2;
	v2 =	vadd.f32 v3, v1;
	v3 =	vld [tilespmem:s6+$0x14000]  }
0x18b: {  	s19 =	sor.u32 s10, s14;
	s20 =	sor.u32 s12, s14;
	s21 =	sor.u32 s9, s14;
	v7 =	vld [tilespmem:s18+$0x16000];
	[tilespmem:s8+$0x10000] =	vst v4;
	v4 =	vadd.f32 v9, v1  }
0x18c: {  	s13 =	sor.u32 s12, s11;
	s9 =	sor.u32 s10, s11;
	s10 =	sor.u32 s15, s14;
	v9 =	vld [tilespmem:s21+$0x0];
	[tilespmem:s8+$0x12000] =	vst v2;
	v1 =	vadd.f32 v8, v1  }
0x18d: {  	s11 =	sor.u32 s15, s11;
	v8 =	vld [tilespmem:s19+$0x0];
	[tilespmem:s8+$0x14000] =	vst v4;
	v4 =	vadd.f32 v5, v0  }
0x18e: {  	v2 =	vld [tilespmem:s20+$0x0];
	[tilespmem:s8+$0x16000] =	vst v1;
	v5 =	vadd.f32 v6, v0;
	s8 =	smov.u32 s11  }
0x18f: {  	v1 =	vld [tilespmem:s10+$0x0];
	[tilespmem:s6+$0x10000] =	vst v4;
	v6 =	vadd.f32 v3, v0  }
0x190: {  	v3 =	vld [tilespmem:s9+$0x10000];
	[tilespmem:s6+$0x12000] =	vst v5  }
0x191: {  	v4 =	vld [tilespmem:s9+$0x12000];
	v5 =	vadd.f32 v7, v9;
	[tilespmem:s6+$0x14000] =	vst v6;
	v0 =	vmov v9;
	s6 =	smov.u32 s18  }
0x192: {  	v9 =	vld [tilespmem:s9+$0x14000]  }
0x193: {  	v10 =	vld [tilespmem:s9+$0x16000];
	[tilespmem:s6+$0x16000] =	vst v5  }
0x194: {  	v11 =	vld [tilespmem:s13+$0x10000]  }
.Ltmp3:
0x195: {  	v3 =	vadd.f32 v3, v8;
	v7 =	vld [tilespmem:s13+$0x12000];
	(pc) =	sbr.rel @p0 .LBB2_8-.Ltmp3, $4  }
0x196: {  	v4 =	vadd.f32 v4, v8;
	v6 =	vld [tilespmem:s13+$0x14000]  }
0x197: {  	[tilespmem:s9+$0x10000] =	vst v3;
	v3 =	vadd.f32 v9, v8;
	v5 =	vld [tilespmem:s13+$0x16000]  }
0x198: {  	[tilespmem:s9+$0x12000] =	vst v4;
	v9 =	vadd.f32 v10, v8;
	v4 =	vld [tilespmem:s8+$0x10000]  }
0x199: {  	[tilespmem:s9+$0x14000] =	vst v3;
	v8 =	vadd.f32 v11, v2;
	v3 =	vld [tilespmem:s8+$0x12000]  }
0x19a: {  	[tilespmem:s9+$0x16000] =	vst v9;
	v7 =	vadd.f32 v7, v2;
	v62 =	vld [tilespmem:s8+$0x14000]  }
0x19b: {  	[tilespmem:s13+$0x10000] =	vst v8;
	v6 =	vadd.f32 v6, v2;
	v8 =	vld [tilespmem:s8+$0x16000]  }
0x19c: {  	[tilespmem:s13+$0x12000] =	vst v7;
	v2 =	vadd.f32 v5, v2;
	v5 =	vld [tilespmem:s6+$0x10000]  }
0x19d: {  	[tilespmem:s13+$0x14000] =	vst v6;
	v4 =	vadd.f32 v4, v1;
	v6 =	vld [tilespmem:s6+$0x12000]  }
0x19e: {  	[tilespmem:s13+$0x16000] =	vst v2;
	v2 =	vadd.f32 v3, v1;
	v3 =	vld [tilespmem:s6+$0x14000]  }
0x19f: {  	[tilespmem:s8+$0x10000] =	vst v4;
	v4 =	vadd.f32 v62, v1  }
0x1a0: {  	[tilespmem:s8+$0x12000] =	vst v2;
	v1 =	vadd.f32 v8, v1  }
0x1a1: {  	[tilespmem:s8+$0x14000] =	vst v4;
	v2 =	vadd.f32 v5, v0  }
0x1a2: {  	[tilespmem:s8+$0x16000] =	vst v1;
	v1 =	vadd.f32 v6, v0  }
0x1a3: {  	[tilespmem:s6+$0x10000] =	vst v2;
	v0 =	vadd.f32 v3, v0  }
0x1a4: {  	[tilespmem:s6+$0x12000] =	vst v1  }
0x1a5: {  	[tilespmem:s6+$0x14000] =	vst v0  }
0x1a6: {  	s6 =	rddreg [dreg:$0x1b]  }
0x1a7: {  	s5 =	simm.s32 $0x0;
	s8 =	rddreg [dreg:$0x1d]  }
0x1a8: {  	[hbm4b:s6+s5] =	stream.linear.scatter [tilespmem:s16], [sflag:$0xD], $0x2000, $0x38;
	[tilespmem:$0x18000] =	vst v63  }
0x1a9: {  	s9 =	rddreg [dreg:$0x1f]  }
0x1aa: {  	[hbm4b:s8+s5] =	stream.linear.scatter [tilespmem:s17], [sflag:$0xE], $0x2000, $0x38;
	[tilespmem:$0x18000] =	vst v63  }
0x1ab: {  	s10 =	sld [smem:$0x7D8]  }
0x1ac: {  	[hbm4b:s9+s5] =	stream.linear.scatter [tilespmem:s22], [sflag:$0xF], $0x2000, $0x38;
	[tilespmem:$0x18000] =	vst v63  }
0x1ad: {  	s11 =	sld [smem:$0x7DA]  }
0x1ae: {  	[hbm4b:s10+s5] =	stream.linear.scatter [tilespmem:s23], [sflag:$0x10], $0x2000, $0x38;
	[tilespmem:$0x18000] =	vst v63  }
0x1af: {  	s12 =	simm.s32 $0x11  }
0x1b0: {  	[tilespmem:s5], [sflag:$0x11] =	stream.linear.gather [hbm4b:s11+s5], $0x8000, $0x38;
	[tilespmem:$0x18000] =	vst v63  }
0x1b1: {  	_ =	swait.ge [sflag:s12], $0x8000  }
0x1b2: {  	[sflag:s12] =	ssyncset.done $0x0  }
0x1b3: {  	s13 =	simm.s32 $0x1;
	[sflag:s12] =	ssyncadd.s32 $0xFFFF8000  }
0x1b4: {  	_ =	swait.ge [sflag:s13], $0x2000  }
0x1b5: {  	[sflag:s13] =	ssyncset.done $0x0  }
0x1b6: {  	s14 =	simm.s32 $0x2;
	[sflag:s13] =	ssyncadd.s32 $0xFFFFE000  }
0x1b7: {  	_ =	swait.ge [sflag:s14], $0x2000  }
0x1b8: {  	[sflag:s14] =	ssyncset.done $0x0  }
0x1b9: {  	s15 =	simm.s32 $0x3;
	[sflag:s14] =	ssyncadd.s32 $0xFFFFE000  }
0x1ba: {  	_ =	swait.ge [sflag:s15], $0x2000  }
0x1bb: {  	[sflag:s15] =	ssyncset.done $0x0  }
0x1bc: {  	s18 =	simm.s32 $0x4;
	[sflag:s15] =	ssyncadd.s32 $0xFFFFE000  }
0x1bd: {  	_ =	swait.ge [sflag:s18], $0x2000  }
0x1be: {  	[sflag:s18] =	ssyncset.done $0x0  }
0x1bf: {  	[sflag:s18] =	ssyncadd.s32 $0xFFFFE000  }
0x1c0: {  	_ =	swait.ge [sflag:s31], $0x2000  }
0x1c1: {  	[sflag:s31] =	ssyncset.done $0x0  }
0x1c2: {  	[sflag:s31] =	ssyncadd.s32 $0xFFFFE000  }
0x1c3: {  	_ =	swait.ge [sflag:s0], $0x2000  }
0x1c4: {  	[sflag:s0] =	ssyncset.done $0x0  }
0x1c5: {  	[sflag:s0] =	ssyncadd.s32 $0xFFFFE000  }
0x1c6: {  	_ =	swait.ge [sflag:s2], $0x2000  }
0x1c7: {  	[sflag:s2] =	ssyncset.done $0x0  }
0x1c8: {  	[sflag:s2] =	ssyncadd.s32 $0xFFFFE000  }
0x1c9: {  	_ =	swait.ge [sflag:s3], $0x2000  }
0x1ca: {  	s19 =	sld [smem:$0x7E3]  }
0x1cb: {  	[sflag:s3] =	ssyncset.done $0x0  }
0x1cc: {  	s20 =	sld [smem:$0x7E5];
	[sflag:s3] =	ssyncadd.s32 $0xFFFFE000  }
0x1cd: {  	[tilespmem:s16], [sflag:$0x5] =	stream.linear.gather [hbm4b:s19+s5], $0x2000, $0x38;
	[tilespmem:$0x18000] =	vst v63  }
0x1ce: {  	s21 =	sld [smem:$0x7E7]  }
0x1cf: {  	[tilespmem:s17], [sflag:$0x6] =	stream.linear.gather [hbm4b:s20+s5], $0x2000, $0x38;
	[tilespmem:$0x18000] =	vst v63  }
0x1d0: {  	_ = 	snop  }
0x1d1: {  	[tilespmem:s22], [sflag:$0x7] =	stream.linear.gather [hbm4b:s21+s5], $0x2000, $0x38;
	[tilespmem:$0x18000] =	vst v63  }
0x1d2: {  	s22 =	sld [smem:$0x7E9];
	_ =	sdelay $0x2  }
0x1d3: {  	[tilespmem:s23], [sflag:$0x8] =	stream.linear.gather [hbm4b:s22+s5], $0x2000, $0x38;
	[tilespmem:$0x18000] =	vst v63  }
0x1d4: {  	s7 =	sand.u32 $0x1C00, s5;
	s6 =	simm.s32 $0x0;
	s5 =	sand.u32 $0x380, s5  }
0x1d5: {  	s23 =	sand.u32 $0x40, s6;
	s5 =	sor.u32 s5, s7  }
0x1d6: {  	s5 =	sor.u32 s23, s5  }
0x1d7: {  	v0 =	vld [tilespmem:s5+$0x30]  }
0x1d8: {  	v1 =	vld [tilespmem:s5+$0xE030]  }
0x1d9: {  	v2 =	vld [tilespmem:s5+$0x0]  }
0x1da: {  	v3 =	vld [tilespmem:s5+$0x8000]  }
0x1db: {  	v4 =	vld [tilespmem:s5+$0xA000]  }
0x1dc: {  	v8 =	vld [tilespmem:s5+$0x10]  }
0x1dd: {  	v63 =	vld [tilespmem:s5+$0xA010];
	_ =	sdelay $0x1  }
0x1de: {  	v5 =	vld [tilespmem:s5+$0xC000]  }
0x1df: {  	v6 =	vld [tilespmem:s5+$0xE000];
	v1 =	vadd.f32 v1, v0  }
0x1e0: {  	v7 =	vld [tilespmem:s5+$0x8010];
	v3 =	vadd.f32 v3, v2  }
0x1e1: {  	v9 =	vadd.f32 v63, v8;
	[tilespmem:s5+$0xE030] =	vst v1;
	v1 =	vadd.f32 v4, v2;
	v4 =	vld [tilespmem:s5+$0xC010]  }
0x1e2: {  	v10 =	vld [tilespmem:s5+$0xE010];
	[tilespmem:s5+$0x8000] =	vst v3  }
0x1e3: {  	v3 =	vadd.f32 v5, v2;
	v5 =	vld [tilespmem:s5+$0x8020];
	[tilespmem:s5+$0xA010] =	vst v9  }
0x1e4: {  	v2 =	vadd.f32 v6, v2;
	[tilespmem:s5+$0xA000] =	vst v1;
	v1 =	vld [tilespmem:s5+$0x20]  }
0x1e5: {  	v6 =	vadd.f32 v7, v8;
	[tilespmem:s5+$0xC000] =	vst v3;
	v3 =	vld [tilespmem:s5+$0xA020]  }
0x1e6: {  	[tilespmem:s5+$0xE000] =	vst v2;
	v2 =	vld [tilespmem:s5+$0xC020];
	v7 =	vadd.f32 v4, v8  }
0x1e7: {  	s8 =	simm.s32 $0x200;
	s7 =	simm.s32 $0x8;
	[tilespmem:s5+$0x8010] =	vst v6;
	v6 =	vadd.f32 v10, v8;
	v4 =	vld [tilespmem:s5+$0xE020]  }
.LBB2_10:
0x1e8: {  	s6 =	sadd.s32 $0x40, s6;
	s9 =	sand.u32 $0x1C00, s8;
	s10 =	sand.u32 $0x380, s7;
	[tilespmem:s5+$0xC010] =	vst v7;
	v7 =	vld [tilespmem:s5+$0x8030]  }
0x1e9: {  	s11 =	sand.u32 $0x40, s6;
	s9 =	sor.u32 s10, s9;
	p0 =	slt.u32 s6, $0x1FC0;
	[tilespmem:s5+$0xE010] =	vst v6;
	v5 =	vadd.f32 v5, v1;
	v6 =	vld [tilespmem:s5+$0xA030]  }
0x1ea: {  	s9 =	sor.u32 s11, s9;
	v3 =	vadd.f32 v3, v1;
	v8 =	vld [tilespmem:s5+$0xC030]  }
0x1eb: {  	v9 =	vld [tilespmem:s9+$0x30];
	[tilespmem:s5+$0x8020] =	vst v5;
	v2 =	vadd.f32 v2, v1  }
0x1ec: {  	v5 =	vld [tilespmem:s9+$0xE030];
	[tilespmem:s5+$0xA020] =	vst v3;
	v1 =	vadd.f32 v4, v1  }
0x1ed: {  	v3 =	vld [tilespmem:s9+$0x0];
	[tilespmem:s5+$0xC020] =	vst v2;
	v2 =	vadd.f32 v7, v0  }
0x1ee: {  	v4 =	vld [tilespmem:s9+$0x8000];
	[tilespmem:s5+$0xE020] =	vst v1;
	v1 =	vadd.f32 v6, v0  }
0x1ef: {  	v6 =	vld [tilespmem:s9+$0xA000];
	[tilespmem:s5+$0x8030] =	vst v2;
	v2 =	vadd.f32 v8, v0  }
0x1f0: {  	v7 =	vld [tilespmem:s9+$0xC000];
	[tilespmem:s5+$0xA030] =	vst v1;
	v0 =	vmov v9  }
0x1f1: {  	v1 =	vld [tilespmem:s9+$0xE000];
	v5 =	vadd.f32 v5, v0;
	[tilespmem:s5+$0xC030] =	vst v2;
	s5 =	smov.u32 s9  }
0x1f2: {  	v8 =	vld [tilespmem:s5+$0x10]  }
0x1f3: {  	v2 =	vadd.f32 v4, v3;
	v4 =	vld [tilespmem:s5+$0x8010];
	[tilespmem:s5+$0xE030] =	vst v5  }
0x1f4: {  	v5 =	vadd.f32 v6, v3;
	v6 =	vld [tilespmem:s5+$0xA010]  }
0x1f5: {  	[tilespmem:s5+$0x8000] =	vst v2;
	v2 =	vadd.f32 v7, v3;
	v7 =	vld [tilespmem:s5+$0xC010]  }
0x1f6: {  	[tilespmem:s5+$0xA000] =	vst v5;
	v3 =	vadd.f32 v1, v3;
	v9 =	vld [tilespmem:s5+$0xE010]  }
.Ltmp4:
0x1f7: {  	[tilespmem:s5+$0xC000] =	vst v2;
	v1 =	vld [tilespmem:s5+$0x20];
	(pc) =	sbr.rel @p0 .LBB2_10-.Ltmp4, $4  }
0x1f8: {  	[tilespmem:s5+$0xE000] =	vst v3;
	v2 =	vadd.f32 v4, v8;
	v5 =	vld [tilespmem:s5+$0x8020]  }
0x1f9: {  	v4 =	vadd.f32 v6, v8;
	v3 =	vld [tilespmem:s5+$0xA020]  }
0x1fa: {  	[tilespmem:s5+$0x8010] =	vst v2;
	v7 =	vadd.f32 v7, v8;
	v2 =	vld [tilespmem:s5+$0xC020]  }
0x1fb: {  	s7 =	sadd.s32 $0x8, s7;
	s8 =	sadd.s32 $0x200, s8;
	[tilespmem:s5+$0xA010] =	vst v4;
	v6 =	vadd.f32 v9, v8;
	v4 =	vld [tilespmem:s5+$0xE020]  }
0x1fc: {  	v8 =	vld [tilespmem:s5+$0x8030]  }
0x1fd: {  	[tilespmem:s5+$0xC010] =	vst v7;
	v7 =	vld [tilespmem:s5+$0xA030];
	v5 =	vadd.f32 v5, v1  }
0x1fe: {  	[tilespmem:s5+$0xE010] =	vst v6;
	v6 =	vld [tilespmem:s5+$0xC030];
	v3 =	vadd.f32 v3, v1  }
0x1ff: {  	[tilespmem:s5+$0x8020] =	vst v5;
	v2 =	vadd.f32 v2, v1  }
0x200: {  	[tilespmem:s5+$0xA020] =	vst v3;
	v1 =	vadd.f32 v4, v1  }
0x201: {  	[tilespmem:s5+$0xC020] =	vst v2;
	v2 =	vadd.f32 v8, v0  }
0x202: {  	[tilespmem:s5+$0xE020] =	vst v1;
	v1 =	vadd.f32 v7, v0  }
0x203: {  	v0 =	vadd.f32 v6, v0;
	[tilespmem:s5+$0x8030] =	vst v2  }
0x204: {  	[tilespmem:s5+$0xA030] =	vst v1  }
0x205: {  	[tilespmem:s5+$0xC030] =	vst v0  }
0x206: {  	s6 =	sld [smem:$0x7DC];
	_ =	sdelay $0x1  }
0x207: {  	s7 =	simm.s32 $0x8000;
	s5 =	simm.s32 $0x0;
	s18 =	sld [smem:$0x7DE]  }
0x208: {  	[hbm4b:s6+s5] =	stream.linear.scatter [tilespmem:s7], [sflag:$0x9], $0x2000, $0x38;
	[tilespmem:$0x18000] =	vst v63  }
0x209: {  	s8 =	simm.s32 $0xA000;
	s19 =	sld [smem:$0x7E0]  }
0x20a: {  	[hbm4b:s18+s5] =	stream.linear.scatter [tilespmem:s8], [sflag:$0xA], $0x2000, $0x38;
	[tilespmem:$0x18000] =	vst v63  }
0x20b: {  	s9 =	simm.s32 $0xC000;
	s20 =	sld [smem:$0x7E2]  }
0x20c: {  	[hbm4b:s19+s5] =	stream.linear.scatter [tilespmem:s9], [sflag:$0xB], $0x2000, $0x38;
	[tilespmem:$0x18000] =	vst v63  }
0x20d: {  	s10 =	simm.s32 $0xE000;
	s21 =	simm.s32 $0x5  }
0x20e: {  	[hbm4b:s20+s5] =	stream.linear.scatter [tilespmem:s10], [sflag:$0xC], $0x2000, $0x38;
	[tilespmem:$0x18000] =	vst v63  }
0x20f: {  	_ =	swait.ge [sflag:s21], $0x2000  }
0x210: {  	[sflag:s21] =	ssyncset.done $0x0  }
0x211: {  	s22 =	simm.s32 $0x6;
	[sflag:s21] =	ssyncadd.s32 $0xFFFFE000  }
0x212: {  	_ =	swait.ge [sflag:s22], $0x2000  }
0x213: {  	[sflag:s22] =	ssyncset.done $0x0  }
0x214: {  	[sflag:s22] =	ssyncadd.s32 $0xFFFFE000  }
0x215: {  	_ =	swait.ge [sflag:s24], $0x2000  }
0x216: {  	[sflag:s24] =	ssyncset.done $0x0  }
0x217: {  	[sflag:s24] =	ssyncadd.s32 $0xFFFFE000  }
0x218: {  	_ =	swait.ge [sflag:s25], $0x2000  }
0x219: {  	[sflag:s25] =	ssyncset.done $0x0  }
0x21a: {  	[sflag:s25] =	ssyncadd.s32 $0xFFFFE000  }
0x21b: {  	_ =	swait.ge [sflag:s26], $0x2000  }
0x21c: {  	[sflag:s26] =	ssyncset.done $0x0  }
0x21d: {  	[sflag:s26] =	ssyncadd.s32 $0xFFFFE000  }
0x21e: {  	_ =	swait.ge [sflag:s28], $0x2000  }
0x21f: {  	[sflag:s28] =	ssyncset.done $0x0  }
0x220: {  	[sflag:s28] =	ssyncadd.s32 $0xFFFFE000  }
0x221: {  	_ =	swait.ge [sflag:s29], $0x2000  }
0x222: {  	[sflag:s29] =	ssyncset.done $0x0  }
0x223: {  	[sflag:s29] =	ssyncadd.s32 $0xFFFFE000  }
0x224: {  	_ =	swait.ge [sflag:s30], $0x2000  }
0x225: {  	s23 =	sld [smem:$0x7ED]  }
0x226: {  	[sflag:s30] =	ssyncset.done $0x0  }
0x227: {  	[sflag:s30] =	ssyncadd.s32 $0xFFFFE000  }
0x228: {  	[tilespmem:s7], [sflag:$0x1] =	stream.linear.gather [hbm4b:s23+s5], $0x2000, $0x38;
	[tilespmem:$0x18000] =	vst v63  }
0x229: {  	s7 =	sld [smem:$0x7EE];
	_ =	sdelay $0x1  }
0x22a: {  	s13 =	simm.s32 $0x0;
	s11 =	sld [smem:$0x7EF]  }
0x22b: {  	[tilespmem:s8], [sflag:$0x2] =	stream.linear.gather [hbm4b:s7+s5], $0x2000, $0x38;
	[tilespmem:$0x18000] =	vst v63  }
0x22c: {  	s14 =	sand.u32 $0x1C00, s5;
	s6 =	sand.u32 $0x1FFFFF80, s13;
	s7 =	simm.s32 $0x0  }
0x22d: {  	s12 =	sld [smem:$0x7F0];
	s8 =	sadd.s32 s14, s6;
	s15 =	sand.u32 $0x40, s7  }
0x22e: {  	[tilespmem:s9], [sflag:$0x3] =	stream.linear.gather [hbm4b:s11+s5], $0x2000, $0x38;
	[tilespmem:$0x18000] =	vst v63  }
0x22f: {  	s19 =	sadd.s32 $0x2000, s8;
	s18 =	sor.u32 $0x30, s15  }
0x230: {  	s11 =	sor.u32 s18, s19  }
0x231: {  	[tilespmem:s10], [sflag:$0x4] =	stream.linear.gather [hbm4b:s12+s5], $0x2000, $0x38;
	[tilespmem:$0x18000] =	vst v63  }
0x232: {  	s13 =	sor.u32 s15, s19;
	s20 =	sor.u32 $0x20, s15;
	v0 =	vld [tilespmem:s11+$0x0]  }
0x233: {  	s10 =	sor.u32 s20, s19;
	v3 =	vld [tilespmem:s13+$0x0]  }
0x234: {  	s6 =	sor.u32 s18, s8;
	v1 =	vld [tilespmem:s10+$0x0]  }
0x235: {  	s9 =	sor.u32 s15, s8;
	v4 =	vld [tilespmem:s6+$0x16000]  }
0x236: {  	v5 =	vld [tilespmem:s9+$0x10000]  }
0x237: {  	v6 =	vld [tilespmem:s9+$0x12000]  }
0x238: {  	s12 =	sor.u32 $0x10, s15;
	v8 =	vld [tilespmem:s9+$0x14000]  }
0x239: {  	s21 =	sor.u32 s12, s19;
	v9 =	vld [tilespmem:s9+$0x16000]  }
0x23a: {  	s13 =	sor.u32 s12, s8;
	v2 =	vld [tilespmem:s21+$0x0]  }
0x23b: {  	v10 =	vld [tilespmem:s13+$0x10000];
	v4 =	vadd.f32 v4, v0  }
0x23c: {  	v7 =	vld [tilespmem:s13+$0x12000];
	v5 =	vadd.f32 v5, v3  }
0x23d: {  	[tilespmem:s6+$0x16000] =	vst v4;
	v4 =	vadd.f32 v6, v3;
	v6 =	vld [tilespmem:s13+$0x14000]  }
0x23e: {  	s8 =	sor.u32 s20, s8;
	v8 =	vadd.f32 v8, v3;
	[tilespmem:s9+$0x10000] =	vst v5;
	v5 =	vld [tilespmem:s13+$0x16000]  }
0x23f: {  	s16 =	simm.s32 $0x8000;
	v9 =	vadd.f32 v9, v3;
	[tilespmem:s9+$0x12000] =	vst v4;
	v4 =	vld [tilespmem:s8+$0x10000]  }
0x240: {  	s17 =	simm.s32 $0xA000;
	s22 =	simm.s32 $0xC000;
	s23 =	simm.s32 $0xE000;
	[tilespmem:s9+$0x14000] =	vst v8;
	v8 =	vadd.f32 v10, v2;
	v3 =	vld [tilespmem:s8+$0x12000]  }
.LBB2_12:
0x241: {  	s7 =	sadd.s32 $0x40, s7;
	[tilespmem:s9+$0x16000] =	vst v9;
	v7 =	vadd.f32 v7, v2;
	v9 =	vld [tilespmem:s8+$0x14000]  }
0x242: {  	s5 =	sadd.s32 $0x200, s5;
	s9 =	sshrl.u32 s7, $0x3;
	p0 =	slt.u32 s7, $0x1FC0;
	[tilespmem:s13+$0x10000] =	vst v8;
	v6 =	vadd.f32 v6, v2;
	v8 =	vld [tilespmem:s8+$0x16000]  }
0x243: {  	s10 =	sand.u32 $0x40, s7;
	s11 =	sand.u32 $0x1C00, s5;
	s9 =	sand.u32 $0x1FFFFF80, s9;
	[tilespmem:s13+$0x12000] =	vst v7;
	v2 =	vadd.f32 v5, v2;
	v5 =	vld [tilespmem:s6+$0x10000]  }
0x244: {  	s12 =	sor.u32 $0x10, s10;
	s11 =	sadd.s32 s11, s9;
	s9 =	sor.u32 $0x30, s10;
	[tilespmem:s13+$0x14000] =	vst v6;
	v4 =	vadd.f32 v4, v1;
	v6 =	vld [tilespmem:s6+$0x12000]  }
0x245: {  	s15 =	sor.u32 $0x20, s10;
	s14 =	sadd.s32 $0x2000, s11;
	s18 =	sor.u32 s9, s11;
	[tilespmem:s13+$0x16000] =	vst v2;
	v2 =	vadd.f32 v3, v1;
	v3 =	vld [tilespmem:s6+$0x14000]  }
0x246: {  	s19 =	sor.u32 s10, s14;
	s20 =	sor.u32 s12, s14;
	s21 =	sor.u32 s9, s14;
	v7 =	vld [tilespmem:s18+$0x16000];
	[tilespmem:s8+$0x10000] =	vst v4;
	v4 =	vadd.f32 v9, v1  }
0x247: {  	s13 =	sor.u32 s12, s11;
	s9 =	sor.u32 s10, s11;
	s10 =	sor.u32 s15, s14;
	v9 =	vld [tilespmem:s21+$0x0];
	[tilespmem:s8+$0x12000] =	vst v2;
	v1 =	vadd.f32 v8, v1  }
0x248: {  	s11 =	sor.u32 s15, s11;
	v8 =	vld [tilespmem:s19+$0x0];
	[tilespmem:s8+$0x14000] =	vst v4;
	v4 =	vadd.f32 v5, v0  }
0x249: {  	v2 =	vld [tilespmem:s20+$0x0];
	[tilespmem:s8+$0x16000] =	vst v1;
	v5 =	vadd.f32 v6, v0;
	s8 =	smov.u32 s11  }
0x24a: {  	v1 =	vld [tilespmem:s10+$0x0];
	[tilespmem:s6+$0x10000] =	vst v4;
	v6 =	vadd.f32 v3, v0  }
0x24b: {  	v3 =	vld [tilespmem:s9+$0x10000];
	[tilespmem:s6+$0x12000] =	vst v5  }
0x24c: {  	v4 =	vld [tilespmem:s9+$0x12000];
	v5 =	vadd.f32 v7, v9;
	[tilespmem:s6+$0x14000] =	vst v6;
	v0 =	vmov v9;
	s6 =	smov.u32 s18  }
0x24d: {  	v9 =	vld [tilespmem:s9+$0x14000]  }
0x24e: {  	v10 =	vld [tilespmem:s9+$0x16000];
	[tilespmem:s6+$0x16000] =	vst v5  }
0x24f: {  	v11 =	vld [tilespmem:s13+$0x10000]  }
.Ltmp5:
0x250: {  	v3 =	vadd.f32 v3, v8;
	v7 =	vld [tilespmem:s13+$0x12000];
	(pc) =	sbr.rel @p0 .LBB2_12-.Ltmp5, $4  }
0x251: {  	v4 =	vadd.f32 v4, v8;
	v6 =	vld [tilespmem:s13+$0x14000]  }
0x252: {  	[tilespmem:s9+$0x10000] =	vst v3;
	v3 =	vadd.f32 v9, v8;
	v5 =	vld [tilespmem:s13+$0x16000]  }
0x253: {  	[tilespmem:s9+$0x12000] =	vst v4;
	v9 =	vadd.f32 v10, v8;
	v4 =	vld [tilespmem:s8+$0x10000]  }
0x254: {  	[tilespmem:s9+$0x14000] =	vst v3;
	v8 =	vadd.f32 v11, v2;
	v3 =	vld [tilespmem:s8+$0x12000]  }
0x255: {  	[tilespmem:s9+$0x16000] =	vst v9;
	v7 =	vadd.f32 v7, v2;
	v9 =	vld [tilespmem:s8+$0x14000]  }
0x256: {  	[tilespmem:s13+$0x10000] =	vst v8;
	v6 =	vadd.f32 v6, v2;
	v8 =	vld [tilespmem:s8+$0x16000]  }
0x257: {  	[tilespmem:s13+$0x12000] =	vst v7;
	v2 =	vadd.f32 v5, v2;
	v5 =	vld [tilespmem:s6+$0x10000]  }
0x258: {  	[tilespmem:s13+$0x14000] =	vst v6;
	v4 =	vadd.f32 v4, v1;
	v6 =	vld [tilespmem:s6+$0x12000]  }
0x259: {  	[tilespmem:s13+$0x16000] =	vst v2;
	v2 =	vadd.f32 v3, v1;
	v3 =	vld [tilespmem:s6+$0x14000]  }
0x25a: {  	[tilespmem:s8+$0x10000] =	vst v4;
	v4 =	vadd.f32 v9, v1  }
0x25b: {  	[tilespmem:s8+$0x12000] =	vst v2;
	v1 =	vadd.f32 v8, v1  }
0x25c: {  	[tilespmem:s8+$0x14000] =	vst v4;
	v2 =	vadd.f32 v5, v0  }
0x25d: {  	[tilespmem:s8+$0x16000] =	vst v1;
	v1 =	vadd.f32 v6, v0  }
0x25e: {  	[tilespmem:s6+$0x10000] =	vst v2;
	v0 =	vadd.f32 v3, v0  }
0x25f: {  	[tilespmem:s6+$0x12000] =	vst v1  }
0x260: {  	[tilespmem:s6+$0x14000] =	vst v0  }
0x261: {  	s6 =	sld [smem:$0x7E4];
	_ =	sdelay $0x1  }
0x262: {  	s5 =	simm.s32 $0x0;
	s7 =	simm.s32 $0x10000;
	s10 =	sld [smem:$0x7E6]  }
0x263: {  	[hbm4b:s6+s5] =	stream.linear.scatter [tilespmem:s7], [sflag:$0xD], $0x2000, $0x38;
	[tilespmem:$0x18000] =	vst v63  }
0x264: {  	s11 =	simm.s32 $0x12000;
	s12 =	sld [smem:$0x7E8]  }
0x265: {  	[hbm4b:s10+s5] =	stream.linear.scatter [tilespmem:s11], [sflag:$0xE], $0x2000, $0x38;
	[tilespmem:$0x18000] =	vst v63  }
0x266: {  	s13 =	simm.s32 $0x14000;
	s14 =	sld [smem:$0x7EA]  }
0x267: {  	[hbm4b:s12+s5] =	stream.linear.scatter [tilespmem:s13], [sflag:$0xF], $0x2000, $0x38;
	[tilespmem:$0x18000] =	vst v63  }
0x268: {  	s15 =	simm.s32 $0x1;
	s10 =	simm.s32 $0x16000  }
0x269: {  	[hbm4b:s14+s5] =	stream.linear.scatter [tilespmem:s10], [sflag:$0x10], $0x2000, $0x38;
	[tilespmem:$0x18000] =	vst v63  }
0x26a: {  	_ =	swait.ge [sflag:s15], $0x2000  }
0x26b: {  	[sflag:s15] =	ssyncset.done $0x0  }
0x26c: {  	s18 =	simm.s32 $0x2;
	[sflag:s15] =	ssyncadd.s32 $0xFFFFE000  }
0x26d: {  	_ =	swait.ge [sflag:s18], $0x2000  }
0x26e: {  	[sflag:s18] =	ssyncset.done $0x0  }
0x26f: {  	s19 =	simm.s32 $0x3;
	[sflag:s18] =	ssyncadd.s32 $0xFFFFE000  }
0x270: {  	_ =	swait.ge [sflag:s19], $0x2000  }
0x271: {  	[sflag:s19] =	ssyncset.done $0x0  }
0x272: {  	s20 =	simm.s32 $0x4;
	[sflag:s19] =	ssyncadd.s32 $0xFFFFE000  }
0x273: {  	_ =	swait.ge [sflag:s20], $0x2000  }
0x274: {  	[sflag:s20] =	ssyncset.done $0x0  }
0x275: {  	[sflag:s20] =	ssyncadd.s32 $0xFFFFE000  }
0x276: {  	_ =	swait.ge [sflag:s31], $0x2000  }
0x277: {  	[sflag:s31] =	ssyncset.done $0x0  }
0x278: {  	[sflag:s31] =	ssyncadd.s32 $0xFFFFE000  }
0x279: {  	_ =	swait.ge [sflag:s0], $0x2000  }
0x27a: {  	[sflag:s0] =	ssyncset.done $0x0  }
0x27b: {  	[sflag:s0] =	ssyncadd.s32 $0xFFFFE000  }
0x27c: {  	_ =	swait.ge [sflag:s2], $0x2000  }
0x27d: {  	[sflag:s2] =	ssyncset.done $0x0  }
0x27e: {  	[sflag:s2] =	ssyncadd.s32 $0xFFFFE000  }
0x27f: {  	_ =	swait.ge [sflag:s3], $0x2000  }
0x280: {  	s21 =	sld [smem:$0x7F1]  }
0x281: {  	[sflag:s3] =	ssyncset.done $0x0  }
0x282: {  	[sflag:s3] =	ssyncadd.s32 $0xFFFFE000  }
0x283: {  	[tilespmem:s7], [sflag:$0x5] =	stream.linear.gather [hbm4b:s21+s5], $0x2000, $0x38;
	[tilespmem:$0x18000] =	vst v63  }
0x284: {  	s7 =	sld [smem:$0x7F2];
	_ =	sdelay $0x1  }
0x285: {  	s8 =	sld [smem:$0x7F3]  }
0x286: {  	[tilespmem:s11], [sflag:$0x6] =	stream.linear.gather [hbm4b:s7+s5], $0x2000, $0x38;
	[tilespmem:$0x18000] =	vst v63  }
0x287: {  	s12 =	simm.s32 $0x0;
	s11 =	sld [smem:$0x7F4];
	s7 =	simm.s32 $0x0  }
0x288: {  	[tilespmem:s13], [sflag:$0x7] =	stream.linear.gather [hbm4b:s8+s5], $0x2000, $0x38;
	[tilespmem:$0x18000] =	vst v63  }
0x289: {  	s6 =	sand.u32 $0x1FFFFF80, s12;
	s14 =	sand.u32 $0x40, s7;
	s13 =	sand.u32 $0x1C00, s5  }
0x28a: {  	s15 =	sor.u32 $0x30, s14;
	s8 =	sadd.s32 s13, s6  }
0x28b: {  	[tilespmem:s10], [sflag:$0x8] =	stream.linear.gather [hbm4b:s11+s5], $0x2000, $0x38;
	[tilespmem:$0x18000] =	vst v63  }
0x28c: {  	s6 =	sor.u32 s15, s8  }
0x28d: {  	s9 =	sor.u32 s14, s8;
	v4 =	vld [tilespmem:s6+$0xE000]  }
0x28e: {  	v5 =	vld [tilespmem:s9+$0x8000]  }
0x28f: {  	s18 =	sadd.s32 $0x4000, s8;
	v6 =	vld [tilespmem:s9+$0xA000]  }
0x290: {  	s11 =	sor.u32 s15, s18;
	v8 =	vld [tilespmem:s9+$0xC000]  }
0x291: {  	s19 =	sor.u32 s14, s18;
	v0 =	vld [tilespmem:s11+$0x0]  }
0x292: {  	s12 =	sor.u32 $0x10, s14;
	v3 =	vld [tilespmem:s19+$0x0]  }
0x293: {  	s13 =	sor.u32 s12, s8;
	v9 =	vld [tilespmem:s9+$0xE000]  }
0x294: {  	v10 =	vld [tilespmem:s13+$0x8000]  }
0x295: {  	s20 =	sor.u32 $0x20, s14;
	s21 =	sor.u32 s12, s18;
	v7 =	vld [tilespmem:s13+$0xA000]  }
0x296: {  	s10 =	sor.u32 s20, s18;
	v2 =	vld [tilespmem:s21+$0x0];
	v4 =	vadd.f32 v4, v0  }
0x297: {  	v1 =	vld [tilespmem:s10+$0x0];
	v5 =	vadd.f32 v5, v3  }
0x298: {  	[tilespmem:s6+$0xE000] =	vst v4;
	v4 =	vadd.f32 v6, v3;
	v6 =	vld [tilespmem:s13+$0xC000]  }
0x299: {  	s8 =	sor.u32 s20, s8;
	v8 =	vadd.f32 v8, v3;
	[tilespmem:s9+$0x8000] =	vst v5;
	v5 =	vld [tilespmem:s13+$0xE000]  }
0x29a: {  	v9 =	vadd.f32 v9, v3;
	[tilespmem:s9+$0xA000] =	vst v4;
	v4 =	vld [tilespmem:s8+$0x8000]  }
0x29b: {  	[tilespmem:s9+$0xC000] =	vst v8;
	v8 =	vadd.f32 v10, v2;
	v3 =	vld [tilespmem:s8+$0xA000]  }
.LBB2_14:
0x29c: {  	s7 =	sadd.s32 $0x40, s7;
	[tilespmem:s9+$0xE000] =	vst v9;
	v7 =	vadd.f32 v7, v2;
	v9 =	vld [tilespmem:s8+$0xC000]  }
0x29d: {  	s5 =	sadd.s32 $0x200, s5;
	s9 =	sshrl.u32 s7, $0x3;
	p0 =	slt.u32 s7, $0x1FC0;
	[tilespmem:s13+$0x8000] =	vst v8;
	v6 =	vadd.f32 v6, v2;
	v8 =	vld [tilespmem:s8+$0xE000]  }
0x29e: {  	s10 =	sand.u32 $0x40, s7;
	s11 =	sand.u32 $0x1C00, s5;
	s9 =	sand.u32 $0x1FFFFF80, s9;
	[tilespmem:s13+$0xA000] =	vst v7;
	v2 =	vadd.f32 v5, v2;
	v5 =	vld [tilespmem:s6+$0x8000]  }
0x29f: {  	s12 =	sor.u32 $0x10, s10;
	s11 =	sadd.s32 s11, s9;
	s9 =	sor.u32 $0x30, s10;
	[tilespmem:s13+$0xC000] =	vst v6;
	v4 =	vadd.f32 v4, v1;
	v6 =	vld [tilespmem:s6+$0xA000]  }
0x2a0: {  	s15 =	sor.u32 $0x20, s10;
	s14 =	sadd.s32 $0x4000, s11;
	s18 =	sor.u32 s9, s11;
	[tilespmem:s13+$0xE000] =	vst v2;
	v2 =	vadd.f32 v3, v1;
	v3 =	vld [tilespmem:s6+$0xC000]  }
0x2a1: {  	s19 =	sor.u32 s10, s14;
	s20 =	sor.u32 s12, s14;
	s21 =	sor.u32 s9, s14;
	v7 =	vld [tilespmem:s18+$0xE000];
	[tilespmem:s8+$0x8000] =	vst v4;
	v4 =	vadd.f32 v9, v1  }
0x2a2: {  	s13 =	sor.u32 s12, s11;
	s9 =	sor.u32 s10, s11;
	s10 =	sor.u32 s15, s14;
	v9 =	vld [tilespmem:s21+$0x0];
	[tilespmem:s8+$0xA000] =	vst v2;
	v1 =	vadd.f32 v8, v1  }
0x2a3: {  	s11 =	sor.u32 s15, s11;
	v8 =	vld [tilespmem:s19+$0x0];
	[tilespmem:s8+$0xC000] =	vst v4;
	v4 =	vadd.f32 v5, v0  }
0x2a4: {  	v2 =	vld [tilespmem:s20+$0x0];
	[tilespmem:s8+$0xE000] =	vst v1;
	v5 =	vadd.f32 v6, v0;
	s8 =	smov.u32 s11  }
0x2a5: {  	v1 =	vld [tilespmem:s10+$0x0];
	[tilespmem:s6+$0x8000] =	vst v4;
	v6 =	vadd.f32 v3, v0  }
0x2a6: {  	v3 =	vld [tilespmem:s9+$0x8000];
	[tilespmem:s6+$0xA000] =	vst v5  }
0x2a7: {  	v4 =	vld [tilespmem:s9+$0xA000];
	v5 =	vadd.f32 v7, v9;
	[tilespmem:s6+$0xC000] =	vst v6;
	v0 =	vmov v9;
	s6 =	smov.u32 s18  }
0x2a8: {  	v9 =	vld [tilespmem:s9+$0xC000]  }
0x2a9: {  	v10 =	vld [tilespmem:s9+$0xE000];
	[tilespmem:s6+$0xE000] =	vst v5  }
0x2aa: {  	v11 =	vld [tilespmem:s13+$0x8000]  }
.Ltmp6:
0x2ab: {  	v3 =	vadd.f32 v3, v8;
	v7 =	vld [tilespmem:s13+$0xA000];
	(pc) =	sbr.rel @p0 .LBB2_14-.Ltmp6, $4  }
0x2ac: {  	v4 =	vadd.f32 v4, v8;
	v6 =	vld [tilespmem:s13+$0xC000]  }
0x2ad: {  	[tilespmem:s9+$0x8000] =	vst v3;
	v3 =	vadd.f32 v9, v8;
	v5 =	vld [tilespmem:s13+$0xE000]  }
0x2ae: {  	[tilespmem:s9+$0xA000] =	vst v4;
	v9 =	vadd.f32 v10, v8;
	v4 =	vld [tilespmem:s8+$0x8000]  }
0x2af: {  	[tilespmem:s9+$0xC000] =	vst v3;
	v8 =	vadd.f32 v11, v2;
	v3 =	vld [tilespmem:s8+$0xA000]  }
0x2b0: {  	[tilespmem:s9+$0xE000] =	vst v9;
	v7 =	vadd.f32 v7, v2;
	v9 =	vld [tilespmem:s8+$0xC000]  }
0x2b1: {  	[tilespmem:s13+$0x8000] =	vst v8;
	v6 =	vadd.f32 v6, v2;
	v8 =	vld [tilespmem:s8+$0xE000]  }
0x2b2: {  	[tilespmem:s13+$0xA000] =	vst v7;
	v2 =	vadd.f32 v5, v2;
	v5 =	vld [tilespmem:s6+$0x8000]  }
0x2b3: {  	[tilespmem:s13+$0xC000] =	vst v6;
	v4 =	vadd.f32 v4, v1;
	v6 =	vld [tilespmem:s6+$0xA000]  }
0x2b4: {  	[tilespmem:s13+$0xE000] =	vst v2;
	v2 =	vadd.f32 v3, v1;
	v3 =	vld [tilespmem:s6+$0xC000]  }
0x2b5: {  	[tilespmem:s8+$0x8000] =	vst v4;
	v4 =	vadd.f32 v9, v1  }
0x2b6: {  	[tilespmem:s8+$0xA000] =	vst v2;
	v1 =	vadd.f32 v8, v1  }
0x2b7: {  	[tilespmem:s8+$0xC000] =	vst v4;
	v2 =	vadd.f32 v5, v0  }
0x2b8: {  	[tilespmem:s8+$0xE000] =	vst v1;
	v1 =	vadd.f32 v6, v0  }
0x2b9: {  	[tilespmem:s6+$0x8000] =	vst v2;
	v0 =	vadd.f32 v3, v0  }
0x2ba: {  	[tilespmem:s6+$0xA000] =	vst v1  }
0x2bb: {  	[tilespmem:s6+$0xC000] =	vst v0  }
0x2bc: {  	s5 =	sld [smem:$0x7F5];
	_ =	sdelay $0x1  }
0x2bd: {  	s6 =	simm.s32 $0x0;
	s9 =	sld [smem:$0x7F6]  }
0x2be: {  	[hbm4b:s5+s6] =	stream.linear.scatter [tilespmem:s16], [sflag:$0x9], $0x2000, $0x38;
	[tilespmem:$0x18000] =	vst v63  }
0x2bf: {  	s10 =	sld [smem:$0x7F7]  }
0x2c0: {  	[hbm4b:s9+s6] =	stream.linear.scatter [tilespmem:s17], [sflag:$0xA], $0x2000, $0x38;
	[tilespmem:$0x18000] =	vst v63  }
0x2c1: {  	s11 =	sld [smem:$0x7F8]  }
0x2c2: {  	[hbm4b:s10+s6] =	stream.linear.scatter [tilespmem:s22], [sflag:$0xB], $0x2000, $0x38;
	[tilespmem:$0x18000] =	vst v63  }
0x2c3: {  	s12 =	simm.s32 $0x5  }
0x2c4: {  	[hbm4b:s11+s6] =	stream.linear.scatter [tilespmem:s23], [sflag:$0xC], $0x2000, $0x38;
	[tilespmem:$0x18000] =	vst v63  }
0x2c5: {  	_ =	swait.ge [sflag:s12], $0x2000  }
0x2c6: {  	[sflag:s12] =	ssyncset.done $0x0  }
0x2c7: {  	s13 =	simm.s32 $0x6;
	[sflag:s12] =	ssyncadd.s32 $0xFFFFE000  }
0x2c8: {  	_ =	swait.ge [sflag:s13], $0x2000  }
0x2c9: {  	[sflag:s13] =	ssyncset.done $0x0  }
0x2ca: {  	[sflag:s13] =	ssyncadd.s32 $0xFFFFE000  }
0x2cb: {  	_ =	swait.ge [sflag:s24], $0x2000  }
0x2cc: {  	s7 =	simm.s32 $0x0;
	[sflag:s24] =	ssyncset.done $0x0  }
0x2cd: {  	s14 =	simm.s32 $0x0;
	s15 =	sand.u32 $0x40, s7;
	[sflag:s24] =	ssyncadd.s32 $0xFFFFE000  }
0x2ce: {  	s18 =	sand.u32 $0x1C00, s6;
	s5 =	sand.u32 $0x1FFFFF80, s14;
	_ =	swait.ge [sflag:s25], $0x2000  }
0x2cf: {  	s19 =	sor.u32 $0x30, s15;
	s10 =	sadd.s32 s18, s5;
	[sflag:s25] =	ssyncset.done $0x0  }
0x2d0: {  	s5 =	sor.u32 s19, s10;
	s11 =	sadd.s32 $0x6000, s10;
	[sflag:s25] =	ssyncadd.s32 $0xFFFFE000  }
0x2d1: {  	s9 =	sor.u32 s19, s11;
	v3 =	vld [tilespmem:s5+$0x16000]  }
0x2d2: {  	s20 =	sor.u32 s15, s11;
	s12 =	sor.u32 $0x10, s15;
	v0 =	vld [tilespmem:s9+$0x0]  }
0x2d3: {  	s14 =	sor.u32 $0x20, s15;
	s21 =	sor.u32 s12, s11;
	v8 =	vld [tilespmem:s20+$0x0]  }
0x2d4: {  	s11 =	sor.u32 s14, s11;
	v2 =	vld [tilespmem:s21+$0x0]  }
0x2d5: {  	s9 =	sor.u32 s15, s10;
	v1 =	vld [tilespmem:s11+$0x0]  }
0x2d6: {  	v4 =	vld [tilespmem:s9+$0x10000]  }
0x2d7: {  	v9 =	vld [tilespmem:s9+$0x14000]  }
0x2d8: {  	v5 =	vld [tilespmem:s9+$0x12000]  }
0x2d9: {  	s13 =	sor.u32 s12, s10;
	v10 =	vld [tilespmem:s9+$0x16000]  }
0x2da: {  	v11 =	vld [tilespmem:s13+$0x10000];
	v3 =	vadd.f32 v3, v0  }
0x2db: {  	v7 =	vld [tilespmem:s13+$0x12000];
	v4 =	vadd.f32 v4, v8  }
0x2dc: {  	v6 =	vld [tilespmem:s13+$0x14000];
	v12 =	vadd.f32 v9, v8;
	[tilespmem:s5+$0x16000] =	vst v3  }
0x2dd: {  	s8 =	sor.u32 s14, s10;
	v3 =	vadd.f32 v5, v8;
	v5 =	vld [tilespmem:s13+$0x16000];
	[tilespmem:s9+$0x10000] =	vst v4  }
0x2de: {  	v9 =	vadd.f32 v10, v8;
	v4 =	vld [tilespmem:s8+$0x10000];
	[tilespmem:s9+$0x14000] =	vst v12  }
0x2df: {  	v8 =	vadd.f32 v11, v2;
	[tilespmem:s9+$0x12000] =	vst v3;
	v3 =	vld [tilespmem:s8+$0x12000]  }
.LBB2_16:
0x2e0: {  	s7 =	sadd.s32 $0x40, s7;
	[tilespmem:s9+$0x16000] =	vst v9;
	v7 =	vadd.f32 v7, v2;
	v9 =	vld [tilespmem:s8+$0x14000]  }
0x2e1: {  	s6 =	sadd.s32 $0x200, s6;
	s9 =	sshrl.u32 s7, $0x3;
	p0 =	slt.u32 s7, $0x1FC0;
	[tilespmem:s13+$0x10000] =	vst v8;
	v6 =	vadd.f32 v6, v2;
	v8 =	vld [tilespmem:s8+$0x16000]  }
0x2e2: {  	s10 =	sand.u32 $0x40, s7;
	s11 =	sand.u32 $0x1C00, s6;
	s9 =	sand.u32 $0x1FFFFF80, s9;
	[tilespmem:s13+$0x12000] =	vst v7;
	v2 =	vadd.f32 v5, v2;
	v5 =	vld [tilespmem:s5+$0x10000]  }
0x2e3: {  	s12 =	sor.u32 $0x10, s10;
	s11 =	sadd.s32 s11, s9;
	s9 =	sor.u32 $0x30, s10;
	[tilespmem:s13+$0x14000] =	vst v6;
	v4 =	vadd.f32 v4, v1;
	v6 =	vld [tilespmem:s5+$0x12000]  }
0x2e4: {  	s15 =	sor.u32 $0x20, s10;
	s14 =	sadd.s32 $0x6000, s11;
	s18 =	sor.u32 s9, s11;
	[tilespmem:s13+$0x16000] =	vst v2;
	v2 =	vadd.f32 v3, v1;
	v3 =	vld [tilespmem:s5+$0x14000]  }
0x2e5: {  	s19 =	sor.u32 s10, s14;
	s20 =	sor.u32 s12, s14;
	s21 =	sor.u32 s9, s14;
	v7 =	vld [tilespmem:s18+$0x16000];
	[tilespmem:s8+$0x10000] =	vst v4;
	v4 =	vadd.f32 v9, v1  }
0x2e6: {  	s13 =	sor.u32 s12, s11;
	s9 =	sor.u32 s10, s11;
	s10 =	sor.u32 s15, s14;
	v9 =	vld [tilespmem:s21+$0x0];
	[tilespmem:s8+$0x12000] =	vst v2;
	v1 =	vadd.f32 v8, v1  }
0x2e7: {  	s11 =	sor.u32 s15, s11;
	v8 =	vld [tilespmem:s19+$0x0];
	[tilespmem:s8+$0x14000] =	vst v4;
	v4 =	vadd.f32 v5, v0  }
0x2e8: {  	v2 =	vld [tilespmem:s20+$0x0];
	[tilespmem:s8+$0x16000] =	vst v1;
	v5 =	vadd.f32 v6, v0;
	s8 =	smov.u32 s11  }
0x2e9: {  	v1 =	vld [tilespmem:s10+$0x0];
	[tilespmem:s5+$0x10000] =	vst v4;
	v6 =	vadd.f32 v3, v0  }
0x2ea: {  	v3 =	vld [tilespmem:s9+$0x10000];
	[tilespmem:s5+$0x12000] =	vst v5  }
0x2eb: {  	v4 =	vld [tilespmem:s9+$0x12000];
	v5 =	vadd.f32 v7, v9;
	[tilespmem:s5+$0x14000] =	vst v6;
	v0 =	vmov v9;
	s5 =	smov.u32 s18  }
0x2ec: {  	v9 =	vld [tilespmem:s9+$0x14000]  }
0x2ed: {  	v10 =	vld [tilespmem:s9+$0x16000];
	[tilespmem:s5+$0x16000] =	vst v5  }
0x2ee: {  	v11 =	vld [tilespmem:s13+$0x10000]  }
.Ltmp7:
0x2ef: {  	v3 =	vadd.f32 v3, v8;
	v7 =	vld [tilespmem:s13+$0x12000];
	(pc) =	sbr.rel @p0 .LBB2_16-.Ltmp7, $4  }
0x2f0: {  	v4 =	vadd.f32 v4, v8;
	v6 =	vld [tilespmem:s13+$0x14000]  }
0x2f1: {  	[tilespmem:s9+$0x10000] =	vst v3;
	v3 =	vadd.f32 v9, v8;
	v5 =	vld [tilespmem:s13+$0x16000]  }
0x2f2: {  	[tilespmem:s9+$0x12000] =	vst v4;
	v9 =	vadd.f32 v10, v8;
	v4 =	vld [tilespmem:s8+$0x10000]  }
0x2f3: {  	[tilespmem:s9+$0x14000] =	vst v3;
	v8 =	vadd.f32 v11, v2;
	v3 =	vld [tilespmem:s8+$0x12000]  }
0x2f4: {  	[tilespmem:s9+$0x16000] =	vst v9;
	v7 =	vadd.f32 v7, v2;
	v52 =	vld [tilespmem:s8+$0x14000]  }
0x2f5: {  	v53 =	vld [tilespmem:s8+$0x16000];
	[tilespmem:s13+$0x10000] =	vst v8;
	v6 =	vadd.f32 v6, v2  }
0x2f6: {  	v55 =	vld [tilespmem:s5+$0x10000];
	[tilespmem:s13+$0x12000] =	vst v7;
	v54 =	vadd.f32 v5, v2  }
0x2f7: {  	v56 =	vld [tilespmem:s5+$0x12000];
	[tilespmem:s13+$0x14000] =	vst v6;
	v4 =	vadd.f32 v4, v1  }
0x2f8: {  	v58 =	vld [tilespmem:s5+$0x14000];
	[tilespmem:s13+$0x16000] =	vst v54;
	v57 =	vadd.f32 v3, v1  }
0x2f9: {  	[tilespmem:s8+$0x10000] =	vst v4;
	v59 =	vadd.f32 v52, v1  }
0x2fa: {  	v60 =	vadd.f32 v53, v1;
	[tilespmem:s8+$0x12000] =	vst v57  }
0x2fb: {  	v61 =	vadd.f32 v55, v0;
	[tilespmem:s8+$0x14000] =	vst v59  }
0x2fc: {  	v62 =	vadd.f32 v56, v0;
	[tilespmem:s8+$0x16000] =	vst v60  }
0x2fd: {  	v63 =	vadd.f32 v58, v0;
	[tilespmem:s5+$0x10000] =	vst v61  }
0x2fe: {  	[tilespmem:s5+$0x12000] =	vst v62  }
0x2ff: {  	[tilespmem:s5+$0x14000] =	vst v63  }
0x300: {  	s5 =	sld [smem:$0x7F9];
	_ =	sdelay $0x1  }
0x301: {  	s6 =	simm.s32 $0x10000;
	s18 =	sld [smem:$0x7FA]  }
0x302: {  	[hbm4b:s5+s1] =	stream.linear.scatter [tilespmem:s6], [sflag:$0xD], $0x2000, $0x38;
	[tilespmem:$0x18000] =	vst v63  }
0x303: {  	s7 =	simm.s32 $0x12000;
	s19 =	sld [smem:$0x7FB]  }
0x304: {  	[hbm4b:s18+s1] =	stream.linear.scatter [tilespmem:s7], [sflag:$0xE], $0x2000, $0x38;
	[tilespmem:$0x18000] =	vst v63  }
0x305: {  	s8 =	simm.s32 $0x14000;
	s20 =	sld [smem:$0x7FC]  }
0x306: {  	[hbm4b:s19+s1] =	stream.linear.scatter [tilespmem:s8], [sflag:$0xF], $0x2000, $0x38;
	[tilespmem:$0x18000] =	vst v63  }
0x307: {  	s9 =	simm.s32 $0x16000  }
0x308: {  	[hbm4b:s20+s1] =	stream.linear.scatter [tilespmem:s9], [sflag:$0x10], $0x2000, $0x38;
	[tilespmem:$0x18000] =	vst v63  }
0x309: {  	_ =	swait.ge [sflag:s26], $0x2000  }
0x30a: {  	[sflag:s26] =	ssyncset.done $0x0  }
0x30b: {  	[sflag:s26] =	ssyncadd.s32 $0xFFFFE000  }
0x30c: {  	_ =	swait.ge [sflag:s28], $0x2000  }
0x30d: {  	[sflag:s28] =	ssyncset.done $0x0  }
0x30e: {  	[sflag:s28] =	ssyncadd.s32 $0xFFFFE000  }
0x30f: {  	_ =	swait.ge [sflag:s29], $0x2000  }
0x310: {  	[sflag:s29] =	ssyncset.done $0x0  }
0x311: {  	[sflag:s29] =	ssyncadd.s32 $0xFFFFE000  }
0x312: {  	_ =	swait.ge [sflag:s30], $0x2000  }
0x313: {  	[sflag:s30] =	ssyncset.done $0x0  }
0x314: {  	[sflag:s30] =	ssyncadd.s32 $0xFFFFE000  }
0x315: {  	_ =	swait.ge [sflag:s31], $0x2000  }
0x316: {  	[sflag:s31] =	ssyncset.done $0x0  }
0x317: {  	[sflag:s31] =	ssyncadd.s32 $0xFFFFE000  }
0x318: {  	_ =	swait.ge [sflag:s0], $0x2000  }
0x319: {  	[sflag:s0] =	ssyncset.done $0x0  }
0x31a: {  	[sflag:s0] =	ssyncadd.s32 $0xFFFFE000  }
0x31b: {  	_ =	swait.ge [sflag:s2], $0x2000  }
0x31c: {  	[sflag:s2] =	ssyncset.done $0x0  }
0x31d: {  	[sflag:s2] =	ssyncadd.s32 $0xFFFFE000  }
0x31e: {  	_ =	swait.ge [sflag:s3], $0x2000  }
0x31f: {  	s21 =	sld [smem:$0x7FD];
	_ =	sdelay $0x1  }
0x320: {  	s4 =	sadd.s32 $0x1, s4  }
0x321: {  	p0 =	sne.s32 s4, s21  }
.Ltmp8:
0x322: {  	_ = 	snop;
	(pc) =	sbr.rel @p0 .LBB2_1-.Ltmp8, $3  }
0x323: {  	_ =	sdelay $0x1  }
0x324: {  	[sflag:s3] =	ssyncset.done $0x0  }
0x325: {  	[sflag:s3] =	ssyncadd.s32 $0xFFFFE000  }
0x326: {  	_ =	sfence.sel $0x180000  }
0x327: {  	[bflag:$0x0] =	sbarrier.arrive $0xFFFF  }
0x328: {  	_ =	strace $0x90000047  }
0x329: {  	s0 =	stileid.u32;
	[bflag:$0x2] =	sbarrier.arrive $0xFFFF  }
0x32a: {  	p0 =	sne.s32 s0, $0x0;
	s0 =	rddreg [dreg:$0x3]  }
0x32b: {  	s0 =	sadd.s32 @!p0 $0x100000, s0  }
0x32c: {  	[sflag:s0] =	ssyncadd.tile.s32 @!p0 $0x1;
	_ =	shalt  }
.Lfunc_end2:
_tile_overlayer_lowered:
.L_overlay_start_2:
0x32d: {  	(tag) =	ssettag $0x2  }
0x32e: {  	s0 =	rddreg [dreg:$0x0];
	s2 =	stileid.u32  }
0x32f: {  	s1 =	rddreg [dreg:$0x1];
	p0 =	sne.s32 s2, $0x0  }
0x330: {  	s3 =	rddreg [dreg:$0x2];
	[bflag:$0x3] =	sbarrier.arrive $0xFFFF;
	s2 =	simm.s32 @!p0 $0x1C11  }
0x331: {  	[timem:s3], [sflag:s2] =	dma.local @!p0 [hbm:s0], s1  }
0x332: {  	s0 =	simm.s32 @!p0 $0x11  }
0x333: {  	_ =	swait.ge @!p0 [sflag:s0], s1  }
0x334: {  	s1 =	ssub.s32 @!p0 $0x0, s1;
	[sflag:s0] =	ssyncset.done @!p0 $0x0  }
0x335: {  	[sflag:s0] =	ssyncadd.s32 @!p0 s1  }
0x336: {  	[bflag:$0x3] =	sbarrier.arrive $0xFFFF  }
0x337: {  	_ =	shalt  }

</sc_bundles>
